<compile_context>
chip_gen: v7x
topology: tpu7x:2x2x1
jax: 0.10.2.dev20260603
libtpu: 0.0.44.dev20260713+nightly
codegen_flags: <defaults>
</compile_context>

<pallas_src>
import functools

import jax
import jax.numpy as jnp
from jax import lax
from jax.experimental import pallas as pl
from jax.experimental.pallas import tpu as pltpu
from jax.experimental.pallas import tpu_sc as plsc

HIDDEN = 768
LANES = 16
KV = HIDDEN // LANES
SEQ = 200
BATCH = 1024
TOKENS = BATCH * SEQ
NC, NS = 2, 16
NW = NC * NS
TOK_W = TOKENS // NW
SEQ_W = TOK_W // SEQ
CHUNK = 40
NJ = SEQ // CHUNK
EPS = 1e-5


def _rsqrt16(v):
    i = plsc.bitcast(v, jnp.int32)
    i = jnp.int32(0x5F3759DF) - (i >> 1)
    y = plsc.bitcast(i, jnp.float32)
    for _ in range(3):
        y = y * (1.5 - 0.5 * v * y * y)
    return y


def _sc_embed(ids_ref, wemb_ref, pos_ref, typ_ref, gam_ref, bet_ref, out_ref,
              idx_v, bias_v, rows_v, typ_v, gam_v, bet_v, sem):
    c = lax.axis_index("c")
    s = lax.axis_index("s")
    wid = s * NC + c
    base_w = wid * TOK_W

    pltpu.sync_copy(ids_ref.at[pl.ds(base_w, TOK_W)], idx_v)
    pltpu.sync_copy(typ_ref, typ_v)
    pltpu.sync_copy(gam_ref, gam_v)
    pltpu.sync_copy(bet_ref, bet_v)

    def j_body(j, _):
        pltpu.sync_copy(pos_ref.at[pl.ds(j * CHUNK, CHUNK)], bias_v)

        def bias_body(r, _):
            for k in range(KV):
                sl = pl.ds(k * LANES, LANES)
                bias_v[r, sl] = bias_v[r, sl] + typ_v[0, sl]
            return 0

        lax.fori_loop(0, CHUNK, bias_body, 0)

        def s_body(sq, _):
            off = sq * SEQ + j * CHUNK
            pltpu.async_copy(
                wemb_ref.at[idx_v.at[pl.ds(off, CHUNK)]], rows_v, sem
            ).wait()

            def row_body(r, _):
                acc = jnp.zeros((LANES,), jnp.float32)
                acc2 = jnp.zeros((LANES,), jnp.float32)
                for k in range(KV):
                    sl = pl.ds(k * LANES, LANES)
                    x = rows_v[r, sl] + bias_v[r, sl]
                    rows_v[r, sl] = x
                    acc = acc + x
                    acc2 = acc2 + x * x
                tot = jnp.sum(acc)
                tot2 = jnp.sum(acc2)
                mean = tot * (1.0 / HIDDEN)
                var = tot2 * (1.0 / HIDDEN) - mean * mean
                rstd = _rsqrt16(jnp.full((LANES,), var + EPS, jnp.float32))
                mean_v = jnp.full((LANES,), mean, jnp.float32)
                for k in range(KV):
                    sl = pl.ds(k * LANES, LANES)
                    x = (rows_v[r, sl] - mean_v) * rstd
                    rows_v[r, sl] = x * gam_v[sl] + bet_v[sl]
                return 0

            lax.fori_loop(0, CHUNK, row_body, 0)
            pltpu.sync_copy(rows_v, out_ref.at[pl.ds(base_w + off, CHUNK)])
            return 0

        lax.fori_loop(0, SEQ_W, s_body, 0)
        return 0

    lax.fori_loop(0, NJ, j_body, 0)


@jax.jit
def _run(ids_flat, word_emb, pos_used, type_emb, ln_gamma, ln_beta):
    kern = functools.partial(
        pl.kernel,
        mesh=plsc.VectorSubcoreMesh(core_axis_name="c", subcore_axis_name="s"),
        compiler_params=pltpu.CompilerParams(needs_layout_passes=False),
        out_type=jax.ShapeDtypeStruct((TOKENS, HIDDEN), jnp.float32),
        scratch_types=[
            pltpu.VMEM((TOK_W,), jnp.int32),
            pltpu.VMEM((CHUNK, HIDDEN), jnp.float32),
            pltpu.VMEM((CHUNK, HIDDEN), jnp.float32),
            pltpu.VMEM((1, HIDDEN), jnp.float32),
            pltpu.VMEM((HIDDEN,), jnp.float32),
            pltpu.VMEM((HIDDEN,), jnp.float32),
            pltpu.SemaphoreType.DMA,
        ],
    )(_sc_embed)
    return kern(ids_flat, word_emb, pos_used, type_emb, ln_gamma, ln_beta)


def kernel(input_ids, word_emb, pos_emb, type_emb, ln_gamma, ln_beta):
    ids_flat = input_ids.reshape(TOKENS)
    pos_used = lax.slice_in_dim(pos_emb, 2, 2 + SEQ, axis=0)
    emb = _run(ids_flat, word_emb, pos_used, type_emb, ln_gamma, ln_beta)
    return (input_ids, emb.reshape(BATCH, SEQ, HIDDEN))

# --- scband reference (transcript-rebuilt; emitter-appended) ---
"""Pipeline reference for scband-ans-embedding-80247168959024 (READ-ONLY COPY).

The authoritative reference and input builder live on the scoring server;
editing this copy changes nothing except your own understanding.
"""

import jax, jax.numpy as jnp
import numpy as np

VOCAB = 64001
HIDDEN = 768
MAX_POS = 258
PAD_IDX = 1
BATCH = 1024
SEQ = 200
EPS = 1e-5

def setup_inputs(seed: int = 0) -> dict:
    key = jax.random.key(seed)
    k1, k2, k3, k4 = jax.random.split(key, 4)
    input_ids = jax.random.randint(k1, (BATCH, SEQ), 0, VOCAB, dtype=jnp.int64 if jax.config.jax_enable_x64 else jnp.int32).astype(jnp.int32)
    word_emb = jax.random.normal(k2, (VOCAB, HIDDEN), dtype=jnp.float32) * 0.02
    pos_emb = jax.random.normal(k3, (MAX_POS, HIDDEN), dtype=jnp.float32) * 0.02
    type_emb = jax.random.normal(k4, (1, HIDDEN), dtype=jnp.float32) * 0.02
    ln_gamma = jnp.ones((HIDDEN,), dtype=jnp.float32)
    ln_beta = jnp.zeros((HIDDEN,), dtype=jnp.float32)
    return {
        "input_ids": input_ids,
        "word_emb": word_emb,
        "pos_emb": pos_emb,
        "type_emb": type_emb,
        "ln_gamma": ln_gamma,
        "ln_beta": ln_beta,
    }

def reference(input_ids, word_emb, pos_emb, type_emb, ln_gamma, ln_beta):
    # Faithful RoBERTa/PhoBERT embeddings layer:
    #   word_embeddings(input_ids) + position_embeddings(pos_ids) + token_type_embeddings(0)
    #   followed by LayerNorm (dropout is identity in eval).
    B, L = input_ids.shape
    # RoBERTa position ids: padding_idx + 1 + offset (all tokens treated as non-pad here)
    position_ids = jnp.arange(L, dtype=jnp.int32) + PAD_IDX + 1
    w = jnp.take(word_emb, input_ids, axis=0)                 # [B, L, H] gather
    p = jnp.take(pos_emb, position_ids, axis=0)[None, :, :]   # [1, L, H]
    t = type_emb[0][None, None, :]                            # [1, 1, H]
    emb = w + p + t
    mean = jnp.mean(emb, axis=-1, keepdims=True)
    var = jnp.mean(jnp.square(emb - mean), axis=-1, keepdims=True)
    emb = (emb - mean) / jnp.sqrt(var + EPS)
    emb = emb * ln_gamma + ln_beta
    return (input_ids, emb)

if __name__ == "__main__":
    import jax
    _d = setup_inputs()
    print(jax.jit(kernel)(*tuple(_d.values())))

</pallas_src>

<mosaic_0001>
#map = affine_map<(d0, d1) -> (0)>
#map1 = affine_map<(d0, d1) -> (0, 0)>
module attributes {stable_mosaic.version = 14 : i64} {
  func.func @_sc_embed(%arg0: i32, %arg1: i32, %arg2: memref<204800xi32, #tpu.memory_space<hbm>>, %arg3: memref<64001x768xf32, #tpu.memory_space<hbm>>, %arg4: memref<200x768xf32, #tpu.memory_space<hbm>>, %arg5: memref<1x768xf32, #tpu.memory_space<hbm>>, %arg6: memref<768xf32, #tpu.memory_space<hbm>>, %arg7: memref<768xf32, #tpu.memory_space<hbm>>, %arg8: memref<204800x768xf32, #tpu.memory_space<hbm>>, %arg9: memref<6400xi32, #tpu.memory_space<vmem>>, %arg10: memref<40x768xf32, #tpu.memory_space<vmem>>, %arg11: memref<40x768xf32, #tpu.memory_space<vmem>>, %arg12: memref<1x768xf32, #tpu.memory_space<vmem>>, %arg13: memref<768xf32, #tpu.memory_space<vmem>>, %arg14: memref<768xf32, #tpu.memory_space<vmem>>, %arg15: memref<!tpu.dma_semaphore, #tpu.memory_space<semaphore_mem>>) attributes {dimension_semantics = [#tpu.dimension_semantics<core_parallel>, #tpu.dimension_semantics<subcore_parallel>], iteration_bounds = array<i64: 2, 16>, scalar_prefetch = 0 : i64, scratch_operands = 7 : i64, tpu.core_type = #tpu.core_type<sc_vector_subcore>, window_params = [{transform_indices = #map}, {transform_indices = #map1}, {transform_indices = #map1}, {transform_indices = #map1}, {transform_indices = #map}, {transform_indices = #map}, {transform_indices = #map1}]} {
    %mul3A = arith.constant 2 : i32
    %mul3A_0 = arith.muli %arg1, %mul3A : i32
    %add3A = arith.addi %mul3A_0, %arg0 : i32
    %mul3A_1 = arith.constant 6400 : i32
    %mul3A_2 = arith.muli %add3A, %mul3A_1 : i32
    "tpu.region"() ({
      %run_scoped3A = tpu.sem_alloc : memref<!tpu.dma_semaphore, #tpu.memory_space<semaphore_mem>>
      %dma_start3A = tpu.memref_slice %arg2[%mul3A_2] : memref<204800xi32, #tpu.memory_space<hbm>> -> memref<6400xi32, #tpu.memory_space<hbm>>
      %dma_start3A_9 = tpu.memref_slice %arg2[%mul3A_2] : memref<204800xi32, #tpu.memory_space<hbm>> -> memref<6400xi32, #tpu.memory_space<hbm>>
      tpu.enqueue_dma source(%dma_start3A_9 : memref<6400xi32, #tpu.memory_space<hbm>>) target(%arg9 : memref<6400xi32, #tpu.memory_space<vmem>>) target_semaphore(%run_scoped3A : memref<!tpu.dma_semaphore, #tpu.memory_space<semaphore_mem>>)
      %dma_wait3A = tpu.memref_slice %arg2[%mul3A_2] : memref<204800xi32, #tpu.memory_space<hbm>> -> memref<6400xi32, #tpu.memory_space<hbm>>
      %dma_wait3A_10 = tpu.memref_slice %arg2[%mul3A_2] : memref<204800xi32, #tpu.memory_space<hbm>> -> memref<6400xi32, #tpu.memory_space<hbm>>
      tpu.wait_dma2 semaphore(%run_scoped3A : memref<!tpu.dma_semaphore, #tpu.memory_space<semaphore_mem>>) src(%dma_wait3A_10 : memref<6400xi32, #tpu.memory_space<hbm>>) dst(%arg9 : memref<6400xi32, #tpu.memory_space<vmem>>)
      tpu.yield
    }) : () -> ()
    "tpu.region"() ({
      %run_scoped3A = tpu.sem_alloc : memref<!tpu.dma_semaphore, #tpu.memory_space<semaphore_mem>>
      tpu.enqueue_dma source(%arg5 : memref<1x768xf32, #tpu.memory_space<hbm>>) target(%arg12 : memref<1x768xf32, #tpu.memory_space<vmem>>) target_semaphore(%run_scoped3A : memref<!tpu.dma_semaphore, #tpu.memory_space<semaphore_mem>>)
      tpu.wait_dma2 semaphore(%run_scoped3A : memref<!tpu.dma_semaphore, #tpu.memory_space<semaphore_mem>>) src(%arg5 : memref<1x768xf32, #tpu.memory_space<hbm>>) dst(%arg12 : memref<1x768xf32, #tpu.memory_space<vmem>>)
      tpu.yield
    }) : () -> ()
    "tpu.region"() ({
      %run_scoped3A = tpu.sem_alloc : memref<!tpu.dma_semaphore, #tpu.memory_space<semaphore_mem>>
      tpu.enqueue_dma source(%arg6 : memref<768xf32, #tpu.memory_space<hbm>>) target(%arg13 : memref<768xf32, #tpu.memory_space<vmem>>) target_semaphore(%run_scoped3A : memref<!tpu.dma_semaphore, #tpu.memory_space<semaphore_mem>>)
      tpu.wait_dma2 semaphore(%run_scoped3A : memref<!tpu.dma_semaphore, #tpu.memory_space<semaphore_mem>>) src(%arg6 : memref<768xf32, #tpu.memory_space<hbm>>) dst(%arg13 : memref<768xf32, #tpu.memory_space<vmem>>)
      tpu.yield
    }) : () -> ()
    "tpu.region"() ({
      %run_scoped3A = tpu.sem_alloc : memref<!tpu.dma_semaphore, #tpu.memory_space<semaphore_mem>>
      tpu.enqueue_dma source(%arg7 : memref<768xf32, #tpu.memory_space<hbm>>) target(%arg14 : memref<768xf32, #tpu.memory_space<vmem>>) target_semaphore(%run_scoped3A : memref<!tpu.dma_semaphore, #tpu.memory_space<semaphore_mem>>)
      tpu.wait_dma2 semaphore(%run_scoped3A : memref<!tpu.dma_semaphore, #tpu.memory_space<semaphore_mem>>) src(%arg7 : memref<768xf32, #tpu.memory_space<hbm>>) dst(%arg14 : memref<768xf32, #tpu.memory_space<vmem>>)
      tpu.yield
    }) : () -> ()
    %scan3A = arith.constant 0 : i32
    %scan3A_3 = arith.constant 0 : i32
    %scan3A_4 = arith.constant 5 : i32
    %scan3A_5 = arith.addi %scan3A_3, %scan3A_4 : i32
    %scan3A_6 = arith.constant 1 : i32
    %scan3A_7 = scf.for %scan3A_9 = %scan3A_3 to %scan3A_5 step %scan3A_6 iter_args(%scan3A_10 = %scan3A) -> (i32)  : i32 {
      %mul3A_11 = arith.constant 40 : i32
      %mul3A_12 = arith.muli %scan3A_9, %mul3A_11 : i32
      "tpu.region"() ({
        %run_scoped3A = tpu.sem_alloc : memref<!tpu.dma_semaphore, #tpu.memory_space<semaphore_mem>>
        %dma_start3A = arith.constant 0 : i32
        %dma_start3A_28 = tpu.memref_slice %arg4[%mul3A_12, %dma_start3A] : memref<200x768xf32, #tpu.memory_space<hbm>> -> memref<40x768xf32, #tpu.memory_space<hbm>>
        %dma_start3A_29 = arith.constant 0 : i32
        %dma_start3A_30 = tpu.memref_slice %arg4[%mul3A_12, %dma_start3A_29] : memref<200x768xf32, #tpu.memory_space<hbm>> -> memref<40x768xf32, #tpu.memory_space<hbm>>
        tpu.enqueue_dma source(%dma_start3A_30 : memref<40x768xf32, #tpu.memory_space<hbm>>) target(%arg10 : memref<40x768xf32, #tpu.memory_space<vmem>>) target_semaphore(%run_scoped3A : memref<!tpu.dma_semaphore, #tpu.memory_space<semaphore_mem>>)
        %dma_wait3A = arith.constant 0 : i32
        %dma_wait3A_31 = tpu.memref_slice %arg4[%mul3A_12, %dma_wait3A] : memref<200x768xf32, #tpu.memory_space<hbm>> -> memref<40x768xf32, #tpu.memory_space<hbm>>
        %dma_wait3A_32 = arith.constant 0 : i32
        %dma_wait3A_33 = tpu.memref_slice %arg4[%mul3A_12, %dma_wait3A_32] : memref<200x768xf32, #tpu.memory_space<hbm>> -> memref<40x768xf32, #tpu.memory_space<hbm>>
        tpu.wait_dma2 semaphore(%run_scoped3A : memref<!tpu.dma_semaphore, #tpu.memory_space<semaphore_mem>>) src(%dma_wait3A_33 : memref<40x768xf32, #tpu.memory_space<hbm>>) dst(%arg10 : memref<40x768xf32, #tpu.memory_space<vmem>>)
        tpu.yield
      }) : () -> ()
      %scan3A_13 = arith.constant 0 : i32
      %scan3A_14 = arith.constant 0 : i32
      %scan3A_15 = arith.constant 40 : i32
      %scan3A_16 = arith.addi %scan3A_14, %scan3A_15 : i32
      %scan3A_17 = arith.constant 1 : i32
      %scan3A_18 = scf.for %scan3A_28 = %scan3A_14 to %scan3A_16 step %scan3A_17 iter_args(%scan3A_29 = %scan3A_13) -> (i32)  : i32 {
        %get3A = arith.index_cast %scan3A_28 : i32 to index
        %get3A_30 = arith.constant 0 : index
        %get3A_31 = tpu.vector_load %arg10[%get3A, %get3A_30] {strides = array<i32>} : memref<40x768xf32, #tpu.memory_space<vmem>>, vector<16xf32>,
        %get3A_32 = arith.constant 0 : i32
        %get3A_33 = arith.index_cast %get3A_32 : i32 to index
        %get3A_34 = arith.constant 0 : index
        %get3A_35 = tpu.vector_load %arg12[%get3A_33, %get3A_34] {strides = array<i32>} : memref<1x768xf32, #tpu.memory_space<vmem>>, vector<16xf32>,
        %add3A_36 = arith.addf %get3A_31, %get3A_35 : vector<16xf32>
        %swap3A = arith.index_cast %scan3A_28 : i32 to index
        %swap3A_37 = arith.constant 0 : index
        %swap3A_38 = tpu.vector_load %arg10[%swap3A, %swap3A_37] {strides = array<i32>} : memref<40x768xf32, #tpu.memory_space<vmem>>, vector<16xf32>,
        tpu.vector_store %arg10[%swap3A, %swap3A_37], %add3A_36 {strides = array<i32>} : memref<40x768xf32, #tpu.memory_space<vmem>>, vector<16xf32>,
        %get3A_39 = arith.index_cast %scan3A_28 : i32 to index
        %get3A_40 = arith.constant 16 : index
        %get3A_41 = tpu.vector_load %arg10[%get3A_39, %get3A_40] {strides = array<i32>} : memref<40x768xf32, #tpu.memory_space<vmem>>, vector<16xf32>,
        %get3A_42 = arith.constant 0 : i32
        %get3A_43 = arith.index_cast %get3A_42 : i32 to index
        %get3A_44 = arith.constant 16 : index
        %get3A_45 = tpu.vector_load %arg12[%get3A_43, %get3A_44] {strides = array<i32>} : memref<1x768xf32, #tpu.memory_space<vmem>>, vector<16xf32>,
        %add3A_46 = arith.addf %get3A_41, %get3A_45 : vector<16xf32>
        %swap3A_47 = arith.index_cast %scan3A_28 : i32 to index
        %swap3A_48 = arith.constant 16 : index
        %swap3A_49 = tpu.vector_load %arg10[%swap3A_47, %swap3A_48] {strides = array<i32>} : memref<40x768xf32, #tpu.memory_space<vmem>>, vector<16xf32>,
        tpu.vector_store %arg10[%swap3A_47, %swap3A_48], %add3A_46 {strides = array<i32>} : memref<40x768xf32, #tpu.memory_space<vmem>>, vector<16xf32>,
        %get3A_50 = arith.index_cast %scan3A_28 : i32 to index
        %get3A_51 = arith.constant 32 : index
        %get3A_52 = tpu.vector_load %arg10[%get3A_50, %get3A_51] {strides = array<i32>} : memref<40x768xf32, #tpu.memory_space<vmem>>, vector<16xf32>,
        %get3A_53 = arith.constant 0 : i32
        %get3A_54 = arith.index_cast %get3A_53 : i32 to index
        %get3A_55 = arith.constant 32 : index
        %get3A_56 = tpu.vector_load %arg12[%get3A_54, %get3A_55] {strides = array<i32>} : memref<1x768xf32, #tpu.memory_space<vmem>>, vector<16xf32>,
        %add3A_57 = arith.addf %get3A_52, %get3A_56 : vector<16xf32>
        %swap3A_58 = arith.index_cast %scan3A_28 : i32 to index
        %swap3A_59 = arith.constant 32 : index
        %swap3A_60 = tpu.vector_load %arg10[%swap3A_58, %swap3A_59] {strides = array<i32>} : memref<40x768xf32, #tpu.memory_space<vmem>>, vector<16xf32>,
        tpu.vector_store %arg10[%swap3A_58, %swap3A_59], %add3A_57 {strides = array<i32>} : memref<40x768xf32, #tpu.memory_space<vmem>>, vector<16xf32>,
        %get3A_61 = arith.index_cast %scan3A_28 : i32 to index
        %get3A_62 = arith.constant 48 : index
        %get3A_63 = tpu.vector_load %arg10[%get3A_61, %get3A_62] {strides = array<i32>} : memref<40x768xf32, #tpu.memory_space<vmem>>, vector<16xf32>,
        %get3A_64 = arith.constant 0 : i32
        %get3A_65 = arith.index_cast %get3A_64 : i32 to index
        %get3A_66 = arith.constant 48 : index
        %get3A_67 = tpu.vector_load %arg12[%get3A_65, %get3A_66] {strides = array<i32>} : memref<1x768xf32, #tpu.memory_space<vmem>>, vector<16xf32>,
        %add3A_68 = arith.addf %get3A_63, %get3A_67 : vector<16xf32>
        %swap3A_69 = arith.index_cast %scan3A_28 : i32 to index
        %swap3A_70 = arith.constant 48 : index
        %swap3A_71 = tpu.vector_load %arg10[%swap3A_69, %swap3A_70] {strides = array<i32>} : memref<40x768xf32, #tpu.memory_space<vmem>>, vector<16xf32>,
        tpu.vector_store %arg10[%swap3A_69, %swap3A_70], %add3A_68 {strides = array<i32>} : memref<40x768xf32, #tpu.memory_space<vmem>>, vector<16xf32>,
        %get3A_72 = arith.index_cast %scan3A_28 : i32 to index
        %get3A_73 = arith.constant 64 : index
        %get3A_74 = tpu.vector_load %arg10[%get3A_72, %get3A_73] {strides = array<i32>} : memref<40x768xf32, #tpu.memory_space<vmem>>, vector<16xf32>,
        %get3A_75 = arith.constant 0 : i32
        %get3A_76 = arith.index_cast %get3A_75 : i32 to index
        %get3A_77 = arith.constant 64 : index
        %get3A_78 = tpu.vector_load %arg12[%get3A_76, %get3A_77] {strides = array<i32>} : memref<1x768xf32, #tpu.memory_space<vmem>>, vector<16xf32>,
        %add3A_79 = arith.addf %get3A_74, %get3A_78 : vector<16xf32>
        %swap3A_80 = arith.index_cast %scan3A_28 : i32 to index
        %swap3A_81 = arith.constant 64 : index
        %swap3A_82 = tpu.vector_load %arg10[%swap3A_80, %swap3A_81] {strides = array<i32>} : memref<40x768xf32, #tpu.memory_space<vmem>>, vector<16xf32>,
        tpu.vector_store %arg10[%swap3A_80, %swap3A_81], %add3A_79 {strides = array<i32>} : memref<40x768xf32, #tpu.memory_space<vmem>>, vector<16xf32>,
        %get3A_83 = arith.index_cast %scan3A_28 : i32 to index
        %get3A_84 = arith.constant 80 : index
        %get3A_85 = tpu.vector_load %arg10[%get3A_83, %get3A_84] {strides = array<i32>} : memref<40x768xf32, #tpu.memory_space<vmem>>, vector<16xf32>,
        %get3A_86 = arith.constant 0 : i32
        %get3A_87 = arith.index_cast %get3A_86 : i32 to index
        %get3A_88 = arith.constant 80 : index
        %get3A_89 = tpu.vector_load %arg12[%get3A_87, %get3A_88] {strides = array<i32>} : memref<1x768xf32, #tpu.memory_space<vmem>>, vector<16xf32>,
        %add3A_90 = arith.addf %get3A_85, %get3A_89 : vector<16xf32>
        %swap3A_91 = arith.index_cast %scan3A_28 : i32 to index
        %swap3A_92 = arith.constant 80 : index
        %swap3A_93 = tpu.vector_load %arg10[%swap3A_91, %swap3A_92] {strides = array<i32>} : memref<40x768xf32, #tpu.memory_space<vmem>>, vector<16xf32>,
        tpu.vector_store %arg10[%swap3A_91, %swap3A_92], %add3A_90 {strides = array<i32>} : memref<40x768xf32, #tpu.memory_space<vmem>>, vector<16xf32>,
        %get3A_94 = arith.index_cast %scan3A_28 : i32 to index
        %get3A_95 = arith.constant 96 : index
        %get3A_96 = tpu.vector_load %arg10[%get3A_94, %get3A_95] {strides = array<i32>} : memref<40x768xf32, #tpu.memory_space<vmem>>, vector<16xf32>,
        %get3A_97 = arith.constant 0 : i32
        %get3A_98 = arith.index_cast %get3A_97 : i32 to index
        %get3A_99 = arith.constant 96 : index
        %get3A_100 = tpu.vector_load %arg12[%get3A_98, %get3A_99] {strides = array<i32>} : memref<1x768xf32, #tpu.memory_space<vmem>>, vector<16xf32>,
        %add3A_101 = arith.addf %get3A_96, %get3A_100 : vector<16xf32>
        %swap3A_102 = arith.index_cast %scan3A_28 : i32 to index
        %swap3A_103 = arith.constant 96 : index
        %swap3A_104 = tpu.vector_load %arg10[%swap3A_102, %swap3A_103] {strides = array<i32>} : memref<40x768xf32, #tpu.memory_space<vmem>>, vector<16xf32>,
        tpu.vector_store %arg10[%swap3A_102, %swap3A_103], %add3A_101 {strides = array<i32>} : memref<40x768xf32, #tpu.memory_space<vmem>>, vector<16xf32>,
        %get3A_105 = arith.index_cast %scan3A_28 : i32 to index
        %get3A_106 = arith.constant 112 : index
        %get3A_107 = tpu.vector_load %arg10[%get3A_105, %get3A_106] {strides = array<i32>} : memref<40x768xf32, #tpu.memory_space<vmem>>, vector<16xf32>,
        %get3A_108 = arith.constant 0 : i32
        %get3A_109 = arith.index_cast %get3A_108 : i32 to index
        %get3A_110 = arith.constant 112 : index
        %get3A_111 = tpu.vector_load %arg12[%get3A_109, %get3A_110] {strides = array<i32>} : memref<1x768xf32, #tpu.memory_space<vmem>>, vector<16xf32>,
        %add3A_112 = arith.addf %get3A_107, %get3A_111 : vector<16xf32>
        %swap3A_113 = arith.index_cast %scan3A_28 : i32 to index
        %swap3A_114 = arith.constant 112 : index
        %swap3A_115 = tpu.vector_load %arg10[%swap3A_113, %swap3A_114] {strides = array<i32>} : memref<40x768xf32, #tpu.memory_space<vmem>>, vector<16xf32>,
        tpu.vector_store %arg10[%swap3A_113, %swap3A_114], %add3A_112 {strides = array<i32>} : memref<40x768xf32, #tpu.memory_space<vmem>>, vector<16xf32>,
        %get3A_116 = arith.index_cast %scan3A_28 : i32 to index
        %get3A_117 = arith.constant 128 : index
        %get3A_118 = tpu.vector_load %arg10[%get3A_116, %get3A_117] {strides = array<i32>} : memref<40x768xf32, #tpu.memory_space<vmem>>, vector<16xf32>,
        %get3A_119 = arith.constant 0 : i32
        %get3A_120 = arith.index_cast %get3A_119 : i32 to index
        %get3A_121 = arith.constant 128 : index
        %get3A_122 = tpu.vector_load %arg12[%get3A_120, %get3A_121] {strides = array<i32>} : memref<1x768xf32, #tpu.memory_space<vmem>>, vector<16xf32>,
        %add3A_123 = arith.addf %get3A_118, %get3A_122 : vector<16xf32>
        %swap3A_124 = arith.index_cast %scan3A_28 : i32 to index
        %swap3A_125 = arith.constant 128 : index
        %swap3A_126 = tpu.vector_load %arg10[%swap3A_124, %swap3A_125] {strides = array<i32>} : memref<40x768xf32, #tpu.memory_space<vmem>>, vector<16xf32>,
        tpu.vector_store %arg10[%swap3A_124, %swap3A_125], %add3A_123 {strides = array<i32>} : memref<40x768xf32, #tpu.memory_space<vmem>>, vector<16xf32>,
        %get3A_127 = arith.index_cast %scan3A_28 : i32 to index
        %get3A_128 = arith.constant 144 : index
        %get3A_129 = tpu.vector_load %arg10[%get3A_127, %get3A_128] {strides = array<i32>} : memref<40x768xf32, #tpu.memory_space<vmem>>, vector<16xf32>,
        %get3A_130 = arith.constant 0 : i32
        %get3A_131 = arith.index_cast %get3A_130 : i32 to index
        %get3A_132 = arith.constant 144 : index
        %get3A_133 = tpu.vector_load %arg12[%get3A_131, %get3A_132] {strides = array<i32>} : memref<1x768xf32, #tpu.memory_space<vmem>>, vector<16xf32>,
        %add3A_134 = arith.addf %get3A_129, %get3A_133 : vector<16xf32>
        %swap3A_135 = arith.index_cast %scan3A_28 : i32 to index
        %swap3A_136 = arith.constant 144 : index
        %swap3A_137 = tpu.vector_load %arg10[%swap3A_135, %swap3A_136] {strides = array<i32>} : memref<40x768xf32, #tpu.memory_space<vmem>>, vector<16xf32>,
        tpu.vector_store %arg10[%swap3A_135, %swap3A_136], %add3A_134 {strides = array<i32>} : memref<40x768xf32, #tpu.memory_space<vmem>>, vector<16xf32>,
        %get3A_138 = arith.index_cast %scan3A_28 : i32 to index
        %get3A_139 = arith.constant 160 : index
        %get3A_140 = tpu.vector_load %arg10[%get3A_138, %get3A_139] {strides = array<i32>} : memref<40x768xf32, #tpu.memory_space<vmem>>, vector<16xf32>,
        %get3A_141 = arith.constant 0 : i32
        %get3A_142 = arith.index_cast %get3A_141 : i32 to index
        %get3A_143 = arith.constant 160 : index
        %get3A_144 = tpu.vector_load %arg12[%get3A_142, %get3A_143] {strides = array<i32>} : memref<1x768xf32, #tpu.memory_space<vmem>>, vector<16xf32>,
        %add3A_145 = arith.addf %get3A_140, %get3A_144 : vector<16xf32>
        %swap3A_146 = arith.index_cast %scan3A_28 : i32 to index
        %swap3A_147 = arith.constant 160 : index
        %swap3A_148 = tpu.vector_load %arg10[%swap3A_146, %swap3A_147] {strides = array<i32>} : memref<40x768xf32, #tpu.memory_space<vmem>>, vector<16xf32>,
        tpu.vector_store %arg10[%swap3A_146, %swap3A_147], %add3A_145 {strides = array<i32>} : memref<40x768xf32, #tpu.memory_space<vmem>>, vector<16xf32>,
        %get3A_149 = arith.index_cast %scan3A_28 : i32 to index
        %get3A_150 = arith.constant 176 : index
        %get3A_151 = tpu.vector_load %arg10[%get3A_149, %get3A_150] {strides = array<i32>} : memref<40x768xf32, #tpu.memory_space<vmem>>, vector<16xf32>,
        %get3A_152 = arith.constant 0 : i32
        %get3A_153 = arith.index_cast %get3A_152 : i32 to index
        %get3A_154 = arith.constant 176 : index
        %get3A_155 = tpu.vector_load %arg12[%get3A_153, %get3A_154] {strides = array<i32>} : memref<1x768xf32, #tpu.memory_space<vmem>>, vector<16xf32>,
        %add3A_156 = arith.addf %get3A_151, %get3A_155 : vector<16xf32>
        %swap3A_157 = arith.index_cast %scan3A_28 : i32 to index
        %swap3A_158 = arith.constant 176 : index
        %swap3A_159 = tpu.vector_load %arg10[%swap3A_157, %swap3A_158] {strides = array<i32>} : memref<40x768xf32, #tpu.memory_space<vmem>>, vector<16xf32>,
        tpu.vector_store %arg10[%swap3A_157, %swap3A_158], %add3A_156 {strides = array<i32>} : memref<40x768xf32, #tpu.memory_space<vmem>>, vector<16xf32>,
        %get3A_160 = arith.index_cast %scan3A_28 : i32 to index
        %get3A_161 = arith.constant 192 : index
        %get3A_162 = tpu.vector_load %arg10[%get3A_160, %get3A_161] {strides = array<i32>} : memref<40x768xf32, #tpu.memory_space<vmem>>, vector<16xf32>,
        %get3A_163 = arith.constant 0 : i32
        %get3A_164 = arith.index_cast %get3A_163 : i32 to index
        %get3A_165 = arith.constant 192 : index
        %get3A_166 = tpu.vector_load %arg12[%get3A_164, %get3A_165] {strides = array<i32>} : memref<1x768xf32, #tpu.memory_space<vmem>>, vector<16xf32>,
        %add3A_167 = arith.addf %get3A_162, %get3A_166 : vector<16xf32>
        %swap3A_168 = arith.index_cast %scan3A_28 : i32 to index
        %swap3A_169 = arith.constant 192 : index
        %swap3A_170 = tpu.vector_load %arg10[%swap3A_168, %swap3A_169] {strides = array<i32>} : memref<40x768xf32, #tpu.memory_space<vmem>>, vector<16xf32>,
        tpu.vector_store %arg10[%swap3A_168, %swap3A_169], %add3A_167 {strides = array<i32>} : memref<40x768xf32, #tpu.memory_space<vmem>>, vector<16xf32>,
        %get3A_171 = arith.index_cast %scan3A_28 : i32 to index
        %get3A_172 = arith.constant 208 : index
        %get3A_173 = tpu.vector_load %arg10[%get3A_171, %get3A_172] {strides = array<i32>} : memref<40x768xf32, #tpu.memory_space<vmem>>, vector<16xf32>,
        %get3A_174 = arith.constant 0 : i32
        %get3A_175 = arith.index_cast %get3A_174 : i32 to index
        %get3A_176 = arith.constant 208 : index
        %get3A_177 = tpu.vector_load %arg12[%get3A_175, %get3A_176] {strides = array<i32>} : memref<1x768xf32, #tpu.memory_space<vmem>>, vector<16xf32>,
        %add3A_178 = arith.addf %get3A_173, %get3A_177 : vector<16xf32>
        %swap3A_179 = arith.index_cast %scan3A_28 : i32 to index
        %swap3A_180 = arith.constant 208 : index
        %swap3A_181 = tpu.vector_load %arg10[%swap3A_179, %swap3A_180] {strides = array<i32>} : memref<40x768xf32, #tpu.memory_space<vmem>>, vector<16xf32>,
        tpu.vector_store %arg10[%swap3A_179, %swap3A_180], %add3A_178 {strides = array<i32>} : memref<40x768xf32, #tpu.memory_space<vmem>>, vector<16xf32>,
        %get3A_182 = arith.index_cast %scan3A_28 : i32 to index
        %get3A_183 = arith.constant 224 : index
        %get3A_184 = tpu.vector_load %arg10[%get3A_182, %get3A_183] {strides = array<i32>} : memref<40x768xf32, #tpu.memory_space<vmem>>, vector<16xf32>,
        %get3A_185 = arith.constant 0 : i32
        %get3A_186 = arith.index_cast %get3A_185 : i32 to index
        %get3A_187 = arith.constant 224 : index
        %get3A_188 = tpu.vector_load %arg12[%get3A_186, %get3A_187] {strides = array<i32>} : memref<1x768xf32, #tpu.memory_space<vmem>>, vector<16xf32>,
        %add3A_189 = arith.addf %get3A_184, %get3A_188 : vector<16xf32>
        %swap3A_190 = arith.index_cast %scan3A_28 : i32 to index
        %swap3A_191 = arith.constant 224 : index
        %swap3A_192 = tpu.vector_load %arg10[%swap3A_190, %swap3A_191] {strides = array<i32>} : memref<40x768xf32, #tpu.memory_space<vmem>>, vector<16xf32>,
        tpu.vector_store %arg10[%swap3A_190, %swap3A_191], %add3A_189 {strides = array<i32>} : memref<40x768xf32, #tpu.memory_space<vmem>>, vector<16xf32>,
        %get3A_193 = arith.index_cast %scan3A_28 : i32 to index
        %get3A_194 = arith.constant 240 : index
        %get3A_195 = tpu.vector_load %arg10[%get3A_193, %get3A_194] {strides = array<i32>} : memref<40x768xf32, #tpu.memory_space<vmem>>, vector<16xf32>,
        %get3A_196 = arith.constant 0 : i32
        %get3A_197 = arith.index_cast %get3A_196 : i32 to index
        %get3A_198 = arith.constant 240 : index
        %get3A_199 = tpu.vector_load %arg12[%get3A_197, %get3A_198] {strides = array<i32>} : memref<1x768xf32, #tpu.memory_space<vmem>>, vector<16xf32>,
        %add3A_200 = arith.addf %get3A_195, %get3A_199 : vector<16xf32>
        %swap3A_201 = arith.index_cast %scan3A_28 : i32 to index
        %swap3A_202 = arith.constant 240 : index
        %swap3A_203 = tpu.vector_load %arg10[%swap3A_201, %swap3A_202] {strides = array<i32>} : memref<40x768xf32, #tpu.memory_space<vmem>>, vector<16xf32>,
        tpu.vector_store %arg10[%swap3A_201, %swap3A_202], %add3A_200 {strides = array<i32>} : memref<40x768xf32, #tpu.memory_space<vmem>>, vector<16xf32>,
        %get3A_204 = arith.index_cast %scan3A_28 : i32 to index
        %get3A_205 = arith.constant 256 : index
        %get3A_206 = tpu.vector_load %arg10[%get3A_204, %get3A_205] {strides = array<i32>} : memref<40x768xf32, #tpu.memory_space<vmem>>, vector<16xf32>,
        %get3A_207 = arith.constant 0 : i32
        %get3A_208 = arith.index_cast %get3A_207 : i32 to index
        %get3A_209 = arith.constant 256 : index
        %get3A_210 = tpu.vector_load %arg12[%get3A_208, %get3A_209] {strides = array<i32>} : memref<1x768xf32, #tpu.memory_space<vmem>>, vector<16xf32>,
        %add3A_211 = arith.addf %get3A_206, %get3A_210 : vector<16xf32>
        %swap3A_212 = arith.index_cast %scan3A_28 : i32 to index
        %swap3A_213 = arith.constant 256 : index
        %swap3A_214 = tpu.vector_load %arg10[%swap3A_212, %swap3A_213] {strides = array<i32>} : memref<40x768xf32, #tpu.memory_space<vmem>>, vector<16xf32>,
        tpu.vector_store %arg10[%swap3A_212, %swap3A_213], %add3A_211 {strides = array<i32>} : memref<40x768xf32, #tpu.memory_space<vmem>>, vector<16xf32>,
        %get3A_215 = arith.index_cast %scan3A_28 : i32 to index
        %get3A_216 = arith.constant 272 : index
        %get3A_217 = tpu.vector_load %arg10[%get3A_215, %get3A_216] {strides = array<i32>} : memref<40x768xf32, #tpu.memory_space<vmem>>, vector<16xf32>,
        %get3A_218 = arith.constant 0 : i32
        %get3A_219 = arith.index_cast %get3A_218 : i32 to index
        %get3A_220 = arith.constant 272 : index
        %get3A_221 = tpu.vector_load %arg12[%get3A_219, %get3A_220] {strides = array<i32>} : memref<1x768xf32, #tpu.memory_space<vmem>>, vector<16xf32>,
        %add3A_222 = arith.addf %get3A_217, %get3A_221 : vector<16xf32>
        %swap3A_223 = arith.index_cast %scan3A_28 : i32 to index
        %swap3A_224 = arith.constant 272 : index
        %swap3A_225 = tpu.vector_load %arg10[%swap3A_223, %swap3A_224] {strides = array<i32>} : memref<40x768xf32, #tpu.memory_space<vmem>>, vector<16xf32>,
        tpu.vector_store %arg10[%swap3A_223, %swap3A_224], %add3A_222 {strides = array<i32>} : memref<40x768xf32, #tpu.memory_space<vmem>>, vector<16xf32>,
        %get3A_226 = arith.index_cast %scan3A_28 : i32 to index
        %get3A_227 = arith.constant 288 : index
        %get3A_228 = tpu.vector_load %arg10[%get3A_226, %get3A_227] {strides = array<i32>} : memref<40x768xf32, #tpu.memory_space<vmem>>, vector<16xf32>,
        %get3A_229 = arith.constant 0 : i32
        %get3A_230 = arith.index_cast %get3A_229 : i32 to index
        %get3A_231 = arith.constant 288 : index
        %get3A_232 = tpu.vector_load %arg12[%get3A_230, %get3A_231] {strides = array<i32>} : memref<1x768xf32, #tpu.memory_space<vmem>>, vector<16xf32>,
        %add3A_233 = arith.addf %get3A_228, %get3A_232 : vector<16xf32>
        %swap3A_234 = arith.index_cast %scan3A_28 : i32 to index
        %swap3A_235 = arith.constant 288 : index
        %swap3A_236 = tpu.vector_load %arg10[%swap3A_234, %swap3A_235] {strides = array<i32>} : memref<40x768xf32, #tpu.memory_space<vmem>>, vector<16xf32>,
        tpu.vector_store %arg10[%swap3A_234, %swap3A_235], %add3A_233 {strides = array<i32>} : memref<40x768xf32, #tpu.memory_space<vmem>>, vector<16xf32>,
        %get3A_237 = arith.index_cast %scan3A_28 : i32 to index
        %get3A_238 = arith.constant 304 : index
        %get3A_239 = tpu.vector_load %arg10[%get3A_237, %get3A_238] {strides = array<i32>} : memref<40x768xf32, #tpu.memory_space<vmem>>, vector<16xf32>,
        %get3A_240 = arith.constant 0 : i32
        %get3A_241 = arith.index_cast %get3A_240 : i32 to index
        %get3A_242 = arith.constant 304 : index
        %get3A_243 = tpu.vector_load %arg12[%get3A_241, %get3A_242] {strides = array<i32>} : memref<1x768xf32, #tpu.memory_space<vmem>>, vector<16xf32>,
        %add3A_244 = arith.addf %get3A_239, %get3A_243 : vector<16xf32>
        %swap3A_245 = arith.index_cast %scan3A_28 : i32 to index
        %swap3A_246 = arith.constant 304 : index
        %swap3A_247 = tpu.vector_load %arg10[%swap3A_245, %swap3A_246] {strides = array<i32>} : memref<40x768xf32, #tpu.memory_space<vmem>>, vector<16xf32>,
        tpu.vector_store %arg10[%swap3A_245, %swap3A_246], %add3A_244 {strides = array<i32>} : memref<40x768xf32, #tpu.memory_space<vmem>>, vector<16xf32>,
        %get3A_248 = arith.index_cast %scan3A_28 : i32 to index
        %get3A_249 = arith.constant 320 : index
        %get3A_250 = tpu.vector_load %arg10[%get3A_248, %get3A_249] {strides = array<i32>} : memref<40x768xf32, #tpu.memory_space<vmem>>, vector<16xf32>,
        %get3A_251 = arith.constant 0 : i32
        %get3A_252 = arith.index_cast %get3A_251 : i32 to index
        %get3A_253 = arith.constant 320 : index
        %get3A_254 = tpu.vector_load %arg12[%get3A_252, %get3A_253] {strides = array<i32>} : memref<1x768xf32, #tpu.memory_space<vmem>>, vector<16xf32>,
        %add3A_255 = arith.addf %get3A_250, %get3A_254 : vector<16xf32>
        %swap3A_256 = arith.index_cast %scan3A_28 : i32 to index
        %swap3A_257 = arith.constant 320 : index
        %swap3A_258 = tpu.vector_load %arg10[%swap3A_256, %swap3A_257] {strides = array<i32>} : memref<40x768xf32, #tpu.memory_space<vmem>>, vector<16xf32>,
        tpu.vector_store %arg10[%swap3A_256, %swap3A_257], %add3A_255 {strides = array<i32>} : memref<40x768xf32, #tpu.memory_space<vmem>>, vector<16xf32>,
        %get3A_259 = arith.index_cast %scan3A_28 : i32 to index
        %get3A_260 = arith.constant 336 : index
        %get3A_261 = tpu.vector_load %arg10[%get3A_259, %get3A_260] {strides = array<i32>} : memref<40x768xf32, #tpu.memory_space<vmem>>, vector<16xf32>,
        %get3A_262 = arith.constant 0 : i32
        %get3A_263 = arith.index_cast %get3A_262 : i32 to index
        %get3A_264 = arith.constant 336 : index
        %get3A_265 = tpu.vector_load %arg12[%get3A_263, %get3A_264] {strides = array<i32>} : memref<1x768xf32, #tpu.memory_space<vmem>>, vector<16xf32>,
        %add3A_266 = arith.addf %get3A_261, %get3A_265 : vector<16xf32>
        %swap3A_267 = arith.index_cast %scan3A_28 : i32 to index
        %swap3A_268 = arith.constant 336 : index
        %swap3A_269 = tpu.vector_load %arg10[%swap3A_267, %swap3A_268] {strides = array<i32>} : memref<40x768xf32, #tpu.memory_space<vmem>>, vector<16xf32>,
        tpu.vector_store %arg10[%swap3A_267, %swap3A_268], %add3A_266 {strides = array<i32>} : memref<40x768xf32, #tpu.memory_space<vmem>>, vector<16xf32>,
        %get3A_270 = arith.index_cast %scan3A_28 : i32 to index
        %get3A_271 = arith.constant 352 : index
        %get3A_272 = tpu.vector_load %arg10[%get3A_270, %get3A_271] {strides = array<i32>} : memref<40x768xf32, #tpu.memory_space<vmem>>, vector<16xf32>,
        %get3A_273 = arith.constant 0 : i32
        %get3A_274 = arith.index_cast %get3A_273 : i32 to index
        %get3A_275 = arith.constant 352 : index
        %get3A_276 = tpu.vector_load %arg12[%get3A_274, %get3A_275] {strides = array<i32>} : memref<1x768xf32, #tpu.memory_space<vmem>>, vector<16xf32>,
        %add3A_277 = arith.addf %get3A_272, %get3A_276 : vector<16xf32>
        %swap3A_278 = arith.index_cast %scan3A_28 : i32 to index
        %swap3A_279 = arith.constant 352 : index
        %swap3A_280 = tpu.vector_load %arg10[%swap3A_278, %swap3A_279] {strides = array<i32>} : memref<40x768xf32, #tpu.memory_space<vmem>>, vector<16xf32>,
        tpu.vector_store %arg10[%swap3A_278, %swap3A_279], %add3A_277 {strides = array<i32>} : memref<40x768xf32, #tpu.memory_space<vmem>>, vector<16xf32>,
        %get3A_281 = arith.index_cast %scan3A_28 : i32 to index
        %get3A_282 = arith.constant 368 : index
        %get3A_283 = tpu.vector_load %arg10[%get3A_281, %get3A_282] {strides = array<i32>} : memref<40x768xf32, #tpu.memory_space<vmem>>, vector<16xf32>,
        %get3A_284 = arith.constant 0 : i32
        %get3A_285 = arith.index_cast %get3A_284 : i32 to index
        %get3A_286 = arith.constant 368 : index
        %get3A_287 = tpu.vector_load %arg12[%get3A_285, %get3A_286] {strides = array<i32>} : memref<1x768xf32, #tpu.memory_space<vmem>>, vector<16xf32>,
        %add3A_288 = arith.addf %get3A_283, %get3A_287 : vector<16xf32>
        %swap3A_289 = arith.index_cast %scan3A_28 : i32 to index
        %swap3A_290 = arith.constant 368 : index
        %swap3A_291 = tpu.vector_load %arg10[%swap3A_289, %swap3A_290] {strides = array<i32>} : memref<40x768xf32, #tpu.memory_space<vmem>>, vector<16xf32>,
        tpu.vector_store %arg10[%swap3A_289, %swap3A_290], %add3A_288 {strides = array<i32>} : memref<40x768xf32, #tpu.memory_space<vmem>>, vector<16xf32>,
        %get3A_292 = arith.index_cast %scan3A_28 : i32 to index
        %get3A_293 = arith.constant 384 : index
        %get3A_294 = tpu.vector_load %arg10[%get3A_292, %get3A_293] {strides = array<i32>} : memref<40x768xf32, #tpu.memory_space<vmem>>, vector<16xf32>,
        %get3A_295 = arith.constant 0 : i32
        %get3A_296 = arith.index_cast %get3A_295 : i32 to index
        %get3A_297 = arith.constant 384 : index
        %get3A_298 = tpu.vector_load %arg12[%get3A_296, %get3A_297] {strides = array<i32>} : memref<1x768xf32, #tpu.memory_space<vmem>>, vector<16xf32>,
        %add3A_299 = arith.addf %get3A_294, %get3A_298 : vector<16xf32>
        %swap3A_300 = arith.index_cast %scan3A_28 : i32 to index
        %swap3A_301 = arith.constant 384 : index
        %swap3A_302 = tpu.vector_load %arg10[%swap3A_300, %swap3A_301] {strides = array<i32>} : memref<40x768xf32, #tpu.memory_space<vmem>>, vector<16xf32>,
        tpu.vector_store %arg10[%swap3A_300, %swap3A_301], %add3A_299 {strides = array<i32>} : memref<40x768xf32, #tpu.memory_space<vmem>>, vector<16xf32>,
        %get3A_303 = arith.index_cast %scan3A_28 : i32 to index
        %get3A_304 = arith.constant 400 : index
        %get3A_305 = tpu.vector_load %arg10[%get3A_303, %get3A_304] {strides = array<i32>} : memref<40x768xf32, #tpu.memory_space<vmem>>, vector<16xf32>,
        %get3A_306 = arith.constant 0 : i32
        %get3A_307 = arith.index_cast %get3A_306 : i32 to index
        %get3A_308 = arith.constant 400 : index
        %get3A_309 = tpu.vector_load %arg12[%get3A_307, %get3A_308] {strides = array<i32>} : memref<1x768xf32, #tpu.memory_space<vmem>>, vector<16xf32>,
        %add3A_310 = arith.addf %get3A_305, %get3A_309 : vector<16xf32>
        %swap3A_311 = arith.index_cast %scan3A_28 : i32 to index
        %swap3A_312 = arith.constant 400 : index
        %swap3A_313 = tpu.vector_load %arg10[%swap3A_311, %swap3A_312] {strides = array<i32>} : memref<40x768xf32, #tpu.memory_space<vmem>>, vector<16xf32>,
        tpu.vector_store %arg10[%swap3A_311, %swap3A_312], %add3A_310 {strides = array<i32>} : memref<40x768xf32, #tpu.memory_space<vmem>>, vector<16xf32>,
        %get3A_314 = arith.index_cast %scan3A_28 : i32 to index
        %get3A_315 = arith.constant 416 : index
        %get3A_316 = tpu.vector_load %arg10[%get3A_314, %get3A_315] {strides = array<i32>} : memref<40x768xf32, #tpu.memory_space<vmem>>, vector<16xf32>,
        %get3A_317 = arith.constant 0 : i32
        %get3A_318 = arith.index_cast %get3A_317 : i32 to index
        %get3A_319 = arith.constant 416 : index
        %get3A_320 = tpu.vector_load %arg12[%get3A_318, %get3A_319] {strides = array<i32>} : memref<1x768xf32, #tpu.memory_space<vmem>>, vector<16xf32>,
        %add3A_321 = arith.addf %get3A_316, %get3A_320 : vector<16xf32>
        %swap3A_322 = arith.index_cast %scan3A_28 : i32 to index
        %swap3A_323 = arith.constant 416 : index
        %swap3A_324 = tpu.vector_load %arg10[%swap3A_322, %swap3A_323] {strides = array<i32>} : memref<40x768xf32, #tpu.memory_space<vmem>>, vector<16xf32>,
        tpu.vector_store %arg10[%swap3A_322, %swap3A_323], %add3A_321 {strides = array<i32>} : memref<40x768xf32, #tpu.memory_space<vmem>>, vector<16xf32>,
        %get3A_325 = arith.index_cast %scan3A_28 : i32 to index
        %get3A_326 = arith.constant 432 : index
        %get3A_327 = tpu.vector_load %arg10[%get3A_325, %get3A_326] {strides = array<i32>} : memref<40x768xf32, #tpu.memory_space<vmem>>, vector<16xf32>,
        %get3A_328 = arith.constant 0 : i32
        %get3A_329 = arith.index_cast %get3A_328 : i32 to index
        %get3A_330 = arith.constant 432 : index
        %get3A_331 = tpu.vector_load %arg12[%get3A_329, %get3A_330] {strides = array<i32>} : memref<1x768xf32, #tpu.memory_space<vmem>>, vector<16xf32>,
        %add3A_332 = arith.addf %get3A_327, %get3A_331 : vector<16xf32>
        %swap3A_333 = arith.index_cast %scan3A_28 : i32 to index
        %swap3A_334 = arith.constant 432 : index
        %swap3A_335 = tpu.vector_load %arg10[%swap3A_333, %swap3A_334] {strides = array<i32>} : memref<40x768xf32, #tpu.memory_space<vmem>>, vector<16xf32>,
        tpu.vector_store %arg10[%swap3A_333, %swap3A_334], %add3A_332 {strides = array<i32>} : memref<40x768xf32, #tpu.memory_space<vmem>>, vector<16xf32>,
        %get3A_336 = arith.index_cast %scan3A_28 : i32 to index
        %get3A_337 = arith.constant 448 : index
        %get3A_338 = tpu.vector_load %arg10[%get3A_336, %get3A_337] {strides = array<i32>} : memref<40x768xf32, #tpu.memory_space<vmem>>, vector<16xf32>,
        %get3A_339 = arith.constant 0 : i32
        %get3A_340 = arith.index_cast %get3A_339 : i32 to index
        %get3A_341 = arith.constant 448 : index
        %get3A_342 = tpu.vector_load %arg12[%get3A_340, %get3A_341] {strides = array<i32>} : memref<1x768xf32, #tpu.memory_space<vmem>>, vector<16xf32>,
        %add3A_343 = arith.addf %get3A_338, %get3A_342 : vector<16xf32>
        %swap3A_344 = arith.index_cast %scan3A_28 : i32 to index
        %swap3A_345 = arith.constant 448 : index
        %swap3A_346 = tpu.vector_load %arg10[%swap3A_344, %swap3A_345] {strides = array<i32>} : memref<40x768xf32, #tpu.memory_space<vmem>>, vector<16xf32>,
        tpu.vector_store %arg10[%swap3A_344, %swap3A_345], %add3A_343 {strides = array<i32>} : memref<40x768xf32, #tpu.memory_space<vmem>>, vector<16xf32>,
        %get3A_347 = arith.index_cast %scan3A_28 : i32 to index
        %get3A_348 = arith.constant 464 : index
        %get3A_349 = tpu.vector_load %arg10[%get3A_347, %get3A_348] {strides = array<i32>} : memref<40x768xf32, #tpu.memory_space<vmem>>, vector<16xf32>,
        %get3A_350 = arith.constant 0 : i32
        %get3A_351 = arith.index_cast %get3A_350 : i32 to index
        %get3A_352 = arith.constant 464 : index
        %get3A_353 = tpu.vector_load %arg12[%get3A_351, %get3A_352] {strides = array<i32>} : memref<1x768xf32, #tpu.memory_space<vmem>>, vector<16xf32>,
        %add3A_354 = arith.addf %get3A_349, %get3A_353 : vector<16xf32>
        %swap3A_355 = arith.index_cast %scan3A_28 : i32 to index
        %swap3A_356 = arith.constant 464 : index
        %swap3A_357 = tpu.vector_load %arg10[%swap3A_355, %swap3A_356] {strides = array<i32>} : memref<40x768xf32, #tpu.memory_space<vmem>>, vector<16xf32>,
        tpu.vector_store %arg10[%swap3A_355, %swap3A_356], %add3A_354 {strides = array<i32>} : memref<40x768xf32, #tpu.memory_space<vmem>>, vector<16xf32>,
        %get3A_358 = arith.index_cast %scan3A_28 : i32 to index
        %get3A_359 = arith.constant 480 : index
        %get3A_360 = tpu.vector_load %arg10[%get3A_358, %get3A_359] {strides = array<i32>} : memref<40x768xf32, #tpu.memory_space<vmem>>, vector<16xf32>,
        %get3A_361 = arith.constant 0 : i32
        %get3A_362 = arith.index_cast %get3A_361 : i32 to index
        %get3A_363 = arith.constant 480 : index
        %get3A_364 = tpu.vector_load %arg12[%get3A_362, %get3A_363] {strides = array<i32>} : memref<1x768xf32, #tpu.memory_space<vmem>>, vector<16xf32>,
        %add3A_365 = arith.addf %get3A_360, %get3A_364 : vector<16xf32>
        %swap3A_366 = arith.index_cast %scan3A_28 : i32 to index
        %swap3A_367 = arith.constant 480 : index
        %swap3A_368 = tpu.vector_load %arg10[%swap3A_366, %swap3A_367] {strides = array<i32>} : memref<40x768xf32, #tpu.memory_space<vmem>>, vector<16xf32>,
        tpu.vector_store %arg10[%swap3A_366, %swap3A_367], %add3A_365 {strides = array<i32>} : memref<40x768xf32, #tpu.memory_space<vmem>>, vector<16xf32>,
        %get3A_369 = arith.index_cast %scan3A_28 : i32 to index
        %get3A_370 = arith.constant 496 : index
        %get3A_371 = tpu.vector_load %arg10[%get3A_369, %get3A_370] {strides = array<i32>} : memref<40x768xf32, #tpu.memory_space<vmem>>, vector<16xf32>,
        %get3A_372 = arith.constant 0 : i32
        %get3A_373 = arith.index_cast %get3A_372 : i32 to index
        %get3A_374 = arith.constant 496 : index
        %get3A_375 = tpu.vector_load %arg12[%get3A_373, %get3A_374] {strides = array<i32>} : memref<1x768xf32, #tpu.memory_space<vmem>>, vector<16xf32>,
        %add3A_376 = arith.addf %get3A_371, %get3A_375 : vector<16xf32>
        %swap3A_377 = arith.index_cast %scan3A_28 : i32 to index
        %swap3A_378 = arith.constant 496 : index
        %swap3A_379 = tpu.vector_load %arg10[%swap3A_377, %swap3A_378] {strides = array<i32>} : memref<40x768xf32, #tpu.memory_space<vmem>>, vector<16xf32>,
        tpu.vector_store %arg10[%swap3A_377, %swap3A_378], %add3A_376 {strides = array<i32>} : memref<40x768xf32, #tpu.memory_space<vmem>>, vector<16xf32>,
        %get3A_380 = arith.index_cast %scan3A_28 : i32 to index
        %get3A_381 = arith.constant 512 : index
        %get3A_382 = tpu.vector_load %arg10[%get3A_380, %get3A_381] {strides = array<i32>} : memref<40x768xf32, #tpu.memory_space<vmem>>, vector<16xf32>,
        %get3A_383 = arith.constant 0 : i32
        %get3A_384 = arith.index_cast %get3A_383 : i32 to index
        %get3A_385 = arith.constant 512 : index
        %get3A_386 = tpu.vector_load %arg12[%get3A_384, %get3A_385] {strides = array<i32>} : memref<1x768xf32, #tpu.memory_space<vmem>>, vector<16xf32>,
        %add3A_387 = arith.addf %get3A_382, %get3A_386 : vector<16xf32>
        %swap3A_388 = arith.index_cast %scan3A_28 : i32 to index
        %swap3A_389 = arith.constant 512 : index
        %swap3A_390 = tpu.vector_load %arg10[%swap3A_388, %swap3A_389] {strides = array<i32>} : memref<40x768xf32, #tpu.memory_space<vmem>>, vector<16xf32>,
        tpu.vector_store %arg10[%swap3A_388, %swap3A_389], %add3A_387 {strides = array<i32>} : memref<40x768xf32, #tpu.memory_space<vmem>>, vector<16xf32>,
        %get3A_391 = arith.index_cast %scan3A_28 : i32 to index
        %get3A_392 = arith.constant 528 : index
        %get3A_393 = tpu.vector_load %arg10[%get3A_391, %get3A_392] {strides = array<i32>} : memref<40x768xf32, #tpu.memory_space<vmem>>, vector<16xf32>,
        %get3A_394 = arith.constant 0 : i32
        %get3A_395 = arith.index_cast %get3A_394 : i32 to index
        %get3A_396 = arith.constant 528 : index
        %get3A_397 = tpu.vector_load %arg12[%get3A_395, %get3A_396] {strides = array<i32>} : memref<1x768xf32, #tpu.memory_space<vmem>>, vector<16xf32>,
        %add3A_398 = arith.addf %get3A_393, %get3A_397 : vector<16xf32>
        %swap3A_399 = arith.index_cast %scan3A_28 : i32 to index
        %swap3A_400 = arith.constant 528 : index
        %swap3A_401 = tpu.vector_load %arg10[%swap3A_399, %swap3A_400] {strides = array<i32>} : memref<40x768xf32, #tpu.memory_space<vmem>>, vector<16xf32>,
        tpu.vector_store %arg10[%swap3A_399, %swap3A_400], %add3A_398 {strides = array<i32>} : memref<40x768xf32, #tpu.memory_space<vmem>>, vector<16xf32>,
        %get3A_402 = arith.index_cast %scan3A_28 : i32 to index
        %get3A_403 = arith.constant 544 : index
        %get3A_404 = tpu.vector_load %arg10[%get3A_402, %get3A_403] {strides = array<i32>} : memref<40x768xf32, #tpu.memory_space<vmem>>, vector<16xf32>,
        %get3A_405 = arith.constant 0 : i32
        %get3A_406 = arith.index_cast %get3A_405 : i32 to index
        %get3A_407 = arith.constant 544 : index
        %get3A_408 = tpu.vector_load %arg12[%get3A_406, %get3A_407] {strides = array<i32>} : memref<1x768xf32, #tpu.memory_space<vmem>>, vector<16xf32>,
        %add3A_409 = arith.addf %get3A_404, %get3A_408 : vector<16xf32>
        %swap3A_410 = arith.index_cast %scan3A_28 : i32 to index
        %swap3A_411 = arith.constant 544 : index
        %swap3A_412 = tpu.vector_load %arg10[%swap3A_410, %swap3A_411] {strides = array<i32>} : memref<40x768xf32, #tpu.memory_space<vmem>>, vector<16xf32>,
        tpu.vector_store %arg10[%swap3A_410, %swap3A_411], %add3A_409 {strides = array<i32>} : memref<40x768xf32, #tpu.memory_space<vmem>>, vector<16xf32>,
        %get3A_413 = arith.index_cast %scan3A_28 : i32 to index
        %get3A_414 = arith.constant 560 : index
        %get3A_415 = tpu.vector_load %arg10[%get3A_413, %get3A_414] {strides = array<i32>} : memref<40x768xf32, #tpu.memory_space<vmem>>, vector<16xf32>,
        %get3A_416 = arith.constant 0 : i32
        %get3A_417 = arith.index_cast %get3A_416 : i32 to index
        %get3A_418 = arith.constant 560 : index
        %get3A_419 = tpu.vector_load %arg12[%get3A_417, %get3A_418] {strides = array<i32>} : memref<1x768xf32, #tpu.memory_space<vmem>>, vector<16xf32>,
        %add3A_420 = arith.addf %get3A_415, %get3A_419 : vector<16xf32>
        %swap3A_421 = arith.index_cast %scan3A_28 : i32 to index
        %swap3A_422 = arith.constant 560 : index
        %swap3A_423 = tpu.vector_load %arg10[%swap3A_421, %swap3A_422] {strides = array<i32>} : memref<40x768xf32, #tpu.memory_space<vmem>>, vector<16xf32>,
        tpu.vector_store %arg10[%swap3A_421, %swap3A_422], %add3A_420 {strides = array<i32>} : memref<40x768xf32, #tpu.memory_space<vmem>>, vector<16xf32>,
        %get3A_424 = arith.index_cast %scan3A_28 : i32 to index
        %get3A_425 = arith.constant 576 : index
        %get3A_426 = tpu.vector_load %arg10[%get3A_424, %get3A_425] {strides = array<i32>} : memref<40x768xf32, #tpu.memory_space<vmem>>, vector<16xf32>,
        %get3A_427 = arith.constant 0 : i32
        %get3A_428 = arith.index_cast %get3A_427 : i32 to index
        %get3A_429 = arith.constant 576 : index
        %get3A_430 = tpu.vector_load %arg12[%get3A_428, %get3A_429] {strides = array<i32>} : memref<1x768xf32, #tpu.memory_space<vmem>>, vector<16xf32>,
        %add3A_431 = arith.addf %get3A_426, %get3A_430 : vector<16xf32>
        %swap3A_432 = arith.index_cast %scan3A_28 : i32 to index
        %swap3A_433 = arith.constant 576 : index
        %swap3A_434 = tpu.vector_load %arg10[%swap3A_432, %swap3A_433] {strides = array<i32>} : memref<40x768xf32, #tpu.memory_space<vmem>>, vector<16xf32>,
        tpu.vector_store %arg10[%swap3A_432, %swap3A_433], %add3A_431 {strides = array<i32>} : memref<40x768xf32, #tpu.memory_space<vmem>>, vector<16xf32>,
        %get3A_435 = arith.index_cast %scan3A_28 : i32 to index
        %get3A_436 = arith.constant 592 : index
        %get3A_437 = tpu.vector_load %arg10[%get3A_435, %get3A_436] {strides = array<i32>} : memref<40x768xf32, #tpu.memory_space<vmem>>, vector<16xf32>,
        %get3A_438 = arith.constant 0 : i32
        %get3A_439 = arith.index_cast %get3A_438 : i32 to index
        %get3A_440 = arith.constant 592 : index
        %get3A_441 = tpu.vector_load %arg12[%get3A_439, %get3A_440] {strides = array<i32>} : memref<1x768xf32, #tpu.memory_space<vmem>>, vector<16xf32>,
        %add3A_442 = arith.addf %get3A_437, %get3A_441 : vector<16xf32>
        %swap3A_443 = arith.index_cast %scan3A_28 : i32 to index
        %swap3A_444 = arith.constant 592 : index
        %swap3A_445 = tpu.vector_load %arg10[%swap3A_443, %swap3A_444] {strides = array<i32>} : memref<40x768xf32, #tpu.memory_space<vmem>>, vector<16xf32>,
        tpu.vector_store %arg10[%swap3A_443, %swap3A_444], %add3A_442 {strides = array<i32>} : memref<40x768xf32, #tpu.memory_space<vmem>>, vector<16xf32>,
        %get3A_446 = arith.index_cast %scan3A_28 : i32 to index
        %get3A_447 = arith.constant 608 : index
        %get3A_448 = tpu.vector_load %arg10[%get3A_446, %get3A_447] {strides = array<i32>} : memref<40x768xf32, #tpu.memory_space<vmem>>, vector<16xf32>,
        %get3A_449 = arith.constant 0 : i32
        %get3A_450 = arith.index_cast %get3A_449 : i32 to index
        %get3A_451 = arith.constant 608 : index
        %get3A_452 = tpu.vector_load %arg12[%get3A_450, %get3A_451] {strides = array<i32>} : memref<1x768xf32, #tpu.memory_space<vmem>>, vector<16xf32>,
        %add3A_453 = arith.addf %get3A_448, %get3A_452 : vector<16xf32>
        %swap3A_454 = arith.index_cast %scan3A_28 : i32 to index
        %swap3A_455 = arith.constant 608 : index
        %swap3A_456 = tpu.vector_load %arg10[%swap3A_454, %swap3A_455] {strides = array<i32>} : memref<40x768xf32, #tpu.memory_space<vmem>>, vector<16xf32>,
        tpu.vector_store %arg10[%swap3A_454, %swap3A_455], %add3A_453 {strides = array<i32>} : memref<40x768xf32, #tpu.memory_space<vmem>>, vector<16xf32>,
        %get3A_457 = arith.index_cast %scan3A_28 : i32 to index
        %get3A_458 = arith.constant 624 : index
        %get3A_459 = tpu.vector_load %arg10[%get3A_457, %get3A_458] {strides = array<i32>} : memref<40x768xf32, #tpu.memory_space<vmem>>, vector<16xf32>,
        %get3A_460 = arith.constant 0 : i32
        %get3A_461 = arith.index_cast %get3A_460 : i32 to index
        %get3A_462 = arith.constant 624 : index
        %get3A_463 = tpu.vector_load %arg12[%get3A_461, %get3A_462] {strides = array<i32>} : memref<1x768xf32, #tpu.memory_space<vmem>>, vector<16xf32>,
        %add3A_464 = arith.addf %get3A_459, %get3A_463 : vector<16xf32>
        %swap3A_465 = arith.index_cast %scan3A_28 : i32 to index
        %swap3A_466 = arith.constant 624 : index
        %swap3A_467 = tpu.vector_load %arg10[%swap3A_465, %swap3A_466] {strides = array<i32>} : memref<40x768xf32, #tpu.memory_space<vmem>>, vector<16xf32>,
        tpu.vector_store %arg10[%swap3A_465, %swap3A_466], %add3A_464 {strides = array<i32>} : memref<40x768xf32, #tpu.memory_space<vmem>>, vector<16xf32>,
        %get3A_468 = arith.index_cast %scan3A_28 : i32 to index
        %get3A_469 = arith.constant 640 : index
        %get3A_470 = tpu.vector_load %arg10[%get3A_468, %get3A_469] {strides = array<i32>} : memref<40x768xf32, #tpu.memory_space<vmem>>, vector<16xf32>,
        %get3A_471 = arith.constant 0 : i32
        %get3A_472 = arith.index_cast %get3A_471 : i32 to index
        %get3A_473 = arith.constant 640 : index
        %get3A_474 = tpu.vector_load %arg12[%get3A_472, %get3A_473] {strides = array<i32>} : memref<1x768xf32, #tpu.memory_space<vmem>>, vector<16xf32>,
        %add3A_475 = arith.addf %get3A_470, %get3A_474 : vector<16xf32>
        %swap3A_476 = arith.index_cast %scan3A_28 : i32 to index
        %swap3A_477 = arith.constant 640 : index
        %swap3A_478 = tpu.vector_load %arg10[%swap3A_476, %swap3A_477] {strides = array<i32>} : memref<40x768xf32, #tpu.memory_space<vmem>>, vector<16xf32>,
        tpu.vector_store %arg10[%swap3A_476, %swap3A_477], %add3A_475 {strides = array<i32>} : memref<40x768xf32, #tpu.memory_space<vmem>>, vector<16xf32>,
        %get3A_479 = arith.index_cast %scan3A_28 : i32 to index
        %get3A_480 = arith.constant 656 : index
        %get3A_481 = tpu.vector_load %arg10[%get3A_479, %get3A_480] {strides = array<i32>} : memref<40x768xf32, #tpu.memory_space<vmem>>, vector<16xf32>,
        %get3A_482 = arith.constant 0 : i32
        %get3A_483 = arith.index_cast %get3A_482 : i32 to index
        %get3A_484 = arith.constant 656 : index
        %get3A_485 = tpu.vector_load %arg12[%get3A_483, %get3A_484] {strides = array<i32>} : memref<1x768xf32, #tpu.memory_space<vmem>>, vector<16xf32>,
        %add3A_486 = arith.addf %get3A_481, %get3A_485 : vector<16xf32>
        %swap3A_487 = arith.index_cast %scan3A_28 : i32 to index
        %swap3A_488 = arith.constant 656 : index
        %swap3A_489 = tpu.vector_load %arg10[%swap3A_487, %swap3A_488] {strides = array<i32>} : memref<40x768xf32, #tpu.memory_space<vmem>>, vector<16xf32>,
        tpu.vector_store %arg10[%swap3A_487, %swap3A_488], %add3A_486 {strides = array<i32>} : memref<40x768xf32, #tpu.memory_space<vmem>>, vector<16xf32>,
        %get3A_490 = arith.index_cast %scan3A_28 : i32 to index
        %get3A_491 = arith.constant 672 : index
        %get3A_492 = tpu.vector_load %arg10[%get3A_490, %get3A_491] {strides = array<i32>} : memref<40x768xf32, #tpu.memory_space<vmem>>, vector<16xf32>,
        %get3A_493 = arith.constant 0 : i32
        %get3A_494 = arith.index_cast %get3A_493 : i32 to index
        %get3A_495 = arith.constant 672 : index
        %get3A_496 = tpu.vector_load %arg12[%get3A_494, %get3A_495] {strides = array<i32>} : memref<1x768xf32, #tpu.memory_space<vmem>>, vector<16xf32>,
        %add3A_497 = arith.addf %get3A_492, %get3A_496 : vector<16xf32>
        %swap3A_498 = arith.index_cast %scan3A_28 : i32 to index
        %swap3A_499 = arith.constant 672 : index
        %swap3A_500 = tpu.vector_load %arg10[%swap3A_498, %swap3A_499] {strides = array<i32>} : memref<40x768xf32, #tpu.memory_space<vmem>>, vector<16xf32>,
        tpu.vector_store %arg10[%swap3A_498, %swap3A_499], %add3A_497 {strides = array<i32>} : memref<40x768xf32, #tpu.memory_space<vmem>>, vector<16xf32>,
        %get3A_501 = arith.index_cast %scan3A_28 : i32 to index
        %get3A_502 = arith.constant 688 : index
        %get3A_503 = tpu.vector_load %arg10[%get3A_501, %get3A_502] {strides = array<i32>} : memref<40x768xf32, #tpu.memory_space<vmem>>, vector<16xf32>,
        %get3A_504 = arith.constant 0 : i32
        %get3A_505 = arith.index_cast %get3A_504 : i32 to index
        %get3A_506 = arith.constant 688 : index
        %get3A_507 = tpu.vector_load %arg12[%get3A_505, %get3A_506] {strides = array<i32>} : memref<1x768xf32, #tpu.memory_space<vmem>>, vector<16xf32>,
        %add3A_508 = arith.addf %get3A_503, %get3A_507 : vector<16xf32>
        %swap3A_509 = arith.index_cast %scan3A_28 : i32 to index
        %swap3A_510 = arith.constant 688 : index
        %swap3A_511 = tpu.vector_load %arg10[%swap3A_509, %swap3A_510] {strides = array<i32>} : memref<40x768xf32, #tpu.memory_space<vmem>>, vector<16xf32>,
        tpu.vector_store %arg10[%swap3A_509, %swap3A_510], %add3A_508 {strides = array<i32>} : memref<40x768xf32, #tpu.memory_space<vmem>>, vector<16xf32>,
        %get3A_512 = arith.index_cast %scan3A_28 : i32 to index
        %get3A_513 = arith.constant 704 : index
        %get3A_514 = tpu.vector_load %arg10[%get3A_512, %get3A_513] {strides = array<i32>} : memref<40x768xf32, #tpu.memory_space<vmem>>, vector<16xf32>,
        %get3A_515 = arith.constant 0 : i32
        %get3A_516 = arith.index_cast %get3A_515 : i32 to index
        %get3A_517 = arith.constant 704 : index
        %get3A_518 = tpu.vector_load %arg12[%get3A_516, %get3A_517] {strides = array<i32>} : memref<1x768xf32, #tpu.memory_space<vmem>>, vector<16xf32>,
        %add3A_519 = arith.addf %get3A_514, %get3A_518 : vector<16xf32>
        %swap3A_520 = arith.index_cast %scan3A_28 : i32 to index
        %swap3A_521 = arith.constant 704 : index
        %swap3A_522 = tpu.vector_load %arg10[%swap3A_520, %swap3A_521] {strides = array<i32>} : memref<40x768xf32, #tpu.memory_space<vmem>>, vector<16xf32>,
        tpu.vector_store %arg10[%swap3A_520, %swap3A_521], %add3A_519 {strides = array<i32>} : memref<40x768xf32, #tpu.memory_space<vmem>>, vector<16xf32>,
        %get3A_523 = arith.index_cast %scan3A_28 : i32 to index
        %get3A_524 = arith.constant 720 : index
        %get3A_525 = tpu.vector_load %arg10[%get3A_523, %get3A_524] {strides = array<i32>} : memref<40x768xf32, #tpu.memory_space<vmem>>, vector<16xf32>,
        %get3A_526 = arith.constant 0 : i32
        %get3A_527 = arith.index_cast %get3A_526 : i32 to index
        %get3A_528 = arith.constant 720 : index
        %get3A_529 = tpu.vector_load %arg12[%get3A_527, %get3A_528] {strides = array<i32>} : memref<1x768xf32, #tpu.memory_space<vmem>>, vector<16xf32>,
        %add3A_530 = arith.addf %get3A_525, %get3A_529 : vector<16xf32>
        %swap3A_531 = arith.index_cast %scan3A_28 : i32 to index
        %swap3A_532 = arith.constant 720 : index
        %swap3A_533 = tpu.vector_load %arg10[%swap3A_531, %swap3A_532] {strides = array<i32>} : memref<40x768xf32, #tpu.memory_space<vmem>>, vector<16xf32>,
        tpu.vector_store %arg10[%swap3A_531, %swap3A_532], %add3A_530 {strides = array<i32>} : memref<40x768xf32, #tpu.memory_space<vmem>>, vector<16xf32>,
        %get3A_534 = arith.index_cast %scan3A_28 : i32 to index
        %get3A_535 = arith.constant 736 : index
        %get3A_536 = tpu.vector_load %arg10[%get3A_534, %get3A_535] {strides = array<i32>} : memref<40x768xf32, #tpu.memory_space<vmem>>, vector<16xf32>,
        %get3A_537 = arith.constant 0 : i32
        %get3A_538 = arith.index_cast %get3A_537 : i32 to index
        %get3A_539 = arith.constant 736 : index
        %get3A_540 = tpu.vector_load %arg12[%get3A_538, %get3A_539] {strides = array<i32>} : memref<1x768xf32, #tpu.memory_space<vmem>>, vector<16xf32>,
        %add3A_541 = arith.addf %get3A_536, %get3A_540 : vector<16xf32>
        %swap3A_542 = arith.index_cast %scan3A_28 : i32 to index
        %swap3A_543 = arith.constant 736 : index
        %swap3A_544 = tpu.vector_load %arg10[%swap3A_542, %swap3A_543] {strides = array<i32>} : memref<40x768xf32, #tpu.memory_space<vmem>>, vector<16xf32>,
        tpu.vector_store %arg10[%swap3A_542, %swap3A_543], %add3A_541 {strides = array<i32>} : memref<40x768xf32, #tpu.memory_space<vmem>>, vector<16xf32>,
        %get3A_545 = arith.index_cast %scan3A_28 : i32 to index
        %get3A_546 = arith.constant 752 : index
        %get3A_547 = tpu.vector_load %arg10[%get3A_545, %get3A_546] {strides = array<i32>} : memref<40x768xf32, #tpu.memory_space<vmem>>, vector<16xf32>,
        %get3A_548 = arith.constant 0 : i32
        %get3A_549 = arith.index_cast %get3A_548 : i32 to index
        %get3A_550 = arith.constant 752 : index
        %get3A_551 = tpu.vector_load %arg12[%get3A_549, %get3A_550] {strides = array<i32>} : memref<1x768xf32, #tpu.memory_space<vmem>>, vector<16xf32>,
        %add3A_552 = arith.addf %get3A_547, %get3A_551 : vector<16xf32>
        %swap3A_553 = arith.index_cast %scan3A_28 : i32 to index
        %swap3A_554 = arith.constant 752 : index
        %swap3A_555 = tpu.vector_load %arg10[%swap3A_553, %swap3A_554] {strides = array<i32>} : memref<40x768xf32, #tpu.memory_space<vmem>>, vector<16xf32>,
        tpu.vector_store %arg10[%swap3A_553, %swap3A_554], %add3A_552 {strides = array<i32>} : memref<40x768xf32, #tpu.memory_space<vmem>>, vector<16xf32>,
        %scan3A_556 = arith.constant 0 : i32
        scf.yield %scan3A_556 : i32
      }
      %scan3A_19 = arith.constant 40 : i32
      %scan3A_20 = arith.constant 0 : i32
      %scan3A_21 = arith.constant 0 : i32
      %scan3A_22 = arith.constant 32 : i32
      %scan3A_23 = arith.addi %scan3A_21, %scan3A_22 : i32
      %scan3A_24 = arith.constant 1 : i32
      %scan3A_25 = scf.for %scan3A_28 = %scan3A_21 to %scan3A_23 step %scan3A_24 iter_args(%scan3A_29 = %scan3A_20) -> (i32)  : i32 {
        %mul3A_30 = arith.constant 200 : i32
        %mul3A_31 = arith.muli %scan3A_28, %mul3A_30 : i32
        %mul3A_32 = arith.constant 40 : i32
        %mul3A_33 = arith.muli %scan3A_9, %mul3A_32 : i32
        %add3A_34 = arith.addi %mul3A_31, %mul3A_33 : i32
        %dma_start3A = tpu.memref_slice %arg9[%add3A_34] : memref<6400xi32, #tpu.memory_space<vmem>> -> memref<40xi32, #tpu.memory_space<vmem>>
        %dma_start3A_35 = arith.constant 0 : i32
        %dma_start3A_36 = arith.constant 0 : i32
        %dma_start3A_37 = tpu.memref_slice %arg3[%dma_start3A_35, %dma_start3A_36] : memref<64001x768xf32, #tpu.memory_space<hbm>> -> memref<64001x768xf32, #tpu.memory_space<hbm>>
        tpu.enqueue_indirect_dma source(%dma_start3A_37 : memref<64001x768xf32, #tpu.memory_space<hbm>>) target(%arg11 : memref<40x768xf32, #tpu.memory_space<vmem>>) offsets(%dma_start3A : memref<40xi32, #tpu.memory_space<vmem>>) semaphore(%arg15 : memref<!tpu.dma_semaphore, #tpu.memory_space<semaphore_mem>>)
        %dma_wait3A = tpu.memref_slice %arg9[%add3A_34] : memref<6400xi32, #tpu.memory_space<vmem>> -> memref<40xi32, #tpu.memory_space<vmem>>
        %dma_wait3A_38 = arith.constant 0 : i32
        %dma_wait3A_39 = arith.constant 0 : i32
        %dma_wait3A_40 = tpu.memref_slice %arg3[%dma_wait3A_38, %dma_wait3A_39] : memref<64001x768xf32, #tpu.memory_space<hbm>> -> memref<64001x768xf32, #tpu.memory_space<hbm>>
        tpu.wait_indirect_dma semaphore(%arg15 : memref<!tpu.dma_semaphore, #tpu.memory_space<semaphore_mem>>) src(%dma_wait3A_40 : memref<64001x768xf32, #tpu.memory_space<hbm>>) dst(%arg11 : memref<40x768xf32, #tpu.memory_space<vmem>>)
        %scan3A_41 = arith.constant 0 : i32
        %scan3A_42 = arith.constant 0 : i32
        %scan3A_43 = arith.constant 40 : i32
        %scan3A_44 = arith.addi %scan3A_42, %scan3A_43 : i32
        %scan3A_45 = arith.constant 1 : i32
        %scan3A_46 = scf.for %scan3A_50 = %scan3A_42 to %scan3A_44 step %scan3A_45 iter_args(%scan3A_51 = %scan3A_41) -> (i32)  : i32 {
          %broadcast_in_dim3A = arith.constant 0.000000e+00 : f32
          %broadcast_in_dim3A_52 = vector.broadcast %broadcast_in_dim3A : f32 to vector<16xf32>
          %broadcast_in_dim3A_53 = arith.constant 0.000000e+00 : f32
          %broadcast_in_dim3A_54 = vector.broadcast %broadcast_in_dim3A_53 : f32 to vector<16xf32>
          %get3A = arith.index_cast %scan3A_50 : i32 to index
          %get3A_55 = arith.constant 0 : index
          %get3A_56 = tpu.vector_load %arg11[%get3A, %get3A_55] {strides = array<i32>} : memref<40x768xf32, #tpu.memory_space<vmem>>, vector<16xf32>,
          %get3A_57 = arith.index_cast %scan3A_50 : i32 to index
          %get3A_58 = arith.constant 0 : index
          %get3A_59 = tpu.vector_load %arg10[%get3A_57, %get3A_58] {strides = array<i32>} : memref<40x768xf32, #tpu.memory_space<vmem>>, vector<16xf32>,
          %add3A_60 = arith.addf %get3A_56, %get3A_59 : vector<16xf32>
          %swap3A = arith.index_cast %scan3A_50 : i32 to index
          %swap3A_61 = arith.constant 0 : index
          %swap3A_62 = tpu.vector_load %arg11[%swap3A, %swap3A_61] {strides = array<i32>} : memref<40x768xf32, #tpu.memory_space<vmem>>, vector<16xf32>,
          tpu.vector_store %arg11[%swap3A, %swap3A_61], %add3A_60 {strides = array<i32>} : memref<40x768xf32, #tpu.memory_space<vmem>>, vector<16xf32>,
          %add3A_63 = arith.addf %broadcast_in_dim3A_52, %add3A_60 : vector<16xf32>
          %mul3A_64 = arith.mulf %add3A_60, %add3A_60 : vector<16xf32>
          %add3A_65 = arith.addf %broadcast_in_dim3A_54, %mul3A_64 : vector<16xf32>
          %get3A_66 = arith.index_cast %scan3A_50 : i32 to index
          %get3A_67 = arith.constant 16 : index
          %get3A_68 = tpu.vector_load %arg11[%get3A_66, %get3A_67] {strides = array<i32>} : memref<40x768xf32, #tpu.memory_space<vmem>>, vector<16xf32>,
          %get3A_69 = arith.index_cast %scan3A_50 : i32 to index
          %get3A_70 = arith.constant 16 : index
          %get3A_71 = tpu.vector_load %arg10[%get3A_69, %get3A_70] {strides = array<i32>} : memref<40x768xf32, #tpu.memory_space<vmem>>, vector<16xf32>,
          %add3A_72 = arith.addf %get3A_68, %get3A_71 : vector<16xf32>
          %swap3A_73 = arith.index_cast %scan3A_50 : i32 to index
          %swap3A_74 = arith.constant 16 : index
          %swap3A_75 = tpu.vector_load %arg11[%swap3A_73, %swap3A_74] {strides = array<i32>} : memref<40x768xf32, #tpu.memory_space<vmem>>, vector<16xf32>,
          tpu.vector_store %arg11[%swap3A_73, %swap3A_74], %add3A_72 {strides = array<i32>} : memref<40x768xf32, #tpu.memory_space<vmem>>, vector<16xf32>,
          %add3A_76 = arith.addf %add3A_63, %add3A_72 : vector<16xf32>
          %mul3A_77 = arith.mulf %add3A_72, %add3A_72 : vector<16xf32>
          %add3A_78 = arith.addf %add3A_65, %mul3A_77 : vector<16xf32>
          %get3A_79 = arith.index_cast %scan3A_50 : i32 to index
          %get3A_80 = arith.constant 32 : index
          %get3A_81 = tpu.vector_load %arg11[%get3A_79, %get3A_80] {strides = array<i32>} : memref<40x768xf32, #tpu.memory_space<vmem>>, vector<16xf32>,
          %get3A_82 = arith.index_cast %scan3A_50 : i32 to index
          %get3A_83 = arith.constant 32 : index
          %get3A_84 = tpu.vector_load %arg10[%get3A_82, %get3A_83] {strides = array<i32>} : memref<40x768xf32, #tpu.memory_space<vmem>>, vector<16xf32>,
          %add3A_85 = arith.addf %get3A_81, %get3A_84 : vector<16xf32>
          %swap3A_86 = arith.index_cast %scan3A_50 : i32 to index
          %swap3A_87 = arith.constant 32 : index
          %swap3A_88 = tpu.vector_load %arg11[%swap3A_86, %swap3A_87] {strides = array<i32>} : memref<40x768xf32, #tpu.memory_space<vmem>>, vector<16xf32>,
          tpu.vector_store %arg11[%swap3A_86, %swap3A_87], %add3A_85 {strides = array<i32>} : memref<40x768xf32, #tpu.memory_space<vmem>>, vector<16xf32>,
          %add3A_89 = arith.addf %add3A_76, %add3A_85 : vector<16xf32>
          %mul3A_90 = arith.mulf %add3A_85, %add3A_85 : vector<16xf32>
          %add3A_91 = arith.addf %add3A_78, %mul3A_90 : vector<16xf32>
          %get3A_92 = arith.index_cast %scan3A_50 : i32 to index
          %get3A_93 = arith.constant 48 : index
          %get3A_94 = tpu.vector_load %arg11[%get3A_92, %get3A_93] {strides = array<i32>} : memref<40x768xf32, #tpu.memory_space<vmem>>, vector<16xf32>,
          %get3A_95 = arith.index_cast %scan3A_50 : i32 to index
          %get3A_96 = arith.constant 48 : index
          %get3A_97 = tpu.vector_load %arg10[%get3A_95, %get3A_96] {strides = array<i32>} : memref<40x768xf32, #tpu.memory_space<vmem>>, vector<16xf32>,
          %add3A_98 = arith.addf %get3A_94, %get3A_97 : vector<16xf32>
          %swap3A_99 = arith.index_cast %scan3A_50 : i32 to index
          %swap3A_100 = arith.constant 48 : index
          %swap3A_101 = tpu.vector_load %arg11[%swap3A_99, %swap3A_100] {strides = array<i32>} : memref<40x768xf32, #tpu.memory_space<vmem>>, vector<16xf32>,
          tpu.vector_store %arg11[%swap3A_99, %swap3A_100], %add3A_98 {strides = array<i32>} : memref<40x768xf32, #tpu.memory_space<vmem>>, vector<16xf32>,
          %add3A_102 = arith.addf %add3A_89, %add3A_98 : vector<16xf32>
          %mul3A_103 = arith.mulf %add3A_98, %add3A_98 : vector<16xf32>
          %add3A_104 = arith.addf %add3A_91, %mul3A_103 : vector<16xf32>
          %get3A_105 = arith.index_cast %scan3A_50 : i32 to index
          %get3A_106 = arith.constant 64 : index
          %get3A_107 = tpu.vector_load %arg11[%get3A_105, %get3A_106] {strides = array<i32>} : memref<40x768xf32, #tpu.memory_space<vmem>>, vector<16xf32>,
          %get3A_108 = arith.index_cast %scan3A_50 : i32 to index
          %get3A_109 = arith.constant 64 : index
          %get3A_110 = tpu.vector_load %arg10[%get3A_108, %get3A_109] {strides = array<i32>} : memref<40x768xf32, #tpu.memory_space<vmem>>, vector<16xf32>,
          %add3A_111 = arith.addf %get3A_107, %get3A_110 : vector<16xf32>
          %swap3A_112 = arith.index_cast %scan3A_50 : i32 to index
          %swap3A_113 = arith.constant 64 : index
          %swap3A_114 = tpu.vector_load %arg11[%swap3A_112, %swap3A_113] {strides = array<i32>} : memref<40x768xf32, #tpu.memory_space<vmem>>, vector<16xf32>,
          tpu.vector_store %arg11[%swap3A_112, %swap3A_113], %add3A_111 {strides = array<i32>} : memref<40x768xf32, #tpu.memory_space<vmem>>, vector<16xf32>,
          %add3A_115 = arith.addf %add3A_102, %add3A_111 : vector<16xf32>
          %mul3A_116 = arith.mulf %add3A_111, %add3A_111 : vector<16xf32>
          %add3A_117 = arith.addf %add3A_104, %mul3A_116 : vector<16xf32>
          %get3A_118 = arith.index_cast %scan3A_50 : i32 to index
          %get3A_119 = arith.constant 80 : index
          %get3A_120 = tpu.vector_load %arg11[%get3A_118, %get3A_119] {strides = array<i32>} : memref<40x768xf32, #tpu.memory_space<vmem>>, vector<16xf32>,
          %get3A_121 = arith.index_cast %scan3A_50 : i32 to index
          %get3A_122 = arith.constant 80 : index
          %get3A_123 = tpu.vector_load %arg10[%get3A_121, %get3A_122] {strides = array<i32>} : memref<40x768xf32, #tpu.memory_space<vmem>>, vector<16xf32>,
          %add3A_124 = arith.addf %get3A_120, %get3A_123 : vector<16xf32>
          %swap3A_125 = arith.index_cast %scan3A_50 : i32 to index
          %swap3A_126 = arith.constant 80 : index
          %swap3A_127 = tpu.vector_load %arg11[%swap3A_125, %swap3A_126] {strides = array<i32>} : memref<40x768xf32, #tpu.memory_space<vmem>>, vector<16xf32>,
          tpu.vector_store %arg11[%swap3A_125, %swap3A_126], %add3A_124 {strides = array<i32>} : memref<40x768xf32, #tpu.memory_space<vmem>>, vector<16xf32>,
          %add3A_128 = arith.addf %add3A_115, %add3A_124 : vector<16xf32>
          %mul3A_129 = arith.mulf %add3A_124, %add3A_124 : vector<16xf32>
          %add3A_130 = arith.addf %add3A_117, %mul3A_129 : vector<16xf32>
          %get3A_131 = arith.index_cast %scan3A_50 : i32 to index
          %get3A_132 = arith.constant 96 : index
          %get3A_133 = tpu.vector_load %arg11[%get3A_131, %get3A_132] {strides = array<i32>} : memref<40x768xf32, #tpu.memory_space<vmem>>, vector<16xf32>,
          %get3A_134 = arith.index_cast %scan3A_50 : i32 to index
          %get3A_135 = arith.constant 96 : index
          %get3A_136 = tpu.vector_load %arg10[%get3A_134, %get3A_135] {strides = array<i32>} : memref<40x768xf32, #tpu.memory_space<vmem>>, vector<16xf32>,
          %add3A_137 = arith.addf %get3A_133, %get3A_136 : vector<16xf32>
          %swap3A_138 = arith.index_cast %scan3A_50 : i32 to index
          %swap3A_139 = arith.constant 96 : index
          %swap3A_140 = tpu.vector_load %arg11[%swap3A_138, %swap3A_139] {strides = array<i32>} : memref<40x768xf32, #tpu.memory_space<vmem>>, vector<16xf32>,
          tpu.vector_store %arg11[%swap3A_138, %swap3A_139], %add3A_137 {strides = array<i32>} : memref<40x768xf32, #tpu.memory_space<vmem>>, vector<16xf32>,
          %add3A_141 = arith.addf %add3A_128, %add3A_137 : vector<16xf32>
          %mul3A_142 = arith.mulf %add3A_137, %add3A_137 : vector<16xf32>
          %add3A_143 = arith.addf %add3A_130, %mul3A_142 : vector<16xf32>
          %get3A_144 = arith.index_cast %scan3A_50 : i32 to index
          %get3A_145 = arith.constant 112 : index
          %get3A_146 = tpu.vector_load %arg11[%get3A_144, %get3A_145] {strides = array<i32>} : memref<40x768xf32, #tpu.memory_space<vmem>>, vector<16xf32>,
          %get3A_147 = arith.index_cast %scan3A_50 : i32 to index
          %get3A_148 = arith.constant 112 : index
          %get3A_149 = tpu.vector_load %arg10[%get3A_147, %get3A_148] {strides = array<i32>} : memref<40x768xf32, #tpu.memory_space<vmem>>, vector<16xf32>,
          %add3A_150 = arith.addf %get3A_146, %get3A_149 : vector<16xf32>
          %swap3A_151 = arith.index_cast %scan3A_50 : i32 to index
          %swap3A_152 = arith.constant 112 : index
          %swap3A_153 = tpu.vector_load %arg11[%swap3A_151, %swap3A_152] {strides = array<i32>} : memref<40x768xf32, #tpu.memory_space<vmem>>, vector<16xf32>,
          tpu.vector_store %arg11[%swap3A_151, %swap3A_152], %add3A_150 {strides = array<i32>} : memref<40x768xf32, #tpu.memory_space<vmem>>, vector<16xf32>,
          %add3A_154 = arith.addf %add3A_141, %add3A_150 : vector<16xf32>
          %mul3A_155 = arith.mulf %add3A_150, %add3A_150 : vector<16xf32>
          %add3A_156 = arith.addf %add3A_143, %mul3A_155 : vector<16xf32>
          %get3A_157 = arith.index_cast %scan3A_50 : i32 to index
          %get3A_158 = arith.constant 128 : index
          %get3A_159 = tpu.vector_load %arg11[%get3A_157, %get3A_158] {strides = array<i32>} : memref<40x768xf32, #tpu.memory_space<vmem>>, vector<16xf32>,
          %get3A_160 = arith.index_cast %scan3A_50 : i32 to index
          %get3A_161 = arith.constant 128 : index
          %get3A_162 = tpu.vector_load %arg10[%get3A_160, %get3A_161] {strides = array<i32>} : memref<40x768xf32, #tpu.memory_space<vmem>>, vector<16xf32>,
          %add3A_163 = arith.addf %get3A_159, %get3A_162 : vector<16xf32>
          %swap3A_164 = arith.index_cast %scan3A_50 : i32 to index
          %swap3A_165 = arith.constant 128 : index
          %swap3A_166 = tpu.vector_load %arg11[%swap3A_164, %swap3A_165] {strides = array<i32>} : memref<40x768xf32, #tpu.memory_space<vmem>>, vector<16xf32>,
          tpu.vector_store %arg11[%swap3A_164, %swap3A_165], %add3A_163 {strides = array<i32>} : memref<40x768xf32, #tpu.memory_space<vmem>>, vector<16xf32>,
          %add3A_167 = arith.addf %add3A_154, %add3A_163 : vector<16xf32>
          %mul3A_168 = arith.mulf %add3A_163, %add3A_163 : vector<16xf32>
          %add3A_169 = arith.addf %add3A_156, %mul3A_168 : vector<16xf32>
          %get3A_170 = arith.index_cast %scan3A_50 : i32 to index
          %get3A_171 = arith.constant 144 : index
          %get3A_172 = tpu.vector_load %arg11[%get3A_170, %get3A_171] {strides = array<i32>} : memref<40x768xf32, #tpu.memory_space<vmem>>, vector<16xf32>,
          %get3A_173 = arith.index_cast %scan3A_50 : i32 to index
          %get3A_174 = arith.constant 144 : index
          %get3A_175 = tpu.vector_load %arg10[%get3A_173, %get3A_174] {strides = array<i32>} : memref<40x768xf32, #tpu.memory_space<vmem>>, vector<16xf32>,
          %add3A_176 = arith.addf %get3A_172, %get3A_175 : vector<16xf32>
          %swap3A_177 = arith.index_cast %scan3A_50 : i32 to index
          %swap3A_178 = arith.constant 144 : index
          %swap3A_179 = tpu.vector_load %arg11[%swap3A_177, %swap3A_178] {strides = array<i32>} : memref<40x768xf32, #tpu.memory_space<vmem>>, vector<16xf32>,
          tpu.vector_store %arg11[%swap3A_177, %swap3A_178], %add3A_176 {strides = array<i32>} : memref<40x768xf32, #tpu.memory_space<vmem>>, vector<16xf32>,
          %add3A_180 = arith.addf %add3A_167, %add3A_176 : vector<16xf32>
          %mul3A_181 = arith.mulf %add3A_176, %add3A_176 : vector<16xf32>
          %add3A_182 = arith.addf %add3A_169, %mul3A_181 : vector<16xf32>
          %get3A_183 = arith.index_cast %scan3A_50 : i32 to index
          %get3A_184 = arith.constant 160 : index
          %get3A_185 = tpu.vector_load %arg11[%get3A_183, %get3A_184] {strides = array<i32>} : memref<40x768xf32, #tpu.memory_space<vmem>>, vector<16xf32>,
          %get3A_186 = arith.index_cast %scan3A_50 : i32 to index
          %get3A_187 = arith.constant 160 : index
          %get3A_188 = tpu.vector_load %arg10[%get3A_186, %get3A_187] {strides = array<i32>} : memref<40x768xf32, #tpu.memory_space<vmem>>, vector<16xf32>,
          %add3A_189 = arith.addf %get3A_185, %get3A_188 : vector<16xf32>
          %swap3A_190 = arith.index_cast %scan3A_50 : i32 to index
          %swap3A_191 = arith.constant 160 : index
          %swap3A_192 = tpu.vector_load %arg11[%swap3A_190, %swap3A_191] {strides = array<i32>} : memref<40x768xf32, #tpu.memory_space<vmem>>, vector<16xf32>,
          tpu.vector_store %arg11[%swap3A_190, %swap3A_191], %add3A_189 {strides = array<i32>} : memref<40x768xf32, #tpu.memory_space<vmem>>, vector<16xf32>,
          %add3A_193 = arith.addf %add3A_180, %add3A_189 : vector<16xf32>
          %mul3A_194 = arith.mulf %add3A_189, %add3A_189 : vector<16xf32>
          %add3A_195 = arith.addf %add3A_182, %mul3A_194 : vector<16xf32>
          %get3A_196 = arith.index_cast %scan3A_50 : i32 to index
          %get3A_197 = arith.constant 176 : index
          %get3A_198 = tpu.vector_load %arg11[%get3A_196, %get3A_197] {strides = array<i32>} : memref<40x768xf32, #tpu.memory_space<vmem>>, vector<16xf32>,
          %get3A_199 = arith.index_cast %scan3A_50 : i32 to index
          %get3A_200 = arith.constant 176 : index
          %get3A_201 = tpu.vector_load %arg10[%get3A_199, %get3A_200] {strides = array<i32>} : memref<40x768xf32, #tpu.memory_space<vmem>>, vector<16xf32>,
          %add3A_202 = arith.addf %get3A_198, %get3A_201 : vector<16xf32>
          %swap3A_203 = arith.index_cast %scan3A_50 : i32 to index
          %swap3A_204 = arith.constant 176 : index
          %swap3A_205 = tpu.vector_load %arg11[%swap3A_203, %swap3A_204] {strides = array<i32>} : memref<40x768xf32, #tpu.memory_space<vmem>>, vector<16xf32>,
          tpu.vector_store %arg11[%swap3A_203, %swap3A_204], %add3A_202 {strides = array<i32>} : memref<40x768xf32, #tpu.memory_space<vmem>>, vector<16xf32>,
          %add3A_206 = arith.addf %add3A_193, %add3A_202 : vector<16xf32>
          %mul3A_207 = arith.mulf %add3A_202, %add3A_202 : vector<16xf32>
          %add3A_208 = arith.addf %add3A_195, %mul3A_207 : vector<16xf32>
          %get3A_209 = arith.index_cast %scan3A_50 : i32 to index
          %get3A_210 = arith.constant 192 : index
          %get3A_211 = tpu.vector_load %arg11[%get3A_209, %get3A_210] {strides = array<i32>} : memref<40x768xf32, #tpu.memory_space<vmem>>, vector<16xf32>,
          %get3A_212 = arith.index_cast %scan3A_50 : i32 to index
          %get3A_213 = arith.constant 192 : index
          %get3A_214 = tpu.vector_load %arg10[%get3A_212, %get3A_213] {strides = array<i32>} : memref<40x768xf32, #tpu.memory_space<vmem>>, vector<16xf32>,
          %add3A_215 = arith.addf %get3A_211, %get3A_214 : vector<16xf32>
          %swap3A_216 = arith.index_cast %scan3A_50 : i32 to index
          %swap3A_217 = arith.constant 192 : index
          %swap3A_218 = tpu.vector_load %arg11[%swap3A_216, %swap3A_217] {strides = array<i32>} : memref<40x768xf32, #tpu.memory_space<vmem>>, vector<16xf32>,
          tpu.vector_store %arg11[%swap3A_216, %swap3A_217], %add3A_215 {strides = array<i32>} : memref<40x768xf32, #tpu.memory_space<vmem>>, vector<16xf32>,
          %add3A_219 = arith.addf %add3A_206, %add3A_215 : vector<16xf32>
          %mul3A_220 = arith.mulf %add3A_215, %add3A_215 : vector<16xf32>
          %add3A_221 = arith.addf %add3A_208, %mul3A_220 : vector<16xf32>
          %get3A_222 = arith.index_cast %scan3A_50 : i32 to index
          %get3A_223 = arith.constant 208 : index
          %get3A_224 = tpu.vector_load %arg11[%get3A_222, %get3A_223] {strides = array<i32>} : memref<40x768xf32, #tpu.memory_space<vmem>>, vector<16xf32>,
          %get3A_225 = arith.index_cast %scan3A_50 : i32 to index
          %get3A_226 = arith.constant 208 : index
          %get3A_227 = tpu.vector_load %arg10[%get3A_225, %get3A_226] {strides = array<i32>} : memref<40x768xf32, #tpu.memory_space<vmem>>, vector<16xf32>,
          %add3A_228 = arith.addf %get3A_224, %get3A_227 : vector<16xf32>
          %swap3A_229 = arith.index_cast %scan3A_50 : i32 to index
          %swap3A_230 = arith.constant 208 : index
          %swap3A_231 = tpu.vector_load %arg11[%swap3A_229, %swap3A_230] {strides = array<i32>} : memref<40x768xf32, #tpu.memory_space<vmem>>, vector<16xf32>,
          tpu.vector_store %arg11[%swap3A_229, %swap3A_230], %add3A_228 {strides = array<i32>} : memref<40x768xf32, #tpu.memory_space<vmem>>, vector<16xf32>,
          %add3A_232 = arith.addf %add3A_219, %add3A_228 : vector<16xf32>
          %mul3A_233 = arith.mulf %add3A_228, %add3A_228 : vector<16xf32>
          %add3A_234 = arith.addf %add3A_221, %mul3A_233 : vector<16xf32>
          %get3A_235 = arith.index_cast %scan3A_50 : i32 to index
          %get3A_236 = arith.constant 224 : index
          %get3A_237 = tpu.vector_load %arg11[%get3A_235, %get3A_236] {strides = array<i32>} : memref<40x768xf32, #tpu.memory_space<vmem>>, vector<16xf32>,
          %get3A_238 = arith.index_cast %scan3A_50 : i32 to index
          %get3A_239 = arith.constant 224 : index
          %get3A_240 = tpu.vector_load %arg10[%get3A_238, %get3A_239] {strides = array<i32>} : memref<40x768xf32, #tpu.memory_space<vmem>>, vector<16xf32>,
          %add3A_241 = arith.addf %get3A_237, %get3A_240 : vector<16xf32>
          %swap3A_242 = arith.index_cast %scan3A_50 : i32 to index
          %swap3A_243 = arith.constant 224 : index
          %swap3A_244 = tpu.vector_load %arg11[%swap3A_242, %swap3A_243] {strides = array<i32>} : memref<40x768xf32, #tpu.memory_space<vmem>>, vector<16xf32>,
          tpu.vector_store %arg11[%swap3A_242, %swap3A_243], %add3A_241 {strides = array<i32>} : memref<40x768xf32, #tpu.memory_space<vmem>>, vector<16xf32>,
          %add3A_245 = arith.addf %add3A_232, %add3A_241 : vector<16xf32>
          %mul3A_246 = arith.mulf %add3A_241, %add3A_241 : vector<16xf32>
          %add3A_247 = arith.addf %add3A_234, %mul3A_246 : vector<16xf32>
          %get3A_248 = arith.index_cast %scan3A_50 : i32 to index
          %get3A_249 = arith.constant 240 : index
          %get3A_250 = tpu.vector_load %arg11[%get3A_248, %get3A_249] {strides = array<i32>} : memref<40x768xf32, #tpu.memory_space<vmem>>, vector<16xf32>,
          %get3A_251 = arith.index_cast %scan3A_50 : i32 to index
          %get3A_252 = arith.constant 240 : index
          %get3A_253 = tpu.vector_load %arg10[%get3A_251, %get3A_252] {strides = array<i32>} : memref<40x768xf32, #tpu.memory_space<vmem>>, vector<16xf32>,
          %add3A_254 = arith.addf %get3A_250, %get3A_253 : vector<16xf32>
          %swap3A_255 = arith.index_cast %scan3A_50 : i32 to index
          %swap3A_256 = arith.constant 240 : index
          %swap3A_257 = tpu.vector_load %arg11[%swap3A_255, %swap3A_256] {strides = array<i32>} : memref<40x768xf32, #tpu.memory_space<vmem>>, vector<16xf32>,
          tpu.vector_store %arg11[%swap3A_255, %swap3A_256], %add3A_254 {strides = array<i32>} : memref<40x768xf32, #tpu.memory_space<vmem>>, vector<16xf32>,
          %add3A_258 = arith.addf %add3A_245, %add3A_254 : vector<16xf32>
          %mul3A_259 = arith.mulf %add3A_254, %add3A_254 : vector<16xf32>
          %add3A_260 = arith.addf %add3A_247, %mul3A_259 : vector<16xf32>
          %get3A_261 = arith.index_cast %scan3A_50 : i32 to index
          %get3A_262 = arith.constant 256 : index
          %get3A_263 = tpu.vector_load %arg11[%get3A_261, %get3A_262] {strides = array<i32>} : memref<40x768xf32, #tpu.memory_space<vmem>>, vector<16xf32>,
          %get3A_264 = arith.index_cast %scan3A_50 : i32 to index
          %get3A_265 = arith.constant 256 : index
          %get3A_266 = tpu.vector_load %arg10[%get3A_264, %get3A_265] {strides = array<i32>} : memref<40x768xf32, #tpu.memory_space<vmem>>, vector<16xf32>,
          %add3A_267 = arith.addf %get3A_263, %get3A_266 : vector<16xf32>
          %swap3A_268 = arith.index_cast %scan3A_50 : i32 to index
          %swap3A_269 = arith.constant 256 : index
          %swap3A_270 = tpu.vector_load %arg11[%swap3A_268, %swap3A_269] {strides = array<i32>} : memref<40x768xf32, #tpu.memory_space<vmem>>, vector<16xf32>,
          tpu.vector_store %arg11[%swap3A_268, %swap3A_269], %add3A_267 {strides = array<i32>} : memref<40x768xf32, #tpu.memory_space<vmem>>, vector<16xf32>,
          %add3A_271 = arith.addf %add3A_258, %add3A_267 : vector<16xf32>
          %mul3A_272 = arith.mulf %add3A_267, %add3A_267 : vector<16xf32>
          %add3A_273 = arith.addf %add3A_260, %mul3A_272 : vector<16xf32>
          %get3A_274 = arith.index_cast %scan3A_50 : i32 to index
          %get3A_275 = arith.constant 272 : index
          %get3A_276 = tpu.vector_load %arg11[%get3A_274, %get3A_275] {strides = array<i32>} : memref<40x768xf32, #tpu.memory_space<vmem>>, vector<16xf32>,
          %get3A_277 = arith.index_cast %scan3A_50 : i32 to index
          %get3A_278 = arith.constant 272 : index
          %get3A_279 = tpu.vector_load %arg10[%get3A_277, %get3A_278] {strides = array<i32>} : memref<40x768xf32, #tpu.memory_space<vmem>>, vector<16xf32>,
          %add3A_280 = arith.addf %get3A_276, %get3A_279 : vector<16xf32>
          %swap3A_281 = arith.index_cast %scan3A_50 : i32 to index
          %swap3A_282 = arith.constant 272 : index
          %swap3A_283 = tpu.vector_load %arg11[%swap3A_281, %swap3A_282] {strides = array<i32>} : memref<40x768xf32, #tpu.memory_space<vmem>>, vector<16xf32>,
          tpu.vector_store %arg11[%swap3A_281, %swap3A_282], %add3A_280 {strides = array<i32>} : memref<40x768xf32, #tpu.memory_space<vmem>>, vector<16xf32>,
          %add3A_284 = arith.addf %add3A_271, %add3A_280 : vector<16xf32>
          %mul3A_285 = arith.mulf %add3A_280, %add3A_280 : vector<16xf32>
          %add3A_286 = arith.addf %add3A_273, %mul3A_285 : vector<16xf32>
          %get3A_287 = arith.index_cast %scan3A_50 : i32 to index
          %get3A_288 = arith.constant 288 : index
          %get3A_289 = tpu.vector_load %arg11[%get3A_287, %get3A_288] {strides = array<i32>} : memref<40x768xf32, #tpu.memory_space<vmem>>, vector<16xf32>,
          %get3A_290 = arith.index_cast %scan3A_50 : i32 to index
          %get3A_291 = arith.constant 288 : index
          %get3A_292 = tpu.vector_load %arg10[%get3A_290, %get3A_291] {strides = array<i32>} : memref<40x768xf32, #tpu.memory_space<vmem>>, vector<16xf32>,
          %add3A_293 = arith.addf %get3A_289, %get3A_292 : vector<16xf32>
          %swap3A_294 = arith.index_cast %scan3A_50 : i32 to index
          %swap3A_295 = arith.constant 288 : index
          %swap3A_296 = tpu.vector_load %arg11[%swap3A_294, %swap3A_295] {strides = array<i32>} : memref<40x768xf32, #tpu.memory_space<vmem>>, vector<16xf32>,
          tpu.vector_store %arg11[%swap3A_294, %swap3A_295], %add3A_293 {strides = array<i32>} : memref<40x768xf32, #tpu.memory_space<vmem>>, vector<16xf32>,
          %add3A_297 = arith.addf %add3A_284, %add3A_293 : vector<16xf32>
          %mul3A_298 = arith.mulf %add3A_293, %add3A_293 : vector<16xf32>
          %add3A_299 = arith.addf %add3A_286, %mul3A_298 : vector<16xf32>
          %get3A_300 = arith.index_cast %scan3A_50 : i32 to index
          %get3A_301 = arith.constant 304 : index
          %get3A_302 = tpu.vector_load %arg11[%get3A_300, %get3A_301] {strides = array<i32>} : memref<40x768xf32, #tpu.memory_space<vmem>>, vector<16xf32>,
          %get3A_303 = arith.index_cast %scan3A_50 : i32 to index
          %get3A_304 = arith.constant 304 : index
          %get3A_305 = tpu.vector_load %arg10[%get3A_303, %get3A_304] {strides = array<i32>} : memref<40x768xf32, #tpu.memory_space<vmem>>, vector<16xf32>,
          %add3A_306 = arith.addf %get3A_302, %get3A_305 : vector<16xf32>
          %swap3A_307 = arith.index_cast %scan3A_50 : i32 to index
          %swap3A_308 = arith.constant 304 : index
          %swap3A_309 = tpu.vector_load %arg11[%swap3A_307, %swap3A_308] {strides = array<i32>} : memref<40x768xf32, #tpu.memory_space<vmem>>, vector<16xf32>,
          tpu.vector_store %arg11[%swap3A_307, %swap3A_308], %add3A_306 {strides = array<i32>} : memref<40x768xf32, #tpu.memory_space<vmem>>, vector<16xf32>,
          %add3A_310 = arith.addf %add3A_297, %add3A_306 : vector<16xf32>
          %mul3A_311 = arith.mulf %add3A_306, %add3A_306 : vector<16xf32>
          %add3A_312 = arith.addf %add3A_299, %mul3A_311 : vector<16xf32>
          %get3A_313 = arith.index_cast %scan3A_50 : i32 to index
          %get3A_314 = arith.constant 320 : index
          %get3A_315 = tpu.vector_load %arg11[%get3A_313, %get3A_314] {strides = array<i32>} : memref<40x768xf32, #tpu.memory_space<vmem>>, vector<16xf32>,
          %get3A_316 = arith.index_cast %scan3A_50 : i32 to index
          %get3A_317 = arith.constant 320 : index
          %get3A_318 = tpu.vector_load %arg10[%get3A_316, %get3A_317] {strides = array<i32>} : memref<40x768xf32, #tpu.memory_space<vmem>>, vector<16xf32>,
          %add3A_319 = arith.addf %get3A_315, %get3A_318 : vector<16xf32>
          %swap3A_320 = arith.index_cast %scan3A_50 : i32 to index
          %swap3A_321 = arith.constant 320 : index
          %swap3A_322 = tpu.vector_load %arg11[%swap3A_320, %swap3A_321] {strides = array<i32>} : memref<40x768xf32, #tpu.memory_space<vmem>>, vector<16xf32>,
          tpu.vector_store %arg11[%swap3A_320, %swap3A_321], %add3A_319 {strides = array<i32>} : memref<40x768xf32, #tpu.memory_space<vmem>>, vector<16xf32>,
          %add3A_323 = arith.addf %add3A_310, %add3A_319 : vector<16xf32>
          %mul3A_324 = arith.mulf %add3A_319, %add3A_319 : vector<16xf32>
          %add3A_325 = arith.addf %add3A_312, %mul3A_324 : vector<16xf32>
          %get3A_326 = arith.index_cast %scan3A_50 : i32 to index
          %get3A_327 = arith.constant 336 : index
          %get3A_328 = tpu.vector_load %arg11[%get3A_326, %get3A_327] {strides = array<i32>} : memref<40x768xf32, #tpu.memory_space<vmem>>, vector<16xf32>,
          %get3A_329 = arith.index_cast %scan3A_50 : i32 to index
          %get3A_330 = arith.constant 336 : index
          %get3A_331 = tpu.vector_load %arg10[%get3A_329, %get3A_330] {strides = array<i32>} : memref<40x768xf32, #tpu.memory_space<vmem>>, vector<16xf32>,
          %add3A_332 = arith.addf %get3A_328, %get3A_331 : vector<16xf32>
          %swap3A_333 = arith.index_cast %scan3A_50 : i32 to index
          %swap3A_334 = arith.constant 336 : index
          %swap3A_335 = tpu.vector_load %arg11[%swap3A_333, %swap3A_334] {strides = array<i32>} : memref<40x768xf32, #tpu.memory_space<vmem>>, vector<16xf32>,
          tpu.vector_store %arg11[%swap3A_333, %swap3A_334], %add3A_332 {strides = array<i32>} : memref<40x768xf32, #tpu.memory_space<vmem>>, vector<16xf32>,
          %add3A_336 = arith.addf %add3A_323, %add3A_332 : vector<16xf32>
          %mul3A_337 = arith.mulf %add3A_332, %add3A_332 : vector<16xf32>
          %add3A_338 = arith.addf %add3A_325, %mul3A_337 : vector<16xf32>
          %get3A_339 = arith.index_cast %scan3A_50 : i32 to index
          %get3A_340 = arith.constant 352 : index
          %get3A_341 = tpu.vector_load %arg11[%get3A_339, %get3A_340] {strides = array<i32>} : memref<40x768xf32, #tpu.memory_space<vmem>>, vector<16xf32>,
          %get3A_342 = arith.index_cast %scan3A_50 : i32 to index
          %get3A_343 = arith.constant 352 : index
          %get3A_344 = tpu.vector_load %arg10[%get3A_342, %get3A_343] {strides = array<i32>} : memref<40x768xf32, #tpu.memory_space<vmem>>, vector<16xf32>,
          %add3A_345 = arith.addf %get3A_341, %get3A_344 : vector<16xf32>
          %swap3A_346 = arith.index_cast %scan3A_50 : i32 to index
          %swap3A_347 = arith.constant 352 : index
          %swap3A_348 = tpu.vector_load %arg11[%swap3A_346, %swap3A_347] {strides = array<i32>} : memref<40x768xf32, #tpu.memory_space<vmem>>, vector<16xf32>,
          tpu.vector_store %arg11[%swap3A_346, %swap3A_347], %add3A_345 {strides = array<i32>} : memref<40x768xf32, #tpu.memory_space<vmem>>, vector<16xf32>,
          %add3A_349 = arith.addf %add3A_336, %add3A_345 : vector<16xf32>
          %mul3A_350 = arith.mulf %add3A_345, %add3A_345 : vector<16xf32>
          %add3A_351 = arith.addf %add3A_338, %mul3A_350 : vector<16xf32>
          %get3A_352 = arith.index_cast %scan3A_50 : i32 to index
          %get3A_353 = arith.constant 368 : index
          %get3A_354 = tpu.vector_load %arg11[%get3A_352, %get3A_353] {strides = array<i32>} : memref<40x768xf32, #tpu.memory_space<vmem>>, vector<16xf32>,
          %get3A_355 = arith.index_cast %scan3A_50 : i32 to index
          %get3A_356 = arith.constant 368 : index
          %get3A_357 = tpu.vector_load %arg10[%get3A_355, %get3A_356] {strides = array<i32>} : memref<40x768xf32, #tpu.memory_space<vmem>>, vector<16xf32>,
          %add3A_358 = arith.addf %get3A_354, %get3A_357 : vector<16xf32>
          %swap3A_359 = arith.index_cast %scan3A_50 : i32 to index
          %swap3A_360 = arith.constant 368 : index
          %swap3A_361 = tpu.vector_load %arg11[%swap3A_359, %swap3A_360] {strides = array<i32>} : memref<40x768xf32, #tpu.memory_space<vmem>>, vector<16xf32>,
          tpu.vector_store %arg11[%swap3A_359, %swap3A_360], %add3A_358 {strides = array<i32>} : memref<40x768xf32, #tpu.memory_space<vmem>>, vector<16xf32>,
          %add3A_362 = arith.addf %add3A_349, %add3A_358 : vector<16xf32>
          %mul3A_363 = arith.mulf %add3A_358, %add3A_358 : vector<16xf32>
          %add3A_364 = arith.addf %add3A_351, %mul3A_363 : vector<16xf32>
          %get3A_365 = arith.index_cast %scan3A_50 : i32 to index
          %get3A_366 = arith.constant 384 : index
          %get3A_367 = tpu.vector_load %arg11[%get3A_365, %get3A_366] {strides = array<i32>} : memref<40x768xf32, #tpu.memory_space<vmem>>, vector<16xf32>,
          %get3A_368 = arith.index_cast %scan3A_50 : i32 to index
          %get3A_369 = arith.constant 384 : index
          %get3A_370 = tpu.vector_load %arg10[%get3A_368, %get3A_369] {strides = array<i32>} : memref<40x768xf32, #tpu.memory_space<vmem>>, vector<16xf32>,
          %add3A_371 = arith.addf %get3A_367, %get3A_370 : vector<16xf32>
          %swap3A_372 = arith.index_cast %scan3A_50 : i32 to index
          %swap3A_373 = arith.constant 384 : index
          %swap3A_374 = tpu.vector_load %arg11[%swap3A_372, %swap3A_373] {strides = array<i32>} : memref<40x768xf32, #tpu.memory_space<vmem>>, vector<16xf32>,
          tpu.vector_store %arg11[%swap3A_372, %swap3A_373], %add3A_371 {strides = array<i32>} : memref<40x768xf32, #tpu.memory_space<vmem>>, vector<16xf32>,
          %add3A_375 = arith.addf %add3A_362, %add3A_371 : vector<16xf32>
          %mul3A_376 = arith.mulf %add3A_371, %add3A_371 : vector<16xf32>
          %add3A_377 = arith.addf %add3A_364, %mul3A_376 : vector<16xf32>
          %get3A_378 = arith.index_cast %scan3A_50 : i32 to index
          %get3A_379 = arith.constant 400 : index
          %get3A_380 = tpu.vector_load %arg11[%get3A_378, %get3A_379] {strides = array<i32>} : memref<40x768xf32, #tpu.memory_space<vmem>>, vector<16xf32>,
          %get3A_381 = arith.index_cast %scan3A_50 : i32 to index
          %get3A_382 = arith.constant 400 : index
          %get3A_383 = tpu.vector_load %arg10[%get3A_381, %get3A_382] {strides = array<i32>} : memref<40x768xf32, #tpu.memory_space<vmem>>, vector<16xf32>,
          %add3A_384 = arith.addf %get3A_380, %get3A_383 : vector<16xf32>
          %swap3A_385 = arith.index_cast %scan3A_50 : i32 to index
          %swap3A_386 = arith.constant 400 : index
          %swap3A_387 = tpu.vector_load %arg11[%swap3A_385, %swap3A_386] {strides = array<i32>} : memref<40x768xf32, #tpu.memory_space<vmem>>, vector<16xf32>,
          tpu.vector_store %arg11[%swap3A_385, %swap3A_386], %add3A_384 {strides = array<i32>} : memref<40x768xf32, #tpu.memory_space<vmem>>, vector<16xf32>,
          %add3A_388 = arith.addf %add3A_375, %add3A_384 : vector<16xf32>
          %mul3A_389 = arith.mulf %add3A_384, %add3A_384 : vector<16xf32>
          %add3A_390 = arith.addf %add3A_377, %mul3A_389 : vector<16xf32>
          %get3A_391 = arith.index_cast %scan3A_50 : i32 to index
          %get3A_392 = arith.constant 416 : index
          %get3A_393 = tpu.vector_load %arg11[%get3A_391, %get3A_392] {strides = array<i32>} : memref<40x768xf32, #tpu.memory_space<vmem>>, vector<16xf32>,
          %get3A_394 = arith.index_cast %scan3A_50 : i32 to index
          %get3A_395 = arith.constant 416 : index
          %get3A_396 = tpu.vector_load %arg10[%get3A_394, %get3A_395] {strides = array<i32>} : memref<40x768xf32, #tpu.memory_space<vmem>>, vector<16xf32>,
          %add3A_397 = arith.addf %get3A_393, %get3A_396 : vector<16xf32>
          %swap3A_398 = arith.index_cast %scan3A_50 : i32 to index
          %swap3A_399 = arith.constant 416 : index
          %swap3A_400 = tpu.vector_load %arg11[%swap3A_398, %swap3A_399] {strides = array<i32>} : memref<40x768xf32, #tpu.memory_space<vmem>>, vector<16xf32>,
          tpu.vector_store %arg11[%swap3A_398, %swap3A_399], %add3A_397 {strides = array<i32>} : memref<40x768xf32, #tpu.memory_space<vmem>>, vector<16xf32>,
          %add3A_401 = arith.addf %add3A_388, %add3A_397 : vector<16xf32>
          %mul3A_402 = arith.mulf %add3A_397, %add3A_397 : vector<16xf32>
          %add3A_403 = arith.addf %add3A_390, %mul3A_402 : vector<16xf32>
          %get3A_404 = arith.index_cast %scan3A_50 : i32 to index
          %get3A_405 = arith.constant 432 : index
          %get3A_406 = tpu.vector_load %arg11[%get3A_404, %get3A_405] {strides = array<i32>} : memref<40x768xf32, #tpu.memory_space<vmem>>, vector<16xf32>,
          %get3A_407 = arith.index_cast %scan3A_50 : i32 to index
          %get3A_408 = arith.constant 432 : index
          %get3A_409 = tpu.vector_load %arg10[%get3A_407, %get3A_408] {strides = array<i32>} : memref<40x768xf32, #tpu.memory_space<vmem>>, vector<16xf32>,
          %add3A_410 = arith.addf %get3A_406, %get3A_409 : vector<16xf32>
          %swap3A_411 = arith.index_cast %scan3A_50 : i32 to index
          %swap3A_412 = arith.constant 432 : index
          %swap3A_413 = tpu.vector_load %arg11[%swap3A_411, %swap3A_412] {strides = array<i32>} : memref<40x768xf32, #tpu.memory_space<vmem>>, vector<16xf32>,
          tpu.vector_store %arg11[%swap3A_411, %swap3A_412], %add3A_410 {strides = array<i32>} : memref<40x768xf32, #tpu.memory_space<vmem>>, vector<16xf32>,
          %add3A_414 = arith.addf %add3A_401, %add3A_410 : vector<16xf32>
          %mul3A_415 = arith.mulf %add3A_410, %add3A_410 : vector<16xf32>
          %add3A_416 = arith.addf %add3A_403, %mul3A_415 : vector<16xf32>
          %get3A_417 = arith.index_cast %scan3A_50 : i32 to index
          %get3A_418 = arith.constant 448 : index
          %get3A_419 = tpu.vector_load %arg11[%get3A_417, %get3A_418] {strides = array<i32>} : memref<40x768xf32, #tpu.memory_space<vmem>>, vector<16xf32>,
          %get3A_420 = arith.index_cast %scan3A_50 : i32 to index
          %get3A_421 = arith.constant 448 : index
          %get3A_422 = tpu.vector_load %arg10[%get3A_420, %get3A_421] {strides = array<i32>} : memref<40x768xf32, #tpu.memory_space<vmem>>, vector<16xf32>,
          %add3A_423 = arith.addf %get3A_419, %get3A_422 : vector<16xf32>
          %swap3A_424 = arith.index_cast %scan3A_50 : i32 to index
          %swap3A_425 = arith.constant 448 : index
          %swap3A_426 = tpu.vector_load %arg11[%swap3A_424, %swap3A_425] {strides = array<i32>} : memref<40x768xf32, #tpu.memory_space<vmem>>, vector<16xf32>,
          tpu.vector_store %arg11[%swap3A_424, %swap3A_425], %add3A_423 {strides = array<i32>} : memref<40x768xf32, #tpu.memory_space<vmem>>, vector<16xf32>,
          %add3A_427 = arith.addf %add3A_414, %add3A_423 : vector<16xf32>
          %mul3A_428 = arith.mulf %add3A_423, %add3A_423 : vector<16xf32>
          %add3A_429 = arith.addf %add3A_416, %mul3A_428 : vector<16xf32>
          %get3A_430 = arith.index_cast %scan3A_50 : i32 to index
          %get3A_431 = arith.constant 464 : index
          %get3A_432 = tpu.vector_load %arg11[%get3A_430, %get3A_431] {strides = array<i32>} : memref<40x768xf32, #tpu.memory_space<vmem>>, vector<16xf32>,
          %get3A_433 = arith.index_cast %scan3A_50 : i32 to index
          %get3A_434 = arith.constant 464 : index
          %get3A_435 = tpu.vector_load %arg10[%get3A_433, %get3A_434] {strides = array<i32>} : memref<40x768xf32, #tpu.memory_space<vmem>>, vector<16xf32>,
          %add3A_436 = arith.addf %get3A_432, %get3A_435 : vector<16xf32>
          %swap3A_437 = arith.index_cast %scan3A_50 : i32 to index
          %swap3A_438 = arith.constant 464 : index
          %swap3A_439 = tpu.vector_load %arg11[%swap3A_437, %swap3A_438] {strides = array<i32>} : memref<40x768xf32, #tpu.memory_space<vmem>>, vector<16xf32>,
          tpu.vector_store %arg11[%swap3A_437, %swap3A_438], %add3A_436 {strides = array<i32>} : memref<40x768xf32, #tpu.memory_space<vmem>>, vector<16xf32>,
          %add3A_440 = arith.addf %add3A_427, %add3A_436 : vector<16xf32>
          %mul3A_441 = arith.mulf %add3A_436, %add3A_436 : vector<16xf32>
          %add3A_442 = arith.addf %add3A_429, %mul3A_441 : vector<16xf32>
          %get3A_443 = arith.index_cast %scan3A_50 : i32 to index
          %get3A_444 = arith.constant 480 : index
          %get3A_445 = tpu.vector_load %arg11[%get3A_443, %get3A_444] {strides = array<i32>} : memref<40x768xf32, #tpu.memory_space<vmem>>, vector<16xf32>,
          %get3A_446 = arith.index_cast %scan3A_50 : i32 to index
          %get3A_447 = arith.constant 480 : index
          %get3A_448 = tpu.vector_load %arg10[%get3A_446, %get3A_447] {strides = array<i32>} : memref<40x768xf32, #tpu.memory_space<vmem>>, vector<16xf32>,
          %add3A_449 = arith.addf %get3A_445, %get3A_448 : vector<16xf32>
          %swap3A_450 = arith.index_cast %scan3A_50 : i32 to index
          %swap3A_451 = arith.constant 480 : index
          %swap3A_452 = tpu.vector_load %arg11[%swap3A_450, %swap3A_451] {strides = array<i32>} : memref<40x768xf32, #tpu.memory_space<vmem>>, vector<16xf32>,
          tpu.vector_store %arg11[%swap3A_450, %swap3A_451], %add3A_449 {strides = array<i32>} : memref<40x768xf32, #tpu.memory_space<vmem>>, vector<16xf32>,
          %add3A_453 = arith.addf %add3A_440, %add3A_449 : vector<16xf32>
          %mul3A_454 = arith.mulf %add3A_449, %add3A_449 : vector<16xf32>
          %add3A_455 = arith.addf %add3A_442, %mul3A_454 : vector<16xf32>
          %get3A_456 = arith.index_cast %scan3A_50 : i32 to index
          %get3A_457 = arith.constant 496 : index
          %get3A_458 = tpu.vector_load %arg11[%get3A_456, %get3A_457] {strides = array<i32>} : memref<40x768xf32, #tpu.memory_space<vmem>>, vector<16xf32>,
          %get3A_459 = arith.index_cast %scan3A_50 : i32 to index
          %get3A_460 = arith.constant 496 : index
          %get3A_461 = tpu.vector_load %arg10[%get3A_459, %get3A_460] {strides = array<i32>} : memref<40x768xf32, #tpu.memory_space<vmem>>, vector<16xf32>,
          %add3A_462 = arith.addf %get3A_458, %get3A_461 : vector<16xf32>
          %swap3A_463 = arith.index_cast %scan3A_50 : i32 to index
          %swap3A_464 = arith.constant 496 : index
          %swap3A_465 = tpu.vector_load %arg11[%swap3A_463, %swap3A_464] {strides = array<i32>} : memref<40x768xf32, #tpu.memory_space<vmem>>, vector<16xf32>,
          tpu.vector_store %arg11[%swap3A_463, %swap3A_464], %add3A_462 {strides = array<i32>} : memref<40x768xf32, #tpu.memory_space<vmem>>, vector<16xf32>,
          %add3A_466 = arith.addf %add3A_453, %add3A_462 : vector<16xf32>
          %mul3A_467 = arith.mulf %add3A_462, %add3A_462 : vector<16xf32>
          %add3A_468 = arith.addf %add3A_455, %mul3A_467 : vector<16xf32>
          %get3A_469 = arith.index_cast %scan3A_50 : i32 to index
          %get3A_470 = arith.constant 512 : index
          %get3A_471 = tpu.vector_load %arg11[%get3A_469, %get3A_470] {strides = array<i32>} : memref<40x768xf32, #tpu.memory_space<vmem>>, vector<16xf32>,
          %get3A_472 = arith.index_cast %scan3A_50 : i32 to index
          %get3A_473 = arith.constant 512 : index
          %get3A_474 = tpu.vector_load %arg10[%get3A_472, %get3A_473] {strides = array<i32>} : memref<40x768xf32, #tpu.memory_space<vmem>>, vector<16xf32>,
          %add3A_475 = arith.addf %get3A_471, %get3A_474 : vector<16xf32>
          %swap3A_476 = arith.index_cast %scan3A_50 : i32 to index
          %swap3A_477 = arith.constant 512 : index
          %swap3A_478 = tpu.vector_load %arg11[%swap3A_476, %swap3A_477] {strides = array<i32>} : memref<40x768xf32, #tpu.memory_space<vmem>>, vector<16xf32>,
          tpu.vector_store %arg11[%swap3A_476, %swap3A_477], %add3A_475 {strides = array<i32>} : memref<40x768xf32, #tpu.memory_space<vmem>>, vector<16xf32>,
          %add3A_479 = arith.addf %add3A_466, %add3A_475 : vector<16xf32>
          %mul3A_480 = arith.mulf %add3A_475, %add3A_475 : vector<16xf32>
          %add3A_481 = arith.addf %add3A_468, %mul3A_480 : vector<16xf32>
          %get3A_482 = arith.index_cast %scan3A_50 : i32 to index
          %get3A_483 = arith.constant 528 : index
          %get3A_484 = tpu.vector_load %arg11[%get3A_482, %get3A_483] {strides = array<i32>} : memref<40x768xf32, #tpu.memory_space<vmem>>, vector<16xf32>,
          %get3A_485 = arith.index_cast %scan3A_50 : i32 to index
          %get3A_486 = arith.constant 528 : index
          %get3A_487 = tpu.vector_load %arg10[%get3A_485, %get3A_486] {strides = array<i32>} : memref<40x768xf32, #tpu.memory_space<vmem>>, vector<16xf32>,
          %add3A_488 = arith.addf %get3A_484, %get3A_487 : vector<16xf32>
          %swap3A_489 = arith.index_cast %scan3A_50 : i32 to index
          %swap3A_490 = arith.constant 528 : index
          %swap3A_491 = tpu.vector_load %arg11[%swap3A_489, %swap3A_490] {strides = array<i32>} : memref<40x768xf32, #tpu.memory_space<vmem>>, vector<16xf32>,
          tpu.vector_store %arg11[%swap3A_489, %swap3A_490], %add3A_488 {strides = array<i32>} : memref<40x768xf32, #tpu.memory_space<vmem>>, vector<16xf32>,
          %add3A_492 = arith.addf %add3A_479, %add3A_488 : vector<16xf32>
          %mul3A_493 = arith.mulf %add3A_488, %add3A_488 : vector<16xf32>
          %add3A_494 = arith.addf %add3A_481, %mul3A_493 : vector<16xf32>
          %get3A_495 = arith.index_cast %scan3A_50 : i32 to index
          %get3A_496 = arith.constant 544 : index
          %get3A_497 = tpu.vector_load %arg11[%get3A_495, %get3A_496] {strides = array<i32>} : memref<40x768xf32, #tpu.memory_space<vmem>>, vector<16xf32>,
          %get3A_498 = arith.index_cast %scan3A_50 : i32 to index
          %get3A_499 = arith.constant 544 : index
          %get3A_500 = tpu.vector_load %arg10[%get3A_498, %get3A_499] {strides = array<i32>} : memref<40x768xf32, #tpu.memory_space<vmem>>, vector<16xf32>,
          %add3A_501 = arith.addf %get3A_497, %get3A_500 : vector<16xf32>
          %swap3A_502 = arith.index_cast %scan3A_50 : i32 to index
          %swap3A_503 = arith.constant 544 : index
          %swap3A_504 = tpu.vector_load %arg11[%swap3A_502, %swap3A_503] {strides = array<i32>} : memref<40x768xf32, #tpu.memory_space<vmem>>, vector<16xf32>,
          tpu.vector_store %arg11[%swap3A_502, %swap3A_503], %add3A_501 {strides = array<i32>} : memref<40x768xf32, #tpu.memory_space<vmem>>, vector<16xf32>,
          %add3A_505 = arith.addf %add3A_492, %add3A_501 : vector<16xf32>
          %mul3A_506 = arith.mulf %add3A_501, %add3A_501 : vector<16xf32>
          %add3A_507 = arith.addf %add3A_494, %mul3A_506 : vector<16xf32>
          %get3A_508 = arith.index_cast %scan3A_50 : i32 to index
          %get3A_509 = arith.constant 560 : index
          %get3A_510 = tpu.vector_load %arg11[%get3A_508, %get3A_509] {strides = array<i32>} : memref<40x768xf32, #tpu.memory_space<vmem>>, vector<16xf32>,
          %get3A_511 = arith.index_cast %scan3A_50 : i32 to index
          %get3A_512 = arith.constant 560 : index
          %get3A_513 = tpu.vector_load %arg10[%get3A_511, %get3A_512] {strides = array<i32>} : memref<40x768xf32, #tpu.memory_space<vmem>>, vector<16xf32>,
          %add3A_514 = arith.addf %get3A_510, %get3A_513 : vector<16xf32>
          %swap3A_515 = arith.index_cast %scan3A_50 : i32 to index
          %swap3A_516 = arith.constant 560 : index
          %swap3A_517 = tpu.vector_load %arg11[%swap3A_515, %swap3A_516] {strides = array<i32>} : memref<40x768xf32, #tpu.memory_space<vmem>>, vector<16xf32>,
          tpu.vector_store %arg11[%swap3A_515, %swap3A_516], %add3A_514 {strides = array<i32>} : memref<40x768xf32, #tpu.memory_space<vmem>>, vector<16xf32>,
          %add3A_518 = arith.addf %add3A_505, %add3A_514 : vector<16xf32>
          %mul3A_519 = arith.mulf %add3A_514, %add3A_514 : vector<16xf32>
          %add3A_520 = arith.addf %add3A_507, %mul3A_519 : vector<16xf32>
          %get3A_521 = arith.index_cast %scan3A_50 : i32 to index
          %get3A_522 = arith.constant 576 : index
          %get3A_523 = tpu.vector_load %arg11[%get3A_521, %get3A_522] {strides = array<i32>} : memref<40x768xf32, #tpu.memory_space<vmem>>, vector<16xf32>,
          %get3A_524 = arith.index_cast %scan3A_50 : i32 to index
          %get3A_525 = arith.constant 576 : index
          %get3A_526 = tpu.vector_load %arg10[%get3A_524, %get3A_525] {strides = array<i32>} : memref<40x768xf32, #tpu.memory_space<vmem>>, vector<16xf32>,
          %add3A_527 = arith.addf %get3A_523, %get3A_526 : vector<16xf32>
          %swap3A_528 = arith.index_cast %scan3A_50 : i32 to index
          %swap3A_529 = arith.constant 576 : index
          %swap3A_530 = tpu.vector_load %arg11[%swap3A_528, %swap3A_529] {strides = array<i32>} : memref<40x768xf32, #tpu.memory_space<vmem>>, vector<16xf32>,
          tpu.vector_store %arg11[%swap3A_528, %swap3A_529], %add3A_527 {strides = array<i32>} : memref<40x768xf32, #tpu.memory_space<vmem>>, vector<16xf32>,
          %add3A_531 = arith.addf %add3A_518, %add3A_527 : vector<16xf32>
          %mul3A_532 = arith.mulf %add3A_527, %add3A_527 : vector<16xf32>
          %add3A_533 = arith.addf %add3A_520, %mul3A_532 : vector<16xf32>
          %get3A_534 = arith.index_cast %scan3A_50 : i32 to index
          %get3A_535 = arith.constant 592 : index
          %get3A_536 = tpu.vector_load %arg11[%get3A_534, %get3A_535] {strides = array<i32>} : memref<40x768xf32, #tpu.memory_space<vmem>>, vector<16xf32>,
          %get3A_537 = arith.index_cast %scan3A_50 : i32 to index
          %get3A_538 = arith.constant 592 : index
          %get3A_539 = tpu.vector_load %arg10[%get3A_537, %get3A_538] {strides = array<i32>} : memref<40x768xf32, #tpu.memory_space<vmem>>, vector<16xf32>,
          %add3A_540 = arith.addf %get3A_536, %get3A_539 : vector<16xf32>
          %swap3A_541 = arith.index_cast %scan3A_50 : i32 to index
          %swap3A_542 = arith.constant 592 : index
          %swap3A_543 = tpu.vector_load %arg11[%swap3A_541, %swap3A_542] {strides = array<i32>} : memref<40x768xf32, #tpu.memory_space<vmem>>, vector<16xf32>,
          tpu.vector_store %arg11[%swap3A_541, %swap3A_542], %add3A_540 {strides = array<i32>} : memref<40x768xf32, #tpu.memory_space<vmem>>, vector<16xf32>,
          %add3A_544 = arith.addf %add3A_531, %add3A_540 : vector<16xf32>
          %mul3A_545 = arith.mulf %add3A_540, %add3A_540 : vector<16xf32>
          %add3A_546 = arith.addf %add3A_533, %mul3A_545 : vector<16xf32>
          %get3A_547 = arith.index_cast %scan3A_50 : i32 to index
          %get3A_548 = arith.constant 608 : index
          %get3A_549 = tpu.vector_load %arg11[%get3A_547, %get3A_548] {strides = array<i32>} : memref<40x768xf32, #tpu.memory_space<vmem>>, vector<16xf32>,
          %get3A_550 = arith.index_cast %scan3A_50 : i32 to index
          %get3A_551 = arith.constant 608 : index
          %get3A_552 = tpu.vector_load %arg10[%get3A_550, %get3A_551] {strides = array<i32>} : memref<40x768xf32, #tpu.memory_space<vmem>>, vector<16xf32>,
          %add3A_553 = arith.addf %get3A_549, %get3A_552 : vector<16xf32>
          %swap3A_554 = arith.index_cast %scan3A_50 : i32 to index
          %swap3A_555 = arith.constant 608 : index
          %swap3A_556 = tpu.vector_load %arg11[%swap3A_554, %swap3A_555] {strides = array<i32>} : memref<40x768xf32, #tpu.memory_space<vmem>>, vector<16xf32>,
          tpu.vector_store %arg11[%swap3A_554, %swap3A_555], %add3A_553 {strides = array<i32>} : memref<40x768xf32, #tpu.memory_space<vmem>>, vector<16xf32>,
          %add3A_557 = arith.addf %add3A_544, %add3A_553 : vector<16xf32>
          %mul3A_558 = arith.mulf %add3A_553, %add3A_553 : vector<16xf32>
          %add3A_559 = arith.addf %add3A_546, %mul3A_558 : vector<16xf32>
          %get3A_560 = arith.index_cast %scan3A_50 : i32 to index
          %get3A_561 = arith.constant 624 : index
          %get3A_562 = tpu.vector_load %arg11[%get3A_560, %get3A_561] {strides = array<i32>} : memref<40x768xf32, #tpu.memory_space<vmem>>, vector<16xf32>,
          %get3A_563 = arith.index_cast %scan3A_50 : i32 to index
          %get3A_564 = arith.constant 624 : index
          %get3A_565 = tpu.vector_load %arg10[%get3A_563, %get3A_564] {strides = array<i32>} : memref<40x768xf32, #tpu.memory_space<vmem>>, vector<16xf32>,
          %add3A_566 = arith.addf %get3A_562, %get3A_565 : vector<16xf32>
          %swap3A_567 = arith.index_cast %scan3A_50 : i32 to index
          %swap3A_568 = arith.constant 624 : index
          %swap3A_569 = tpu.vector_load %arg11[%swap3A_567, %swap3A_568] {strides = array<i32>} : memref<40x768xf32, #tpu.memory_space<vmem>>, vector<16xf32>,
          tpu.vector_store %arg11[%swap3A_567, %swap3A_568], %add3A_566 {strides = array<i32>} : memref<40x768xf32, #tpu.memory_space<vmem>>, vector<16xf32>,
          %add3A_570 = arith.addf %add3A_557, %add3A_566 : vector<16xf32>
          %mul3A_571 = arith.mulf %add3A_566, %add3A_566 : vector<16xf32>
          %add3A_572 = arith.addf %add3A_559, %mul3A_571 : vector<16xf32>
          %get3A_573 = arith.index_cast %scan3A_50 : i32 to index
          %get3A_574 = arith.constant 640 : index
          %get3A_575 = tpu.vector_load %arg11[%get3A_573, %get3A_574] {strides = array<i32>} : memref<40x768xf32, #tpu.memory_space<vmem>>, vector<16xf32>,
          %get3A_576 = arith.index_cast %scan3A_50 : i32 to index
          %get3A_577 = arith.constant 640 : index
          %get3A_578 = tpu.vector_load %arg10[%get3A_576, %get3A_577] {strides = array<i32>} : memref<40x768xf32, #tpu.memory_space<vmem>>, vector<16xf32>,
          %add3A_579 = arith.addf %get3A_575, %get3A_578 : vector<16xf32>
          %swap3A_580 = arith.index_cast %scan3A_50 : i32 to index
          %swap3A_581 = arith.constant 640 : index
          %swap3A_582 = tpu.vector_load %arg11[%swap3A_580, %swap3A_581] {strides = array<i32>} : memref<40x768xf32, #tpu.memory_space<vmem>>, vector<16xf32>,
          tpu.vector_store %arg11[%swap3A_580, %swap3A_581], %add3A_579 {strides = array<i32>} : memref<40x768xf32, #tpu.memory_space<vmem>>, vector<16xf32>,
          %add3A_583 = arith.addf %add3A_570, %add3A_579 : vector<16xf32>
          %mul3A_584 = arith.mulf %add3A_579, %add3A_579 : vector<16xf32>
          %add3A_585 = arith.addf %add3A_572, %mul3A_584 : vector<16xf32>
          %get3A_586 = arith.index_cast %scan3A_50 : i32 to index
          %get3A_587 = arith.constant 656 : index
          %get3A_588 = tpu.vector_load %arg11[%get3A_586, %get3A_587] {strides = array<i32>} : memref<40x768xf32, #tpu.memory_space<vmem>>, vector<16xf32>,
          %get3A_589 = arith.index_cast %scan3A_50 : i32 to index
          %get3A_590 = arith.constant 656 : index
          %get3A_591 = tpu.vector_load %arg10[%get3A_589, %get3A_590] {strides = array<i32>} : memref<40x768xf32, #tpu.memory_space<vmem>>, vector<16xf32>,
          %add3A_592 = arith.addf %get3A_588, %get3A_591 : vector<16xf32>
          %swap3A_593 = arith.index_cast %scan3A_50 : i32 to index
          %swap3A_594 = arith.constant 656 : index
          %swap3A_595 = tpu.vector_load %arg11[%swap3A_593, %swap3A_594] {strides = array<i32>} : memref<40x768xf32, #tpu.memory_space<vmem>>, vector<16xf32>,
          tpu.vector_store %arg11[%swap3A_593, %swap3A_594], %add3A_592 {strides = array<i32>} : memref<40x768xf32, #tpu.memory_space<vmem>>, vector<16xf32>,
          %add3A_596 = arith.addf %add3A_583, %add3A_592 : vector<16xf32>
          %mul3A_597 = arith.mulf %add3A_592, %add3A_592 : vector<16xf32>
          %add3A_598 = arith.addf %add3A_585, %mul3A_597 : vector<16xf32>
          %get3A_599 = arith.index_cast %scan3A_50 : i32 to index
          %get3A_600 = arith.constant 672 : index
          %get3A_601 = tpu.vector_load %arg11[%get3A_599, %get3A_600] {strides = array<i32>} : memref<40x768xf32, #tpu.memory_space<vmem>>, vector<16xf32>,
          %get3A_602 = arith.index_cast %scan3A_50 : i32 to index
          %get3A_603 = arith.constant 672 : index
          %get3A_604 = tpu.vector_load %arg10[%get3A_602, %get3A_603] {strides = array<i32>} : memref<40x768xf32, #tpu.memory_space<vmem>>, vector<16xf32>,
          %add3A_605 = arith.addf %get3A_601, %get3A_604 : vector<16xf32>
          %swap3A_606 = arith.index_cast %scan3A_50 : i32 to index
          %swap3A_607 = arith.constant 672 : index
          %swap3A_608 = tpu.vector_load %arg11[%swap3A_606, %swap3A_607] {strides = array<i32>} : memref<40x768xf32, #tpu.memory_space<vmem>>, vector<16xf32>,
          tpu.vector_store %arg11[%swap3A_606, %swap3A_607], %add3A_605 {strides = array<i32>} : memref<40x768xf32, #tpu.memory_space<vmem>>, vector<16xf32>,
          %add3A_609 = arith.addf %add3A_596, %add3A_605 : vector<16xf32>
          %mul3A_610 = arith.mulf %add3A_605, %add3A_605 : vector<16xf32>
          %add3A_611 = arith.addf %add3A_598, %mul3A_610 : vector<16xf32>
          %get3A_612 = arith.index_cast %scan3A_50 : i32 to index
          %get3A_613 = arith.constant 688 : index
          %get3A_614 = tpu.vector_load %arg11[%get3A_612, %get3A_613] {strides = array<i32>} : memref<40x768xf32, #tpu.memory_space<vmem>>, vector<16xf32>,
          %get3A_615 = arith.index_cast %scan3A_50 : i32 to index
          %get3A_616 = arith.constant 688 : index
          %get3A_617 = tpu.vector_load %arg10[%get3A_615, %get3A_616] {strides = array<i32>} : memref<40x768xf32, #tpu.memory_space<vmem>>, vector<16xf32>,
          %add3A_618 = arith.addf %get3A_614, %get3A_617 : vector<16xf32>
          %swap3A_619 = arith.index_cast %scan3A_50 : i32 to index
          %swap3A_620 = arith.constant 688 : index
          %swap3A_621 = tpu.vector_load %arg11[%swap3A_619, %swap3A_620] {strides = array<i32>} : memref<40x768xf32, #tpu.memory_space<vmem>>, vector<16xf32>,
          tpu.vector_store %arg11[%swap3A_619, %swap3A_620], %add3A_618 {strides = array<i32>} : memref<40x768xf32, #tpu.memory_space<vmem>>, vector<16xf32>,
          %add3A_622 = arith.addf %add3A_609, %add3A_618 : vector<16xf32>
          %mul3A_623 = arith.mulf %add3A_618, %add3A_618 : vector<16xf32>
          %add3A_624 = arith.addf %add3A_611, %mul3A_623 : vector<16xf32>
          %get3A_625 = arith.index_cast %scan3A_50 : i32 to index
          %get3A_626 = arith.constant 704 : index
          %get3A_627 = tpu.vector_load %arg11[%get3A_625, %get3A_626] {strides = array<i32>} : memref<40x768xf32, #tpu.memory_space<vmem>>, vector<16xf32>,
          %get3A_628 = arith.index_cast %scan3A_50 : i32 to index
          %get3A_629 = arith.constant 704 : index
          %get3A_630 = tpu.vector_load %arg10[%get3A_628, %get3A_629] {strides = array<i32>} : memref<40x768xf32, #tpu.memory_space<vmem>>, vector<16xf32>,
          %add3A_631 = arith.addf %get3A_627, %get3A_630 : vector<16xf32>
          %swap3A_632 = arith.index_cast %scan3A_50 : i32 to index
          %swap3A_633 = arith.constant 704 : index
          %swap3A_634 = tpu.vector_load %arg11[%swap3A_632, %swap3A_633] {strides = array<i32>} : memref<40x768xf32, #tpu.memory_space<vmem>>, vector<16xf32>,
          tpu.vector_store %arg11[%swap3A_632, %swap3A_633], %add3A_631 {strides = array<i32>} : memref<40x768xf32, #tpu.memory_space<vmem>>, vector<16xf32>,
          %add3A_635 = arith.addf %add3A_622, %add3A_631 : vector<16xf32>
          %mul3A_636 = arith.mulf %add3A_631, %add3A_631 : vector<16xf32>
          %add3A_637 = arith.addf %add3A_624, %mul3A_636 : vector<16xf32>
          %get3A_638 = arith.index_cast %scan3A_50 : i32 to index
          %get3A_639 = arith.constant 720 : index
          %get3A_640 = tpu.vector_load %arg11[%get3A_638, %get3A_639] {strides = array<i32>} : memref<40x768xf32, #tpu.memory_space<vmem>>, vector<16xf32>,
          %get3A_641 = arith.index_cast %scan3A_50 : i32 to index
          %get3A_642 = arith.constant 720 : index
          %get3A_643 = tpu.vector_load %arg10[%get3A_641, %get3A_642] {strides = array<i32>} : memref<40x768xf32, #tpu.memory_space<vmem>>, vector<16xf32>,
          %add3A_644 = arith.addf %get3A_640, %get3A_643 : vector<16xf32>
          %swap3A_645 = arith.index_cast %scan3A_50 : i32 to index
          %swap3A_646 = arith.constant 720 : index
          %swap3A_647 = tpu.vector_load %arg11[%swap3A_645, %swap3A_646] {strides = array<i32>} : memref<40x768xf32, #tpu.memory_space<vmem>>, vector<16xf32>,
          tpu.vector_store %arg11[%swap3A_645, %swap3A_646], %add3A_644 {strides = array<i32>} : memref<40x768xf32, #tpu.memory_space<vmem>>, vector<16xf32>,
          %add3A_648 = arith.addf %add3A_635, %add3A_644 : vector<16xf32>
          %mul3A_649 = arith.mulf %add3A_644, %add3A_644 : vector<16xf32>
          %add3A_650 = arith.addf %add3A_637, %mul3A_649 : vector<16xf32>
          %get3A_651 = arith.index_cast %scan3A_50 : i32 to index
          %get3A_652 = arith.constant 736 : index
          %get3A_653 = tpu.vector_load %arg11[%get3A_651, %get3A_652] {strides = array<i32>} : memref<40x768xf32, #tpu.memory_space<vmem>>, vector<16xf32>,
          %get3A_654 = arith.index_cast %scan3A_50 : i32 to index
          %get3A_655 = arith.constant 736 : index
          %get3A_656 = tpu.vector_load %arg10[%get3A_654, %get3A_655] {strides = array<i32>} : memref<40x768xf32, #tpu.memory_space<vmem>>, vector<16xf32>,
          %add3A_657 = arith.addf %get3A_653, %get3A_656 : vector<16xf32>
          %swap3A_658 = arith.index_cast %scan3A_50 : i32 to index
          %swap3A_659 = arith.constant 736 : index
          %swap3A_660 = tpu.vector_load %arg11[%swap3A_658, %swap3A_659] {strides = array<i32>} : memref<40x768xf32, #tpu.memory_space<vmem>>, vector<16xf32>,
          tpu.vector_store %arg11[%swap3A_658, %swap3A_659], %add3A_657 {strides = array<i32>} : memref<40x768xf32, #tpu.memory_space<vmem>>, vector<16xf32>,
          %add3A_661 = arith.addf %add3A_648, %add3A_657 : vector<16xf32>
          %mul3A_662 = arith.mulf %add3A_657, %add3A_657 : vector<16xf32>
          %add3A_663 = arith.addf %add3A_650, %mul3A_662 : vector<16xf32>
          %get3A_664 = arith.index_cast %scan3A_50 : i32 to index
          %get3A_665 = arith.constant 752 : index
          %get3A_666 = tpu.vector_load %arg11[%get3A_664, %get3A_665] {strides = array<i32>} : memref<40x768xf32, #tpu.memory_space<vmem>>, vector<16xf32>,
          %get3A_667 = arith.index_cast %scan3A_50 : i32 to index
          %get3A_668 = arith.constant 752 : index
          %get3A_669 = tpu.vector_load %arg10[%get3A_667, %get3A_668] {strides = array<i32>} : memref<40x768xf32, #tpu.memory_space<vmem>>, vector<16xf32>,
          %add3A_670 = arith.addf %get3A_666, %get3A_669 : vector<16xf32>
          %swap3A_671 = arith.index_cast %scan3A_50 : i32 to index
          %swap3A_672 = arith.constant 752 : index
          %swap3A_673 = tpu.vector_load %arg11[%swap3A_671, %swap3A_672] {strides = array<i32>} : memref<40x768xf32, #tpu.memory_space<vmem>>, vector<16xf32>,
          tpu.vector_store %arg11[%swap3A_671, %swap3A_672], %add3A_670 {strides = array<i32>} : memref<40x768xf32, #tpu.memory_space<vmem>>, vector<16xf32>,
          %add3A_674 = arith.addf %add3A_661, %add3A_670 : vector<16xf32>
          %mul3A_675 = arith.mulf %add3A_670, %add3A_670 : vector<16xf32>
          %add3A_676 = arith.addf %add3A_663, %mul3A_675 : vector<16xf32>
          %reduce_sum3A = arith.constant true
          %reduce_sum3A_677 = vector.broadcast %reduce_sum3A : i1 to vector<16xi1>
          %reduce_sum3A_678 = tpu.scan <sum>, %add3A_674 masked %reduce_sum3A_677 : vector<16xf32>, vector<16xi1> -> vector<16xf32>
          %reduce_sum3A_679 = vector.extract %reduce_sum3A_678[15] : f32 from vector<16xf32>
          %reduce_sum3A_680 = arith.constant true
          %reduce_sum3A_681 = vector.broadcast %reduce_sum3A_680 : i1 to vector<16xi1>
          %reduce_sum3A_682 = tpu.scan <sum>, %add3A_676 masked %reduce_sum3A_681 : vector<16xf32>, vector<16xi1> -> vector<16xf32>
          %reduce_sum3A_683 = vector.extract %reduce_sum3A_682[15] : f32 from vector<16xf32>
          %mul3A_684 = arith.constant 0.00130208337 : f32
          %mul3A_685 = arith.mulf %reduce_sum3A_679, %mul3A_684 : f32
          %mul3A_686 = arith.constant 0.00130208337 : f32
          %mul3A_687 = arith.mulf %reduce_sum3A_683, %mul3A_686 : f32
          %mul3A_688 = arith.mulf %mul3A_685, %mul3A_685 : f32
          %sub3A = arith.subf %mul3A_687, %mul3A_688 : f32
          %add3A_689 = arith.constant 9.99999974E-6 : f32
          %add3A_690 = arith.addf %sub3A, %add3A_689 : f32
          %broadcast_in_dim3A_691 = vector.broadcast %add3A_690 : f32 to vector<16xf32>
          %bitcast3A = vector.bitcast %broadcast_in_dim3A_691 : vector<16xf32> to vector<16xi32>
          %shift_right_arithmetic3A = arith.constant 1 : i32
          %shift_right_arithmetic3A_692 = vector.broadcast %shift_right_arithmetic3A : i32 to vector<16xi32>
          %shift_right_arithmetic3A_693 = arith.shrsi %bitcast3A, %shift_right_arithmetic3A_692 : vector<16xi32>
          %sub3A_694 = arith.constant 1597463007 : i32
          %sub3A_695 = vector.broadcast %sub3A_694 : i32 to vector<16xi32>
          %sub3A_696 = arith.subi %sub3A_695, %shift_right_arithmetic3A_693 : vector<16xi32>
          %bitcast3A_697 = vector.bitcast %sub3A_696 : vector<16xi32> to vector<16xf32>
          %mul3A_698 = arith.constant 5.000000e-01 : f32
          %mul3A_699 = vector.broadcast %mul3A_698 : f32 to vector<16xf32>
          %mul3A_700 = arith.mulf %mul3A_699, %broadcast_in_dim3A_691 : vector<16xf32>
          %mul3A_701 = arith.mulf %mul3A_700, %bitcast3A_697 : vector<16xf32>
          %mul3A_702 = arith.mulf %mul3A_701, %bitcast3A_697 : vector<16xf32>
          %sub3A_703 = arith.constant 1.500000e+00 : f32
          %sub3A_704 = vector.broadcast %sub3A_703 : f32 to vector<16xf32>
          %sub3A_705 = arith.subf %sub3A_704, %mul3A_702 : vector<16xf32>
          %mul3A_706 = arith.mulf %bitcast3A_697, %sub3A_705 : vector<16xf32>
          %mul3A_707 = arith.constant 5.000000e-01 : f32
          %mul3A_708 = vector.broadcast %mul3A_707 : f32 to vector<16xf32>
          %mul3A_709 = arith.mulf %mul3A_708, %broadcast_in_dim3A_691 : vector<16xf32>
          %mul3A_710 = arith.mulf %mul3A_709, %mul3A_706 : vector<16xf32>
          %mul3A_711 = arith.mulf %mul3A_710, %mul3A_706 : vector<16xf32>
          %sub3A_712 = arith.constant 1.500000e+00 : f32
          %sub3A_713 = vector.broadcast %sub3A_712 : f32 to vector<16xf32>
          %sub3A_714 = arith.subf %sub3A_713, %mul3A_711 : vector<16xf32>
          %mul3A_715 = arith.mulf %mul3A_706, %sub3A_714 : vector<16xf32>
          %mul3A_716 = arith.constant 5.000000e-01 : f32
          %mul3A_717 = vector.broadcast %mul3A_716 : f32 to vector<16xf32>
          %mul3A_718 = arith.mulf %mul3A_717, %broadcast_in_dim3A_691 : vector<16xf32>
          %mul3A_719 = arith.mulf %mul3A_718, %mul3A_715 : vector<16xf32>
          %mul3A_720 = arith.mulf %mul3A_719, %mul3A_715 : vector<16xf32>
          %sub3A_721 = arith.constant 1.500000e+00 : f32
          %sub3A_722 = vector.broadcast %sub3A_721 : f32 to vector<16xf32>
          %sub3A_723 = arith.subf %sub3A_722, %mul3A_720 : vector<16xf32>
          %mul3A_724 = arith.mulf %mul3A_715, %sub3A_723 : vector<16xf32>
          %broadcast_in_dim3A_725 = vector.broadcast %mul3A_685 : f32 to vector<16xf32>
          %get3A_726 = arith.index_cast %scan3A_50 : i32 to index
          %get3A_727 = arith.constant 0 : index
          %get3A_728 = tpu.vector_load %arg11[%get3A_726, %get3A_727] {strides = array<i32>} : memref<40x768xf32, #tpu.memory_space<vmem>>, vector<16xf32>,
          %sub3A_729 = arith.subf %get3A_728, %broadcast_in_dim3A_725 : vector<16xf32>
          %mul3A_730 = arith.mulf %sub3A_729, %mul3A_724 : vector<16xf32>
          %get3A_731 = arith.constant 0 : index
          %get3A_732 = tpu.vector_load %arg13[%get3A_731] {strides = array<i32>} : memref<768xf32, #tpu.memory_space<vmem>>, vector<16xf32>,
          %mul3A_733 = arith.mulf %mul3A_730, %get3A_732 : vector<16xf32>
          %get3A_734 = arith.constant 0 : index
          %get3A_735 = tpu.vector_load %arg14[%get3A_734] {strides = array<i32>} : memref<768xf32, #tpu.memory_space<vmem>>, vector<16xf32>,
          %add3A_736 = arith.addf %mul3A_733, %get3A_735 : vector<16xf32>
          %swap3A_737 = arith.index_cast %scan3A_50 : i32 to index
          %swap3A_738 = arith.constant 0 : index
          %swap3A_739 = tpu.vector_load %arg11[%swap3A_737, %swap3A_738] {strides = array<i32>} : memref<40x768xf32, #tpu.memory_space<vmem>>, vector<16xf32>,
          tpu.vector_store %arg11[%swap3A_737, %swap3A_738], %add3A_736 {strides = array<i32>} : memref<40x768xf32, #tpu.memory_space<vmem>>, vector<16xf32>,
          %get3A_740 = arith.index_cast %scan3A_50 : i32 to index
          %get3A_741 = arith.constant 16 : index
          %get3A_742 = tpu.vector_load %arg11[%get3A_740, %get3A_741] {strides = array<i32>} : memref<40x768xf32, #tpu.memory_space<vmem>>, vector<16xf32>,
          %sub3A_743 = arith.subf %get3A_742, %broadcast_in_dim3A_725 : vector<16xf32>
          %mul3A_744 = arith.mulf %sub3A_743, %mul3A_724 : vector<16xf32>
          %get3A_745 = arith.constant 16 : index
          %get3A_746 = tpu.vector_load %arg13[%get3A_745] {strides = array<i32>} : memref<768xf32, #tpu.memory_space<vmem>>, vector<16xf32>,
          %mul3A_747 = arith.mulf %mul3A_744, %get3A_746 : vector<16xf32>
          %get3A_748 = arith.constant 16 : index
          %get3A_749 = tpu.vector_load %arg14[%get3A_748] {strides = array<i32>} : memref<768xf32, #tpu.memory_space<vmem>>, vector<16xf32>,
          %add3A_750 = arith.addf %mul3A_747, %get3A_749 : vector<16xf32>
          %swap3A_751 = arith.index_cast %scan3A_50 : i32 to index
          %swap3A_752 = arith.constant 16 : index
          %swap3A_753 = tpu.vector_load %arg11[%swap3A_751, %swap3A_752] {strides = array<i32>} : memref<40x768xf32, #tpu.memory_space<vmem>>, vector<16xf32>,
          tpu.vector_store %arg11[%swap3A_751, %swap3A_752], %add3A_750 {strides = array<i32>} : memref<40x768xf32, #tpu.memory_space<vmem>>, vector<16xf32>,
          %get3A_754 = arith.index_cast %scan3A_50 : i32 to index
          %get3A_755 = arith.constant 32 : index
          %get3A_756 = tpu.vector_load %arg11[%get3A_754, %get3A_755] {strides = array<i32>} : memref<40x768xf32, #tpu.memory_space<vmem>>, vector<16xf32>,
          %sub3A_757 = arith.subf %get3A_756, %broadcast_in_dim3A_725 : vector<16xf32>
          %mul3A_758 = arith.mulf %sub3A_757, %mul3A_724 : vector<16xf32>
          %get3A_759 = arith.constant 32 : index
          %get3A_760 = tpu.vector_load %arg13[%get3A_759] {strides = array<i32>} : memref<768xf32, #tpu.memory_space<vmem>>, vector<16xf32>,
          %mul3A_761 = arith.mulf %mul3A_758, %get3A_760 : vector<16xf32>
          %get3A_762 = arith.constant 32 : index
          %get3A_763 = tpu.vector_load %arg14[%get3A_762] {strides = array<i32>} : memref<768xf32, #tpu.memory_space<vmem>>, vector<16xf32>,
          %add3A_764 = arith.addf %mul3A_761, %get3A_763 : vector<16xf32>
          %swap3A_765 = arith.index_cast %scan3A_50 : i32 to index
          %swap3A_766 = arith.constant 32 : index
          %swap3A_767 = tpu.vector_load %arg11[%swap3A_765, %swap3A_766] {strides = array<i32>} : memref<40x768xf32, #tpu.memory_space<vmem>>, vector<16xf32>,
          tpu.vector_store %arg11[%swap3A_765, %swap3A_766], %add3A_764 {strides = array<i32>} : memref<40x768xf32, #tpu.memory_space<vmem>>, vector<16xf32>,
          %get3A_768 = arith.index_cast %scan3A_50 : i32 to index
          %get3A_769 = arith.constant 48 : index
          %get3A_770 = tpu.vector_load %arg11[%get3A_768, %get3A_769] {strides = array<i32>} : memref<40x768xf32, #tpu.memory_space<vmem>>, vector<16xf32>,
          %sub3A_771 = arith.subf %get3A_770, %broadcast_in_dim3A_725 : vector<16xf32>
          %mul3A_772 = arith.mulf %sub3A_771, %mul3A_724 : vector<16xf32>
          %get3A_773 = arith.constant 48 : index
          %get3A_774 = tpu.vector_load %arg13[%get3A_773] {strides = array<i32>} : memref<768xf32, #tpu.memory_space<vmem>>, vector<16xf32>,
          %mul3A_775 = arith.mulf %mul3A_772, %get3A_774 : vector<16xf32>
          %get3A_776 = arith.constant 48 : index
          %get3A_777 = tpu.vector_load %arg14[%get3A_776] {strides = array<i32>} : memref<768xf32, #tpu.memory_space<vmem>>, vector<16xf32>,
          %add3A_778 = arith.addf %mul3A_775, %get3A_777 : vector<16xf32>
          %swap3A_779 = arith.index_cast %scan3A_50 : i32 to index
          %swap3A_780 = arith.constant 48 : index
          %swap3A_781 = tpu.vector_load %arg11[%swap3A_779, %swap3A_780] {strides = array<i32>} : memref<40x768xf32, #tpu.memory_space<vmem>>, vector<16xf32>,
          tpu.vector_store %arg11[%swap3A_779, %swap3A_780], %add3A_778 {strides = array<i32>} : memref<40x768xf32, #tpu.memory_space<vmem>>, vector<16xf32>,
          %get3A_782 = arith.index_cast %scan3A_50 : i32 to index
          %get3A_783 = arith.constant 64 : index
          %get3A_784 = tpu.vector_load %arg11[%get3A_782, %get3A_783] {strides = array<i32>} : memref<40x768xf32, #tpu.memory_space<vmem>>, vector<16xf32>,
          %sub3A_785 = arith.subf %get3A_784, %broadcast_in_dim3A_725 : vector<16xf32>
          %mul3A_786 = arith.mulf %sub3A_785, %mul3A_724 : vector<16xf32>
          %get3A_787 = arith.constant 64 : index
          %get3A_788 = tpu.vector_load %arg13[%get3A_787] {strides = array<i32>} : memref<768xf32, #tpu.memory_space<vmem>>, vector<16xf32>,
          %mul3A_789 = arith.mulf %mul3A_786, %get3A_788 : vector<16xf32>
          %get3A_790 = arith.constant 64 : index
          %get3A_791 = tpu.vector_load %arg14[%get3A_790] {strides = array<i32>} : memref<768xf32, #tpu.memory_space<vmem>>, vector<16xf32>,
          %add3A_792 = arith.addf %mul3A_789, %get3A_791 : vector<16xf32>
          %swap3A_793 = arith.index_cast %scan3A_50 : i32 to index
          %swap3A_794 = arith.constant 64 : index
          %swap3A_795 = tpu.vector_load %arg11[%swap3A_793, %swap3A_794] {strides = array<i32>} : memref<40x768xf32, #tpu.memory_space<vmem>>, vector<16xf32>,
          tpu.vector_store %arg11[%swap3A_793, %swap3A_794], %add3A_792 {strides = array<i32>} : memref<40x768xf32, #tpu.memory_space<vmem>>, vector<16xf32>,
          %get3A_796 = arith.index_cast %scan3A_50 : i32 to index
          %get3A_797 = arith.constant 80 : index
          %get3A_798 = tpu.vector_load %arg11[%get3A_796, %get3A_797] {strides = array<i32>} : memref<40x768xf32, #tpu.memory_space<vmem>>, vector<16xf32>,
          %sub3A_799 = arith.subf %get3A_798, %broadcast_in_dim3A_725 : vector<16xf32>
          %mul3A_800 = arith.mulf %sub3A_799, %mul3A_724 : vector<16xf32>
          %get3A_801 = arith.constant 80 : index
          %get3A_802 = tpu.vector_load %arg13[%get3A_801] {strides = array<i32>} : memref<768xf32, #tpu.memory_space<vmem>>, vector<16xf32>,
          %mul3A_803 = arith.mulf %mul3A_800, %get3A_802 : vector<16xf32>
          %get3A_804 = arith.constant 80 : index
          %get3A_805 = tpu.vector_load %arg14[%get3A_804] {strides = array<i32>} : memref<768xf32, #tpu.memory_space<vmem>>, vector<16xf32>,
          %add3A_806 = arith.addf %mul3A_803, %get3A_805 : vector<16xf32>
          %swap3A_807 = arith.index_cast %scan3A_50 : i32 to index
          %swap3A_808 = arith.constant 80 : index
          %swap3A_809 = tpu.vector_load %arg11[%swap3A_807, %swap3A_808] {strides = array<i32>} : memref<40x768xf32, #tpu.memory_space<vmem>>, vector<16xf32>,
          tpu.vector_store %arg11[%swap3A_807, %swap3A_808], %add3A_806 {strides = array<i32>} : memref<40x768xf32, #tpu.memory_space<vmem>>, vector<16xf32>,
          %get3A_810 = arith.index_cast %scan3A_50 : i32 to index
          %get3A_811 = arith.constant 96 : index
          %get3A_812 = tpu.vector_load %arg11[%get3A_810, %get3A_811] {strides = array<i32>} : memref<40x768xf32, #tpu.memory_space<vmem>>, vector<16xf32>,
          %sub3A_813 = arith.subf %get3A_812, %broadcast_in_dim3A_725 : vector<16xf32>
          %mul3A_814 = arith.mulf %sub3A_813, %mul3A_724 : vector<16xf32>
          %get3A_815 = arith.constant 96 : index
          %get3A_816 = tpu.vector_load %arg13[%get3A_815] {strides = array<i32>} : memref<768xf32, #tpu.memory_space<vmem>>, vector<16xf32>,
          %mul3A_817 = arith.mulf %mul3A_814, %get3A_816 : vector<16xf32>
          %get3A_818 = arith.constant 96 : index
          %get3A_819 = tpu.vector_load %arg14[%get3A_818] {strides = array<i32>} : memref<768xf32, #tpu.memory_space<vmem>>, vector<16xf32>,
          %add3A_820 = arith.addf %mul3A_817, %get3A_819 : vector<16xf32>
          %swap3A_821 = arith.index_cast %scan3A_50 : i32 to index
          %swap3A_822 = arith.constant 96 : index
          %swap3A_823 = tpu.vector_load %arg11[%swap3A_821, %swap3A_822] {strides = array<i32>} : memref<40x768xf32, #tpu.memory_space<vmem>>, vector<16xf32>,
          tpu.vector_store %arg11[%swap3A_821, %swap3A_822], %add3A_820 {strides = array<i32>} : memref<40x768xf32, #tpu.memory_space<vmem>>, vector<16xf32>,
          %get3A_824 = arith.index_cast %scan3A_50 : i32 to index
          %get3A_825 = arith.constant 112 : index
          %get3A_826 = tpu.vector_load %arg11[%get3A_824, %get3A_825] {strides = array<i32>} : memref<40x768xf32, #tpu.memory_space<vmem>>, vector<16xf32>,
          %sub3A_827 = arith.subf %get3A_826, %broadcast_in_dim3A_725 : vector<16xf32>
          %mul3A_828 = arith.mulf %sub3A_827, %mul3A_724 : vector<16xf32>
          %get3A_829 = arith.constant 112 : index
          %get3A_830 = tpu.vector_load %arg13[%get3A_829] {strides = array<i32>} : memref<768xf32, #tpu.memory_space<vmem>>, vector<16xf32>,
          %mul3A_831 = arith.mulf %mul3A_828, %get3A_830 : vector<16xf32>
          %get3A_832 = arith.constant 112 : index
          %get3A_833 = tpu.vector_load %arg14[%get3A_832] {strides = array<i32>} : memref<768xf32, #tpu.memory_space<vmem>>, vector<16xf32>,
          %add3A_834 = arith.addf %mul3A_831, %get3A_833 : vector<16xf32>
          %swap3A_835 = arith.index_cast %scan3A_50 : i32 to index
          %swap3A_836 = arith.constant 112 : index
          %swap3A_837 = tpu.vector_load %arg11[%swap3A_835, %swap3A_836] {strides = array<i32>} : memref<40x768xf32, #tpu.memory_space<vmem>>, vector<16xf32>,
          tpu.vector_store %arg11[%swap3A_835, %swap3A_836], %add3A_834 {strides = array<i32>} : memref<40x768xf32, #tpu.memory_space<vmem>>, vector<16xf32>,
          %get3A_838 = arith.index_cast %scan3A_50 : i32 to index
          %get3A_839 = arith.constant 128 : index
          %get3A_840 = tpu.vector_load %arg11[%get3A_838, %get3A_839] {strides = array<i32>} : memref<40x768xf32, #tpu.memory_space<vmem>>, vector<16xf32>,
          %sub3A_841 = arith.subf %get3A_840, %broadcast_in_dim3A_725 : vector<16xf32>
          %mul3A_842 = arith.mulf %sub3A_841, %mul3A_724 : vector<16xf32>
          %get3A_843 = arith.constant 128 : index
          %get3A_844 = tpu.vector_load %arg13[%get3A_843] {strides = array<i32>} : memref<768xf32, #tpu.memory_space<vmem>>, vector<16xf32>,
          %mul3A_845 = arith.mulf %mul3A_842, %get3A_844 : vector<16xf32>
          %get3A_846 = arith.constant 128 : index
          %get3A_847 = tpu.vector_load %arg14[%get3A_846] {strides = array<i32>} : memref<768xf32, #tpu.memory_space<vmem>>, vector<16xf32>,
          %add3A_848 = arith.addf %mul3A_845, %get3A_847 : vector<16xf32>
          %swap3A_849 = arith.index_cast %scan3A_50 : i32 to index
          %swap3A_850 = arith.constant 128 : index
          %swap3A_851 = tpu.vector_load %arg11[%swap3A_849, %swap3A_850] {strides = array<i32>} : memref<40x768xf32, #tpu.memory_space<vmem>>, vector<16xf32>,
          tpu.vector_store %arg11[%swap3A_849, %swap3A_850], %add3A_848 {strides = array<i32>} : memref<40x768xf32, #tpu.memory_space<vmem>>, vector<16xf32>,
          %get3A_852 = arith.index_cast %scan3A_50 : i32 to index
          %get3A_853 = arith.constant 144 : index
          %get3A_854 = tpu.vector_load %arg11[%get3A_852, %get3A_853] {strides = array<i32>} : memref<40x768xf32, #tpu.memory_space<vmem>>, vector<16xf32>,
          %sub3A_855 = arith.subf %get3A_854, %broadcast_in_dim3A_725 : vector<16xf32>
          %mul3A_856 = arith.mulf %sub3A_855, %mul3A_724 : vector<16xf32>
          %get3A_857 = arith.constant 144 : index
          %get3A_858 = tpu.vector_load %arg13[%get3A_857] {strides = array<i32>} : memref<768xf32, #tpu.memory_space<vmem>>, vector<16xf32>,
          %mul3A_859 = arith.mulf %mul3A_856, %get3A_858 : vector<16xf32>
          %get3A_860 = arith.constant 144 : index
          %get3A_861 = tpu.vector_load %arg14[%get3A_860] {strides = array<i32>} : memref<768xf32, #tpu.memory_space<vmem>>, vector<16xf32>,
          %add3A_862 = arith.addf %mul3A_859, %get3A_861 : vector<16xf32>
          %swap3A_863 = arith.index_cast %scan3A_50 : i32 to index
          %swap3A_864 = arith.constant 144 : index
          %swap3A_865 = tpu.vector_load %arg11[%swap3A_863, %swap3A_864] {strides = array<i32>} : memref<40x768xf32, #tpu.memory_space<vmem>>, vector<16xf32>,
          tpu.vector_store %arg11[%swap3A_863, %swap3A_864], %add3A_862 {strides = array<i32>} : memref<40x768xf32, #tpu.memory_space<vmem>>, vector<16xf32>,
          %get3A_866 = arith.index_cast %scan3A_50 : i32 to index
          %get3A_867 = arith.constant 160 : index
          %get3A_868 = tpu.vector_load %arg11[%get3A_866, %get3A_867] {strides = array<i32>} : memref<40x768xf32, #tpu.memory_space<vmem>>, vector<16xf32>,
          %sub3A_869 = arith.subf %get3A_868, %broadcast_in_dim3A_725 : vector<16xf32>
          %mul3A_870 = arith.mulf %sub3A_869, %mul3A_724 : vector<16xf32>
          %get3A_871 = arith.constant 160 : index
          %get3A_872 = tpu.vector_load %arg13[%get3A_871] {strides = array<i32>} : memref<768xf32, #tpu.memory_space<vmem>>, vector<16xf32>,
          %mul3A_873 = arith.mulf %mul3A_870, %get3A_872 : vector<16xf32>
          %get3A_874 = arith.constant 160 : index
          %get3A_875 = tpu.vector_load %arg14[%get3A_874] {strides = array<i32>} : memref<768xf32, #tpu.memory_space<vmem>>, vector<16xf32>,
          %add3A_876 = arith.addf %mul3A_873, %get3A_875 : vector<16xf32>
          %swap3A_877 = arith.index_cast %scan3A_50 : i32 to index
          %swap3A_878 = arith.constant 160 : index
          %swap3A_879 = tpu.vector_load %arg11[%swap3A_877, %swap3A_878] {strides = array<i32>} : memref<40x768xf32, #tpu.memory_space<vmem>>, vector<16xf32>,
          tpu.vector_store %arg11[%swap3A_877, %swap3A_878], %add3A_876 {strides = array<i32>} : memref<40x768xf32, #tpu.memory_space<vmem>>, vector<16xf32>,
          %get3A_880 = arith.index_cast %scan3A_50 : i32 to index
          %get3A_881 = arith.constant 176 : index
          %get3A_882 = tpu.vector_load %arg11[%get3A_880, %get3A_881] {strides = array<i32>} : memref<40x768xf32, #tpu.memory_space<vmem>>, vector<16xf32>,
          %sub3A_883 = arith.subf %get3A_882, %broadcast_in_dim3A_725 : vector<16xf32>
          %mul3A_884 = arith.mulf %sub3A_883, %mul3A_724 : vector<16xf32>
          %get3A_885 = arith.constant 176 : index
          %get3A_886 = tpu.vector_load %arg13[%get3A_885] {strides = array<i32>} : memref<768xf32, #tpu.memory_space<vmem>>, vector<16xf32>,
          %mul3A_887 = arith.mulf %mul3A_884, %get3A_886 : vector<16xf32>
          %get3A_888 = arith.constant 176 : index
          %get3A_889 = tpu.vector_load %arg14[%get3A_888] {strides = array<i32>} : memref<768xf32, #tpu.memory_space<vmem>>, vector<16xf32>,
          %add3A_890 = arith.addf %mul3A_887, %get3A_889 : vector<16xf32>
          %swap3A_891 = arith.index_cast %scan3A_50 : i32 to index
          %swap3A_892 = arith.constant 176 : index
          %swap3A_893 = tpu.vector_load %arg11[%swap3A_891, %swap3A_892] {strides = array<i32>} : memref<40x768xf32, #tpu.memory_space<vmem>>, vector<16xf32>,
          tpu.vector_store %arg11[%swap3A_891, %swap3A_892], %add3A_890 {strides = array<i32>} : memref<40x768xf32, #tpu.memory_space<vmem>>, vector<16xf32>,
          %get3A_894 = arith.index_cast %scan3A_50 : i32 to index
          %get3A_895 = arith.constant 192 : index
          %get3A_896 = tpu.vector_load %arg11[%get3A_894, %get3A_895] {strides = array<i32>} : memref<40x768xf32, #tpu.memory_space<vmem>>, vector<16xf32>,
          %sub3A_897 = arith.subf %get3A_896, %broadcast_in_dim3A_725 : vector<16xf32>
          %mul3A_898 = arith.mulf %sub3A_897, %mul3A_724 : vector<16xf32>
          %get3A_899 = arith.constant 192 : index
          %get3A_900 = tpu.vector_load %arg13[%get3A_899] {strides = array<i32>} : memref<768xf32, #tpu.memory_space<vmem>>, vector<16xf32>,
          %mul3A_901 = arith.mulf %mul3A_898, %get3A_900 : vector<16xf32>
          %get3A_902 = arith.constant 192 : index
          %get3A_903 = tpu.vector_load %arg14[%get3A_902] {strides = array<i32>} : memref<768xf32, #tpu.memory_space<vmem>>, vector<16xf32>,
          %add3A_904 = arith.addf %mul3A_901, %get3A_903 : vector<16xf32>
          %swap3A_905 = arith.index_cast %scan3A_50 : i32 to index
          %swap3A_906 = arith.constant 192 : index
          %swap3A_907 = tpu.vector_load %arg11[%swap3A_905, %swap3A_906] {strides = array<i32>} : memref<40x768xf32, #tpu.memory_space<vmem>>, vector<16xf32>,
          tpu.vector_store %arg11[%swap3A_905, %swap3A_906], %add3A_904 {strides = array<i32>} : memref<40x768xf32, #tpu.memory_space<vmem>>, vector<16xf32>,
          %get3A_908 = arith.index_cast %scan3A_50 : i32 to index
          %get3A_909 = arith.constant 208 : index
          %get3A_910 = tpu.vector_load %arg11[%get3A_908, %get3A_909] {strides = array<i32>} : memref<40x768xf32, #tpu.memory_space<vmem>>, vector<16xf32>,
          %sub3A_911 = arith.subf %get3A_910, %broadcast_in_dim3A_725 : vector<16xf32>
          %mul3A_912 = arith.mulf %sub3A_911, %mul3A_724 : vector<16xf32>
          %get3A_913 = arith.constant 208 : index
          %get3A_914 = tpu.vector_load %arg13[%get3A_913] {strides = array<i32>} : memref<768xf32, #tpu.memory_space<vmem>>, vector<16xf32>,
          %mul3A_915 = arith.mulf %mul3A_912, %get3A_914 : vector<16xf32>
          %get3A_916 = arith.constant 208 : index
          %get3A_917 = tpu.vector_load %arg14[%get3A_916] {strides = array<i32>} : memref<768xf32, #tpu.memory_space<vmem>>, vector<16xf32>,
          %add3A_918 = arith.addf %mul3A_915, %get3A_917 : vector<16xf32>
          %swap3A_919 = arith.index_cast %scan3A_50 : i32 to index
          %swap3A_920 = arith.constant 208 : index
          %swap3A_921 = tpu.vector_load %arg11[%swap3A_919, %swap3A_920] {strides = array<i32>} : memref<40x768xf32, #tpu.memory_space<vmem>>, vector<16xf32>,
          tpu.vector_store %arg11[%swap3A_919, %swap3A_920], %add3A_918 {strides = array<i32>} : memref<40x768xf32, #tpu.memory_space<vmem>>, vector<16xf32>,
          %get3A_922 = arith.index_cast %scan3A_50 : i32 to index
          %get3A_923 = arith.constant 224 : index
          %get3A_924 = tpu.vector_load %arg11[%get3A_922, %get3A_923] {strides = array<i32>} : memref<40x768xf32, #tpu.memory_space<vmem>>, vector<16xf32>,
          %sub3A_925 = arith.subf %get3A_924, %broadcast_in_dim3A_725 : vector<16xf32>
          %mul3A_926 = arith.mulf %sub3A_925, %mul3A_724 : vector<16xf32>
          %get3A_927 = arith.constant 224 : index
          %get3A_928 = tpu.vector_load %arg13[%get3A_927] {strides = array<i32>} : memref<768xf32, #tpu.memory_space<vmem>>, vector<16xf32>,
          %mul3A_929 = arith.mulf %mul3A_926, %get3A_928 : vector<16xf32>
          %get3A_930 = arith.constant 224 : index
          %get3A_931 = tpu.vector_load %arg14[%get3A_930] {strides = array<i32>} : memref<768xf32, #tpu.memory_space<vmem>>, vector<16xf32>,
          %add3A_932 = arith.addf %mul3A_929, %get3A_931 : vector<16xf32>
          %swap3A_933 = arith.index_cast %scan3A_50 : i32 to index
          %swap3A_934 = arith.constant 224 : index
          %swap3A_935 = tpu.vector_load %arg11[%swap3A_933, %swap3A_934] {strides = array<i32>} : memref<40x768xf32, #tpu.memory_space<vmem>>, vector<16xf32>,
          tpu.vector_store %arg11[%swap3A_933, %swap3A_934], %add3A_932 {strides = array<i32>} : memref<40x768xf32, #tpu.memory_space<vmem>>, vector<16xf32>,
          %get3A_936 = arith.index_cast %scan3A_50 : i32 to index
          %get3A_937 = arith.constant 240 : index
          %get3A_938 = tpu.vector_load %arg11[%get3A_936, %get3A_937] {strides = array<i32>} : memref<40x768xf32, #tpu.memory_space<vmem>>, vector<16xf32>,
          %sub3A_939 = arith.subf %get3A_938, %broadcast_in_dim3A_725 : vector<16xf32>
          %mul3A_940 = arith.mulf %sub3A_939, %mul3A_724 : vector<16xf32>
          %get3A_941 = arith.constant 240 : index
          %get3A_942 = tpu.vector_load %arg13[%get3A_941] {strides = array<i32>} : memref<768xf32, #tpu.memory_space<vmem>>, vector<16xf32>,
          %mul3A_943 = arith.mulf %mul3A_940, %get3A_942 : vector<16xf32>
          %get3A_944 = arith.constant 240 : index
          %get3A_945 = tpu.vector_load %arg14[%get3A_944] {strides = array<i32>} : memref<768xf32, #tpu.memory_space<vmem>>, vector<16xf32>,
          %add3A_946 = arith.addf %mul3A_943, %get3A_945 : vector<16xf32>
          %swap3A_947 = arith.index_cast %scan3A_50 : i32 to index
          %swap3A_948 = arith.constant 240 : index
          %swap3A_949 = tpu.vector_load %arg11[%swap3A_947, %swap3A_948] {strides = array<i32>} : memref<40x768xf32, #tpu.memory_space<vmem>>, vector<16xf32>,
          tpu.vector_store %arg11[%swap3A_947, %swap3A_948], %add3A_946 {strides = array<i32>} : memref<40x768xf32, #tpu.memory_space<vmem>>, vector<16xf32>,
          %get3A_950 = arith.index_cast %scan3A_50 : i32 to index
          %get3A_951 = arith.constant 256 : index
          %get3A_952 = tpu.vector_load %arg11[%get3A_950, %get3A_951] {strides = array<i32>} : memref<40x768xf32, #tpu.memory_space<vmem>>, vector<16xf32>,
          %sub3A_953 = arith.subf %get3A_952, %broadcast_in_dim3A_725 : vector<16xf32>
          %mul3A_954 = arith.mulf %sub3A_953, %mul3A_724 : vector<16xf32>
          %get3A_955 = arith.constant 256 : index
          %get3A_956 = tpu.vector_load %arg13[%get3A_955] {strides = array<i32>} : memref<768xf32, #tpu.memory_space<vmem>>, vector<16xf32>,
          %mul3A_957 = arith.mulf %mul3A_954, %get3A_956 : vector<16xf32>
          %get3A_958 = arith.constant 256 : index
          %get3A_959 = tpu.vector_load %arg14[%get3A_958] {strides = array<i32>} : memref<768xf32, #tpu.memory_space<vmem>>, vector<16xf32>,
          %add3A_960 = arith.addf %mul3A_957, %get3A_959 : vector<16xf32>
          %swap3A_961 = arith.index_cast %scan3A_50 : i32 to index
          %swap3A_962 = arith.constant 256 : index
          %swap3A_963 = tpu.vector_load %arg11[%swap3A_961, %swap3A_962] {strides = array<i32>} : memref<40x768xf32, #tpu.memory_space<vmem>>, vector<16xf32>,
          tpu.vector_store %arg11[%swap3A_961, %swap3A_962], %add3A_960 {strides = array<i32>} : memref<40x768xf32, #tpu.memory_space<vmem>>, vector<16xf32>,
          %get3A_964 = arith.index_cast %scan3A_50 : i32 to index
          %get3A_965 = arith.constant 272 : index
          %get3A_966 = tpu.vector_load %arg11[%get3A_964, %get3A_965] {strides = array<i32>} : memref<40x768xf32, #tpu.memory_space<vmem>>, vector<16xf32>,
          %sub3A_967 = arith.subf %get3A_966, %broadcast_in_dim3A_725 : vector<16xf32>
          %mul3A_968 = arith.mulf %sub3A_967, %mul3A_724 : vector<16xf32>
          %get3A_969 = arith.constant 272 : index
          %get3A_970 = tpu.vector_load %arg13[%get3A_969] {strides = array<i32>} : memref<768xf32, #tpu.memory_space<vmem>>, vector<16xf32>,
          %mul3A_971 = arith.mulf %mul3A_968, %get3A_970 : vector<16xf32>
          %get3A_972 = arith.constant 272 : index
          %get3A_973 = tpu.vector_load %arg14[%get3A_972] {strides = array<i32>} : memref<768xf32, #tpu.memory_space<vmem>>, vector<16xf32>,
          %add3A_974 = arith.addf %mul3A_971, %get3A_973 : vector<16xf32>
          %swap3A_975 = arith.index_cast %scan3A_50 : i32 to index
          %swap3A_976 = arith.constant 272 : index
          %swap3A_977 = tpu.vector_load %arg11[%swap3A_975, %swap3A_976] {strides = array<i32>} : memref<40x768xf32, #tpu.memory_space<vmem>>, vector<16xf32>,
          tpu.vector_store %arg11[%swap3A_975, %swap3A_976], %add3A_974 {strides = array<i32>} : memref<40x768xf32, #tpu.memory_space<vmem>>, vector<16xf32>,
          %get3A_978 = arith.index_cast %scan3A_50 : i32 to index
          %get3A_979 = arith.constant 288 : index
          %get3A_980 = tpu.vector_load %arg11[%get3A_978, %get3A_979] {strides = array<i32>} : memref<40x768xf32, #tpu.memory_space<vmem>>, vector<16xf32>,
          %sub3A_981 = arith.subf %get3A_980, %broadcast_in_dim3A_725 : vector<16xf32>
          %mul3A_982 = arith.mulf %sub3A_981, %mul3A_724 : vector<16xf32>
          %get3A_983 = arith.constant 288 : index
          %get3A_984 = tpu.vector_load %arg13[%get3A_983] {strides = array<i32>} : memref<768xf32, #tpu.memory_space<vmem>>, vector<16xf32>,
          %mul3A_985 = arith.mulf %mul3A_982, %get3A_984 : vector<16xf32>
          %get3A_986 = arith.constant 288 : index
          %get3A_987 = tpu.vector_load %arg14[%get3A_986] {strides = array<i32>} : memref<768xf32, #tpu.memory_space<vmem>>, vector<16xf32>,
          %add3A_988 = arith.addf %mul3A_985, %get3A_987 : vector<16xf32>
          %swap3A_989 = arith.index_cast %scan3A_50 : i32 to index
          %swap3A_990 = arith.constant 288 : index
          %swap3A_991 = tpu.vector_load %arg11[%swap3A_989, %swap3A_990] {strides = array<i32>} : memref<40x768xf32, #tpu.memory_space<vmem>>, vector<16xf32>,
          tpu.vector_store %arg11[%swap3A_989, %swap3A_990], %add3A_988 {strides = array<i32>} : memref<40x768xf32, #tpu.memory_space<vmem>>, vector<16xf32>,
          %get3A_992 = arith.index_cast %scan3A_50 : i32 to index
          %get3A_993 = arith.constant 304 : index
          %get3A_994 = tpu.vector_load %arg11[%get3A_992, %get3A_993] {strides = array<i32>} : memref<40x768xf32, #tpu.memory_space<vmem>>, vector<16xf32>,
          %sub3A_995 = arith.subf %get3A_994, %broadcast_in_dim3A_725 : vector<16xf32>
          %mul3A_996 = arith.mulf %sub3A_995, %mul3A_724 : vector<16xf32>
          %get3A_997 = arith.constant 304 : index
          %get3A_998 = tpu.vector_load %arg13[%get3A_997] {strides = array<i32>} : memref<768xf32, #tpu.memory_space<vmem>>, vector<16xf32>,
          %mul3A_999 = arith.mulf %mul3A_996, %get3A_998 : vector<16xf32>
          %get3A_1000 = arith.constant 304 : index
          %get3A_1001 = tpu.vector_load %arg14[%get3A_1000] {strides = array<i32>} : memref<768xf32, #tpu.memory_space<vmem>>, vector<16xf32>,
          %add3A_1002 = arith.addf %mul3A_999, %get3A_1001 : vector<16xf32>
          %swap3A_1003 = arith.index_cast %scan3A_50 : i32 to index
          %swap3A_1004 = arith.constant 304 : index
          %swap3A_1005 = tpu.vector_load %arg11[%swap3A_1003, %swap3A_1004] {strides = array<i32>} : memref<40x768xf32, #tpu.memory_space<vmem>>, vector<16xf32>,
          tpu.vector_store %arg11[%swap3A_1003, %swap3A_1004], %add3A_1002 {strides = array<i32>} : memref<40x768xf32, #tpu.memory_space<vmem>>, vector<16xf32>,
          %get3A_1006 = arith.index_cast %scan3A_50 : i32 to index
          %get3A_1007 = arith.constant 320 : index
          %get3A_1008 = tpu.vector_load %arg11[%get3A_1006, %get3A_1007] {strides = array<i32>} : memref<40x768xf32, #tpu.memory_space<vmem>>, vector<16xf32>,
          %sub3A_1009 = arith.subf %get3A_1008, %broadcast_in_dim3A_725 : vector<16xf32>
          %mul3A_1010 = arith.mulf %sub3A_1009, %mul3A_724 : vector<16xf32>
          %get3A_1011 = arith.constant 320 : index
          %get3A_1012 = tpu.vector_load %arg13[%get3A_1011] {strides = array<i32>} : memref<768xf32, #tpu.memory_space<vmem>>, vector<16xf32>,
          %mul3A_1013 = arith.mulf %mul3A_1010, %get3A_1012 : vector<16xf32>
          %get3A_1014 = arith.constant 320 : index
          %get3A_1015 = tpu.vector_load %arg14[%get3A_1014] {strides = array<i32>} : memref<768xf32, #tpu.memory_space<vmem>>, vector<16xf32>,
          %add3A_1016 = arith.addf %mul3A_1013, %get3A_1015 : vector<16xf32>
          %swap3A_1017 = arith.index_cast %scan3A_50 : i32 to index
          %swap3A_1018 = arith.constant 320 : index
          %swap3A_1019 = tpu.vector_load %arg11[%swap3A_1017, %swap3A_1018] {strides = array<i32>} : memref<40x768xf32, #tpu.memory_space<vmem>>, vector<16xf32>,
          tpu.vector_store %arg11[%swap3A_1017, %swap3A_1018], %add3A_1016 {strides = array<i32>} : memref<40x768xf32, #tpu.memory_space<vmem>>, vector<16xf32>,
          %get3A_1020 = arith.index_cast %scan3A_50 : i32 to index
          %get3A_1021 = arith.constant 336 : index
          %get3A_1022 = tpu.vector_load %arg11[%get3A_1020, %get3A_1021] {strides = array<i32>} : memref<40x768xf32, #tpu.memory_space<vmem>>, vector<16xf32>,
          %sub3A_1023 = arith.subf %get3A_1022, %broadcast_in_dim3A_725 : vector<16xf32>
          %mul3A_1024 = arith.mulf %sub3A_1023, %mul3A_724 : vector<16xf32>
          %get3A_1025 = arith.constant 336 : index
          %get3A_1026 = tpu.vector_load %arg13[%get3A_1025] {strides = array<i32>} : memref<768xf32, #tpu.memory_space<vmem>>, vector<16xf32>,
          %mul3A_1027 = arith.mulf %mul3A_1024, %get3A_1026 : vector<16xf32>
          %get3A_1028 = arith.constant 336 : index
          %get3A_1029 = tpu.vector_load %arg14[%get3A_1028] {strides = array<i32>} : memref<768xf32, #tpu.memory_space<vmem>>, vector<16xf32>,
          %add3A_1030 = arith.addf %mul3A_1027, %get3A_1029 : vector<16xf32>
          %swap3A_1031 = arith.index_cast %scan3A_50 : i32 to index
          %swap3A_1032 = arith.constant 336 : index
          %swap3A_1033 = tpu.vector_load %arg11[%swap3A_1031, %swap3A_1032] {strides = array<i32>} : memref<40x768xf32, #tpu.memory_space<vmem>>, vector<16xf32>,
          tpu.vector_store %arg11[%swap3A_1031, %swap3A_1032], %add3A_1030 {strides = array<i32>} : memref<40x768xf32, #tpu.memory_space<vmem>>, vector<16xf32>,
          %get3A_1034 = arith.index_cast %scan3A_50 : i32 to index
          %get3A_1035 = arith.constant 352 : index
          %get3A_1036 = tpu.vector_load %arg11[%get3A_1034, %get3A_1035] {strides = array<i32>} : memref<40x768xf32, #tpu.memory_space<vmem>>, vector<16xf32>,
          %sub3A_1037 = arith.subf %get3A_1036, %broadcast_in_dim3A_725 : vector<16xf32>
          %mul3A_1038 = arith.mulf %sub3A_1037, %mul3A_724 : vector<16xf32>
          %get3A_1039 = arith.constant 352 : index
          %get3A_1040 = tpu.vector_load %arg13[%get3A_1039] {strides = array<i32>} : memref<768xf32, #tpu.memory_space<vmem>>, vector<16xf32>,
          %mul3A_1041 = arith.mulf %mul3A_1038, %get3A_1040 : vector<16xf32>
          %get3A_1042 = arith.constant 352 : index
          %get3A_1043 = tpu.vector_load %arg14[%get3A_1042] {strides = array<i32>} : memref<768xf32, #tpu.memory_space<vmem>>, vector<16xf32>,
          %add3A_1044 = arith.addf %mul3A_1041, %get3A_1043 : vector<16xf32>
          %swap3A_1045 = arith.index_cast %scan3A_50 : i32 to index
          %swap3A_1046 = arith.constant 352 : index
          %swap3A_1047 = tpu.vector_load %arg11[%swap3A_1045, %swap3A_1046] {strides = array<i32>} : memref<40x768xf32, #tpu.memory_space<vmem>>, vector<16xf32>,
          tpu.vector_store %arg11[%swap3A_1045, %swap3A_1046], %add3A_1044 {strides = array<i32>} : memref<40x768xf32, #tpu.memory_space<vmem>>, vector<16xf32>,
          %get3A_1048 = arith.index_cast %scan3A_50 : i32 to index
          %get3A_1049 = arith.constant 368 : index
          %get3A_1050 = tpu.vector_load %arg11[%get3A_1048, %get3A_1049] {strides = array<i32>} : memref<40x768xf32, #tpu.memory_space<vmem>>, vector<16xf32>,
          %sub3A_1051 = arith.subf %get3A_1050, %broadcast_in_dim3A_725 : vector<16xf32>
          %mul3A_1052 = arith.mulf %sub3A_1051, %mul3A_724 : vector<16xf32>
          %get3A_1053 = arith.constant 368 : index
          %get3A_1054 = tpu.vector_load %arg13[%get3A_1053] {strides = array<i32>} : memref<768xf32, #tpu.memory_space<vmem>>, vector<16xf32>,
          %mul3A_1055 = arith.mulf %mul3A_1052, %get3A_1054 : vector<16xf32>
          %get3A_1056 = arith.constant 368 : index
          %get3A_1057 = tpu.vector_load %arg14[%get3A_1056] {strides = array<i32>} : memref<768xf32, #tpu.memory_space<vmem>>, vector<16xf32>,
          %add3A_1058 = arith.addf %mul3A_1055, %get3A_1057 : vector<16xf32>
          %swap3A_1059 = arith.index_cast %scan3A_50 : i32 to index
          %swap3A_1060 = arith.constant 368 : index
          %swap3A_1061 = tpu.vector_load %arg11[%swap3A_1059, %swap3A_1060] {strides = array<i32>} : memref<40x768xf32, #tpu.memory_space<vmem>>, vector<16xf32>,
          tpu.vector_store %arg11[%swap3A_1059, %swap3A_1060], %add3A_1058 {strides = array<i32>} : memref<40x768xf32, #tpu.memory_space<vmem>>, vector<16xf32>,
          %get3A_1062 = arith.index_cast %scan3A_50 : i32 to index
          %get3A_1063 = arith.constant 384 : index
          %get3A_1064 = tpu.vector_load %arg11[%get3A_1062, %get3A_1063] {strides = array<i32>} : memref<40x768xf32, #tpu.memory_space<vmem>>, vector<16xf32>,
          %sub3A_1065 = arith.subf %get3A_1064, %broadcast_in_dim3A_725 : vector<16xf32>
          %mul3A_1066 = arith.mulf %sub3A_1065, %mul3A_724 : vector<16xf32>
          %get3A_1067 = arith.constant 384 : index
          %get3A_1068 = tpu.vector_load %arg13[%get3A_1067] {strides = array<i32>} : memref<768xf32, #tpu.memory_space<vmem>>, vector<16xf32>,
          %mul3A_1069 = arith.mulf %mul3A_1066, %get3A_1068 : vector<16xf32>
          %get3A_1070 = arith.constant 384 : index
          %get3A_1071 = tpu.vector_load %arg14[%get3A_1070] {strides = array<i32>} : memref<768xf32, #tpu.memory_space<vmem>>, vector<16xf32>,
          %add3A_1072 = arith.addf %mul3A_1069, %get3A_1071 : vector<16xf32>
          %swap3A_1073 = arith.index_cast %scan3A_50 : i32 to index
          %swap3A_1074 = arith.constant 384 : index
          %swap3A_1075 = tpu.vector_load %arg11[%swap3A_1073, %swap3A_1074] {strides = array<i32>} : memref<40x768xf32, #tpu.memory_space<vmem>>, vector<16xf32>,
          tpu.vector_store %arg11[%swap3A_1073, %swap3A_1074], %add3A_1072 {strides = array<i32>} : memref<40x768xf32, #tpu.memory_space<vmem>>, vector<16xf32>,
          %get3A_1076 = arith.index_cast %scan3A_50 : i32 to index
          %get3A_1077 = arith.constant 400 : index
          %get3A_1078 = tpu.vector_load %arg11[%get3A_1076, %get3A_1077] {strides = array<i32>} : memref<40x768xf32, #tpu.memory_space<vmem>>, vector<16xf32>,
          %sub3A_1079 = arith.subf %get3A_1078, %broadcast_in_dim3A_725 : vector<16xf32>
          %mul3A_1080 = arith.mulf %sub3A_1079, %mul3A_724 : vector<16xf32>
          %get3A_1081 = arith.constant 400 : index
          %get3A_1082 = tpu.vector_load %arg13[%get3A_1081] {strides = array<i32>} : memref<768xf32, #tpu.memory_space<vmem>>, vector<16xf32>,
          %mul3A_1083 = arith.mulf %mul3A_1080, %get3A_1082 : vector<16xf32>
          %get3A_1084 = arith.constant 400 : index
          %get3A_1085 = tpu.vector_load %arg14[%get3A_1084] {strides = array<i32>} : memref<768xf32, #tpu.memory_space<vmem>>, vector<16xf32>,
          %add3A_1086 = arith.addf %mul3A_1083, %get3A_1085 : vector<16xf32>
          %swap3A_1087 = arith.index_cast %scan3A_50 : i32 to index
          %swap3A_1088 = arith.constant 400 : index
          %swap3A_1089 = tpu.vector_load %arg11[%swap3A_1087, %swap3A_1088] {strides = array<i32>} : memref<40x768xf32, #tpu.memory_space<vmem>>, vector<16xf32>,
          tpu.vector_store %arg11[%swap3A_1087, %swap3A_1088], %add3A_1086 {strides = array<i32>} : memref<40x768xf32, #tpu.memory_space<vmem>>, vector<16xf32>,
          %get3A_1090 = arith.index_cast %scan3A_50 : i32 to index
          %get3A_1091 = arith.constant 416 : index
          %get3A_1092 = tpu.vector_load %arg11[%get3A_1090, %get3A_1091] {strides = array<i32>} : memref<40x768xf32, #tpu.memory_space<vmem>>, vector<16xf32>,
          %sub3A_1093 = arith.subf %get3A_1092, %broadcast_in_dim3A_725 : vector<16xf32>
          %mul3A_1094 = arith.mulf %sub3A_1093, %mul3A_724 : vector<16xf32>
          %get3A_1095 = arith.constant 416 : index
          %get3A_1096 = tpu.vector_load %arg13[%get3A_1095] {strides = array<i32>} : memref<768xf32, #tpu.memory_space<vmem>>, vector<16xf32>,
          %mul3A_1097 = arith.mulf %mul3A_1094, %get3A_1096 : vector<16xf32>
          %get3A_1098 = arith.constant 416 : index
          %get3A_1099 = tpu.vector_load %arg14[%get3A_1098] {strides = array<i32>} : memref<768xf32, #tpu.memory_space<vmem>>, vector<16xf32>,
          %add3A_1100 = arith.addf %mul3A_1097, %get3A_1099 : vector<16xf32>
          %swap3A_1101 = arith.index_cast %scan3A_50 : i32 to index
          %swap3A_1102 = arith.constant 416 : index
          %swap3A_1103 = tpu.vector_load %arg11[%swap3A_1101, %swap3A_1102] {strides = array<i32>} : memref<40x768xf32, #tpu.memory_space<vmem>>, vector<16xf32>,
          tpu.vector_store %arg11[%swap3A_1101, %swap3A_1102], %add3A_1100 {strides = array<i32>} : memref<40x768xf32, #tpu.memory_space<vmem>>, vector<16xf32>,
          %get3A_1104 = arith.index_cast %scan3A_50 : i32 to index
          %get3A_1105 = arith.constant 432 : index
          %get3A_1106 = tpu.vector_load %arg11[%get3A_1104, %get3A_1105] {strides = array<i32>} : memref<40x768xf32, #tpu.memory_space<vmem>>, vector<16xf32>,
          %sub3A_1107 = arith.subf %get3A_1106, %broadcast_in_dim3A_725 : vector<16xf32>
          %mul3A_1108 = arith.mulf %sub3A_1107, %mul3A_724 : vector<16xf32>
          %get3A_1109 = arith.constant 432 : index
          %get3A_1110 = tpu.vector_load %arg13[%get3A_1109] {strides = array<i32>} : memref<768xf32, #tpu.memory_space<vmem>>, vector<16xf32>,
          %mul3A_1111 = arith.mulf %mul3A_1108, %get3A_1110 : vector<16xf32>
          %get3A_1112 = arith.constant 432 : index
          %get3A_1113 = tpu.vector_load %arg14[%get3A_1112] {strides = array<i32>} : memref<768xf32, #tpu.memory_space<vmem>>, vector<16xf32>,
          %add3A_1114 = arith.addf %mul3A_1111, %get3A_1113 : vector<16xf32>
          %swap3A_1115 = arith.index_cast %scan3A_50 : i32 to index
          %swap3A_1116 = arith.constant 432 : index
          %swap3A_1117 = tpu.vector_load %arg11[%swap3A_1115, %swap3A_1116] {strides = array<i32>} : memref<40x768xf32, #tpu.memory_space<vmem>>, vector<16xf32>,
          tpu.vector_store %arg11[%swap3A_1115, %swap3A_1116], %add3A_1114 {strides = array<i32>} : memref<40x768xf32, #tpu.memory_space<vmem>>, vector<16xf32>,
          %get3A_1118 = arith.index_cast %scan3A_50 : i32 to index
          %get3A_1119 = arith.constant 448 : index
          %get3A_1120 = tpu.vector_load %arg11[%get3A_1118, %get3A_1119] {strides = array<i32>} : memref<40x768xf32, #tpu.memory_space<vmem>>, vector<16xf32>,
          %sub3A_1121 = arith.subf %get3A_1120, %broadcast_in_dim3A_725 : vector<16xf32>
          %mul3A_1122 = arith.mulf %sub3A_1121, %mul3A_724 : vector<16xf32>
          %get3A_1123 = arith.constant 448 : index
          %get3A_1124 = tpu.vector_load %arg13[%get3A_1123] {strides = array<i32>} : memref<768xf32, #tpu.memory_space<vmem>>, vector<16xf32>,
          %mul3A_1125 = arith.mulf %mul3A_1122, %get3A_1124 : vector<16xf32>
          %get3A_1126 = arith.constant 448 : index
          %get3A_1127 = tpu.vector_load %arg14[%get3A_1126] {strides = array<i32>} : memref<768xf32, #tpu.memory_space<vmem>>, vector<16xf32>,
          %add3A_1128 = arith.addf %mul3A_1125, %get3A_1127 : vector<16xf32>
          %swap3A_1129 = arith.index_cast %scan3A_50 : i32 to index
          %swap3A_1130 = arith.constant 448 : index
          %swap3A_1131 = tpu.vector_load %arg11[%swap3A_1129, %swap3A_1130] {strides = array<i32>} : memref<40x768xf32, #tpu.memory_space<vmem>>, vector<16xf32>,
          tpu.vector_store %arg11[%swap3A_1129, %swap3A_1130], %add3A_1128 {strides = array<i32>} : memref<40x768xf32, #tpu.memory_space<vmem>>, vector<16xf32>,
          %get3A_1132 = arith.index_cast %scan3A_50 : i32 to index
          %get3A_1133 = arith.constant 464 : index
          %get3A_1134 = tpu.vector_load %arg11[%get3A_1132, %get3A_1133] {strides = array<i32>} : memref<40x768xf32, #tpu.memory_space<vmem>>, vector<16xf32>,
          %sub3A_1135 = arith.subf %get3A_1134, %broadcast_in_dim3A_725 : vector<16xf32>
          %mul3A_1136 = arith.mulf %sub3A_1135, %mul3A_724 : vector<16xf32>
          %get3A_1137 = arith.constant 464 : index
          %get3A_1138 = tpu.vector_load %arg13[%get3A_1137] {strides = array<i32>} : memref<768xf32, #tpu.memory_space<vmem>>, vector<16xf32>,
          %mul3A_1139 = arith.mulf %mul3A_1136, %get3A_1138 : vector<16xf32>
          %get3A_1140 = arith.constant 464 : index
          %get3A_1141 = tpu.vector_load %arg14[%get3A_1140] {strides = array<i32>} : memref<768xf32, #tpu.memory_space<vmem>>, vector<16xf32>,
          %add3A_1142 = arith.addf %mul3A_1139, %get3A_1141 : vector<16xf32>
          %swap3A_1143 = arith.index_cast %scan3A_50 : i32 to index
          %swap3A_1144 = arith.constant 464 : index
          %swap3A_1145 = tpu.vector_load %arg11[%swap3A_1143, %swap3A_1144] {strides = array<i32>} : memref<40x768xf32, #tpu.memory_space<vmem>>, vector<16xf32>,
          tpu.vector_store %arg11[%swap3A_1143, %swap3A_1144], %add3A_1142 {strides = array<i32>} : memref<40x768xf32, #tpu.memory_space<vmem>>, vector<16xf32>,
          %get3A_1146 = arith.index_cast %scan3A_50 : i32 to index
          %get3A_1147 = arith.constant 480 : index
          %get3A_1148 = tpu.vector_load %arg11[%get3A_1146, %get3A_1147] {strides = array<i32>} : memref<40x768xf32, #tpu.memory_space<vmem>>, vector<16xf32>,
          %sub3A_1149 = arith.subf %get3A_1148, %broadcast_in_dim3A_725 : vector<16xf32>
          %mul3A_1150 = arith.mulf %sub3A_1149, %mul3A_724 : vector<16xf32>
          %get3A_1151 = arith.constant 480 : index
          %get3A_1152 = tpu.vector_load %arg13[%get3A_1151] {strides = array<i32>} : memref<768xf32, #tpu.memory_space<vmem>>, vector<16xf32>,
          %mul3A_1153 = arith.mulf %mul3A_1150, %get3A_1152 : vector<16xf32>
          %get3A_1154 = arith.constant 480 : index
          %get3A_1155 = tpu.vector_load %arg14[%get3A_1154] {strides = array<i32>} : memref<768xf32, #tpu.memory_space<vmem>>, vector<16xf32>,
          %add3A_1156 = arith.addf %mul3A_1153, %get3A_1155 : vector<16xf32>
          %swap3A_1157 = arith.index_cast %scan3A_50 : i32 to index
          %swap3A_1158 = arith.constant 480 : index
          %swap3A_1159 = tpu.vector_load %arg11[%swap3A_1157, %swap3A_1158] {strides = array<i32>} : memref<40x768xf32, #tpu.memory_space<vmem>>, vector<16xf32>,
          tpu.vector_store %arg11[%swap3A_1157, %swap3A_1158], %add3A_1156 {strides = array<i32>} : memref<40x768xf32, #tpu.memory_space<vmem>>, vector<16xf32>,
          %get3A_1160 = arith.index_cast %scan3A_50 : i32 to index
          %get3A_1161 = arith.constant 496 : index
          %get3A_1162 = tpu.vector_load %arg11[%get3A_1160, %get3A_1161] {strides = array<i32>} : memref<40x768xf32, #tpu.memory_space<vmem>>, vector<16xf32>,
          %sub3A_1163 = arith.subf %get3A_1162, %broadcast_in_dim3A_725 : vector<16xf32>
          %mul3A_1164 = arith.mulf %sub3A_1163, %mul3A_724 : vector<16xf32>
          %get3A_1165 = arith.constant 496 : index
          %get3A_1166 = tpu.vector_load %arg13[%get3A_1165] {strides = array<i32>} : memref<768xf32, #tpu.memory_space<vmem>>, vector<16xf32>,
          %mul3A_1167 = arith.mulf %mul3A_1164, %get3A_1166 : vector<16xf32>
          %get3A_1168 = arith.constant 496 : index
          %get3A_1169 = tpu.vector_load %arg14[%get3A_1168] {strides = array<i32>} : memref<768xf32, #tpu.memory_space<vmem>>, vector<16xf32>,
          %add3A_1170 = arith.addf %mul3A_1167, %get3A_1169 : vector<16xf32>
          %swap3A_1171 = arith.index_cast %scan3A_50 : i32 to index
          %swap3A_1172 = arith.constant 496 : index
          %swap3A_1173 = tpu.vector_load %arg11[%swap3A_1171, %swap3A_1172] {strides = array<i32>} : memref<40x768xf32, #tpu.memory_space<vmem>>, vector<16xf32>,
          tpu.vector_store %arg11[%swap3A_1171, %swap3A_1172], %add3A_1170 {strides = array<i32>} : memref<40x768xf32, #tpu.memory_space<vmem>>, vector<16xf32>,
          %get3A_1174 = arith.index_cast %scan3A_50 : i32 to index
          %get3A_1175 = arith.constant 512 : index
          %get3A_1176 = tpu.vector_load %arg11[%get3A_1174, %get3A_1175] {strides = array<i32>} : memref<40x768xf32, #tpu.memory_space<vmem>>, vector<16xf32>,
          %sub3A_1177 = arith.subf %get3A_1176, %broadcast_in_dim3A_725 : vector<16xf32>
          %mul3A_1178 = arith.mulf %sub3A_1177, %mul3A_724 : vector<16xf32>
          %get3A_1179 = arith.constant 512 : index
          %get3A_1180 = tpu.vector_load %arg13[%get3A_1179] {strides = array<i32>} : memref<768xf32, #tpu.memory_space<vmem>>, vector<16xf32>,
          %mul3A_1181 = arith.mulf %mul3A_1178, %get3A_1180 : vector<16xf32>
          %get3A_1182 = arith.constant 512 : index
          %get3A_1183 = tpu.vector_load %arg14[%get3A_1182] {strides = array<i32>} : memref<768xf32, #tpu.memory_space<vmem>>, vector<16xf32>,
          %add3A_1184 = arith.addf %mul3A_1181, %get3A_1183 : vector<16xf32>
          %swap3A_1185 = arith.index_cast %scan3A_50 : i32 to index
          %swap3A_1186 = arith.constant 512 : index
          %swap3A_1187 = tpu.vector_load %arg11[%swap3A_1185, %swap3A_1186] {strides = array<i32>} : memref<40x768xf32, #tpu.memory_space<vmem>>, vector<16xf32>,
          tpu.vector_store %arg11[%swap3A_1185, %swap3A_1186], %add3A_1184 {strides = array<i32>} : memref<40x768xf32, #tpu.memory_space<vmem>>, vector<16xf32>,
          %get3A_1188 = arith.index_cast %scan3A_50 : i32 to index
          %get3A_1189 = arith.constant 528 : index
          %get3A_1190 = tpu.vector_load %arg11[%get3A_1188, %get3A_1189] {strides = array<i32>} : memref<40x768xf32, #tpu.memory_space<vmem>>, vector<16xf32>,
          %sub3A_1191 = arith.subf %get3A_1190, %broadcast_in_dim3A_725 : vector<16xf32>
          %mul3A_1192 = arith.mulf %sub3A_1191, %mul3A_724 : vector<16xf32>
          %get3A_1193 = arith.constant 528 : index
          %get3A_1194 = tpu.vector_load %arg13[%get3A_1193] {strides = array<i32>} : memref<768xf32, #tpu.memory_space<vmem>>, vector<16xf32>,
          %mul3A_1195 = arith.mulf %mul3A_1192, %get3A_1194 : vector<16xf32>
          %get3A_1196 = arith.constant 528 : index
          %get3A_1197 = tpu.vector_load %arg14[%get3A_1196] {strides = array<i32>} : memref<768xf32, #tpu.memory_space<vmem>>, vector<16xf32>,
          %add3A_1198 = arith.addf %mul3A_1195, %get3A_1197 : vector<16xf32>
          %swap3A_1199 = arith.index_cast %scan3A_50 : i32 to index
          %swap3A_1200 = arith.constant 528 : index
          %swap3A_1201 = tpu.vector_load %arg11[%swap3A_1199, %swap3A_1200] {strides = array<i32>} : memref<40x768xf32, #tpu.memory_space<vmem>>, vector<16xf32>,
          tpu.vector_store %arg11[%swap3A_1199, %swap3A_1200], %add3A_1198 {strides = array<i32>} : memref<40x768xf32, #tpu.memory_space<vmem>>, vector<16xf32>,
          %get3A_1202 = arith.index_cast %scan3A_50 : i32 to index
          %get3A_1203 = arith.constant 544 : index
          %get3A_1204 = tpu.vector_load %arg11[%get3A_1202, %get3A_1203] {strides = array<i32>} : memref<40x768xf32, #tpu.memory_space<vmem>>, vector<16xf32>,
          %sub3A_1205 = arith.subf %get3A_1204, %broadcast_in_dim3A_725 : vector<16xf32>
          %mul3A_1206 = arith.mulf %sub3A_1205, %mul3A_724 : vector<16xf32>
          %get3A_1207 = arith.constant 544 : index
          %get3A_1208 = tpu.vector_load %arg13[%get3A_1207] {strides = array<i32>} : memref<768xf32, #tpu.memory_space<vmem>>, vector<16xf32>,
          %mul3A_1209 = arith.mulf %mul3A_1206, %get3A_1208 : vector<16xf32>
          %get3A_1210 = arith.constant 544 : index
          %get3A_1211 = tpu.vector_load %arg14[%get3A_1210] {strides = array<i32>} : memref<768xf32, #tpu.memory_space<vmem>>, vector<16xf32>,
          %add3A_1212 = arith.addf %mul3A_1209, %get3A_1211 : vector<16xf32>
          %swap3A_1213 = arith.index_cast %scan3A_50 : i32 to index
          %swap3A_1214 = arith.constant 544 : index
          %swap3A_1215 = tpu.vector_load %arg11[%swap3A_1213, %swap3A_1214] {strides = array<i32>} : memref<40x768xf32, #tpu.memory_space<vmem>>, vector<16xf32>,
          tpu.vector_store %arg11[%swap3A_1213, %swap3A_1214], %add3A_1212 {strides = array<i32>} : memref<40x768xf32, #tpu.memory_space<vmem>>, vector<16xf32>,
          %get3A_1216 = arith.index_cast %scan3A_50 : i32 to index
          %get3A_1217 = arith.constant 560 : index
          %get3A_1218 = tpu.vector_load %arg11[%get3A_1216, %get3A_1217] {strides = array<i32>} : memref<40x768xf32, #tpu.memory_space<vmem>>, vector<16xf32>,
          %sub3A_1219 = arith.subf %get3A_1218, %broadcast_in_dim3A_725 : vector<16xf32>
          %mul3A_1220 = arith.mulf %sub3A_1219, %mul3A_724 : vector<16xf32>
          %get3A_1221 = arith.constant 560 : index
          %get3A_1222 = tpu.vector_load %arg13[%get3A_1221] {strides = array<i32>} : memref<768xf32, #tpu.memory_space<vmem>>, vector<16xf32>,
          %mul3A_1223 = arith.mulf %mul3A_1220, %get3A_1222 : vector<16xf32>
          %get3A_1224 = arith.constant 560 : index
          %get3A_1225 = tpu.vector_load %arg14[%get3A_1224] {strides = array<i32>} : memref<768xf32, #tpu.memory_space<vmem>>, vector<16xf32>,
          %add3A_1226 = arith.addf %mul3A_1223, %get3A_1225 : vector<16xf32>
          %swap3A_1227 = arith.index_cast %scan3A_50 : i32 to index
          %swap3A_1228 = arith.constant 560 : index
          %swap3A_1229 = tpu.vector_load %arg11[%swap3A_1227, %swap3A_1228] {strides = array<i32>} : memref<40x768xf32, #tpu.memory_space<vmem>>, vector<16xf32>,
          tpu.vector_store %arg11[%swap3A_1227, %swap3A_1228], %add3A_1226 {strides = array<i32>} : memref<40x768xf32, #tpu.memory_space<vmem>>, vector<16xf32>,
          %get3A_1230 = arith.index_cast %scan3A_50 : i32 to index
          %get3A_1231 = arith.constant 576 : index
          %get3A_1232 = tpu.vector_load %arg11[%get3A_1230, %get3A_1231] {strides = array<i32>} : memref<40x768xf32, #tpu.memory_space<vmem>>, vector<16xf32>,
          %sub3A_1233 = arith.subf %get3A_1232, %broadcast_in_dim3A_725 : vector<16xf32>
          %mul3A_1234 = arith.mulf %sub3A_1233, %mul3A_724 : vector<16xf32>
          %get3A_1235 = arith.constant 576 : index
          %get3A_1236 = tpu.vector_load %arg13[%get3A_1235] {strides = array<i32>} : memref<768xf32, #tpu.memory_space<vmem>>, vector<16xf32>,
          %mul3A_1237 = arith.mulf %mul3A_1234, %get3A_1236 : vector<16xf32>
          %get3A_1238 = arith.constant 576 : index
          %get3A_1239 = tpu.vector_load %arg14[%get3A_1238] {strides = array<i32>} : memref<768xf32, #tpu.memory_space<vmem>>, vector<16xf32>,
          %add3A_1240 = arith.addf %mul3A_1237, %get3A_1239 : vector<16xf32>
          %swap3A_1241 = arith.index_cast %scan3A_50 : i32 to index
          %swap3A_1242 = arith.constant 576 : index
          %swap3A_1243 = tpu.vector_load %arg11[%swap3A_1241, %swap3A_1242] {strides = array<i32>} : memref<40x768xf32, #tpu.memory_space<vmem>>, vector<16xf32>,
          tpu.vector_store %arg11[%swap3A_1241, %swap3A_1242], %add3A_1240 {strides = array<i32>} : memref<40x768xf32, #tpu.memory_space<vmem>>, vector<16xf32>,
          %get3A_1244 = arith.index_cast %scan3A_50 : i32 to index
          %get3A_1245 = arith.constant 592 : index
          %get3A_1246 = tpu.vector_load %arg11[%get3A_1244, %get3A_1245] {strides = array<i32>} : memref<40x768xf32, #tpu.memory_space<vmem>>, vector<16xf32>,
          %sub3A_1247 = arith.subf %get3A_1246, %broadcast_in_dim3A_725 : vector<16xf32>
          %mul3A_1248 = arith.mulf %sub3A_1247, %mul3A_724 : vector<16xf32>
          %get3A_1249 = arith.constant 592 : index
          %get3A_1250 = tpu.vector_load %arg13[%get3A_1249] {strides = array<i32>} : memref<768xf32, #tpu.memory_space<vmem>>, vector<16xf32>,
          %mul3A_1251 = arith.mulf %mul3A_1248, %get3A_1250 : vector<16xf32>
          %get3A_1252 = arith.constant 592 : index
          %get3A_1253 = tpu.vector_load %arg14[%get3A_1252] {strides = array<i32>} : memref<768xf32, #tpu.memory_space<vmem>>, vector<16xf32>,
          %add3A_1254 = arith.addf %mul3A_1251, %get3A_1253 : vector<16xf32>
          %swap3A_1255 = arith.index_cast %scan3A_50 : i32 to index
          %swap3A_1256 = arith.constant 592 : index
          %swap3A_1257 = tpu.vector_load %arg11[%swap3A_1255, %swap3A_1256] {strides = array<i32>} : memref<40x768xf32, #tpu.memory_space<vmem>>, vector<16xf32>,
          tpu.vector_store %arg11[%swap3A_1255, %swap3A_1256], %add3A_1254 {strides = array<i32>} : memref<40x768xf32, #tpu.memory_space<vmem>>, vector<16xf32>,
          %get3A_1258 = arith.index_cast %scan3A_50 : i32 to index
          %get3A_1259 = arith.constant 608 : index
          %get3A_1260 = tpu.vector_load %arg11[%get3A_1258, %get3A_1259] {strides = array<i32>} : memref<40x768xf32, #tpu.memory_space<vmem>>, vector<16xf32>,
          %sub3A_1261 = arith.subf %get3A_1260, %broadcast_in_dim3A_725 : vector<16xf32>
          %mul3A_1262 = arith.mulf %sub3A_1261, %mul3A_724 : vector<16xf32>
          %get3A_1263 = arith.constant 608 : index
          %get3A_1264 = tpu.vector_load %arg13[%get3A_1263] {strides = array<i32>} : memref<768xf32, #tpu.memory_space<vmem>>, vector<16xf32>,
          %mul3A_1265 = arith.mulf %mul3A_1262, %get3A_1264 : vector<16xf32>
          %get3A_1266 = arith.constant 608 : index
          %get3A_1267 = tpu.vector_load %arg14[%get3A_1266] {strides = array<i32>} : memref<768xf32, #tpu.memory_space<vmem>>, vector<16xf32>,
          %add3A_1268 = arith.addf %mul3A_1265, %get3A_1267 : vector<16xf32>
          %swap3A_1269 = arith.index_cast %scan3A_50 : i32 to index
          %swap3A_1270 = arith.constant 608 : index
          %swap3A_1271 = tpu.vector_load %arg11[%swap3A_1269, %swap3A_1270] {strides = array<i32>} : memref<40x768xf32, #tpu.memory_space<vmem>>, vector<16xf32>,
          tpu.vector_store %arg11[%swap3A_1269, %swap3A_1270], %add3A_1268 {strides = array<i32>} : memref<40x768xf32, #tpu.memory_space<vmem>>, vector<16xf32>,
          %get3A_1272 = arith.index_cast %scan3A_50 : i32 to index
          %get3A_1273 = arith.constant 624 : index
          %get3A_1274 = tpu.vector_load %arg11[%get3A_1272, %get3A_1273] {strides = array<i32>} : memref<40x768xf32, #tpu.memory_space<vmem>>, vector<16xf32>,
          %sub3A_1275 = arith.subf %get3A_1274, %broadcast_in_dim3A_725 : vector<16xf32>
          %mul3A_1276 = arith.mulf %sub3A_1275, %mul3A_724 : vector<16xf32>
          %get3A_1277 = arith.constant 624 : index
          %get3A_1278 = tpu.vector_load %arg13[%get3A_1277] {strides = array<i32>} : memref<768xf32, #tpu.memory_space<vmem>>, vector<16xf32>,
          %mul3A_1279 = arith.mulf %mul3A_1276, %get3A_1278 : vector<16xf32>
          %get3A_1280 = arith.constant 624 : index
          %get3A_1281 = tpu.vector_load %arg14[%get3A_1280] {strides = array<i32>} : memref<768xf32, #tpu.memory_space<vmem>>, vector<16xf32>,
          %add3A_1282 = arith.addf %mul3A_1279, %get3A_1281 : vector<16xf32>
          %swap3A_1283 = arith.index_cast %scan3A_50 : i32 to index
          %swap3A_1284 = arith.constant 624 : index
          %swap3A_1285 = tpu.vector_load %arg11[%swap3A_1283, %swap3A_1284] {strides = array<i32>} : memref<40x768xf32, #tpu.memory_space<vmem>>, vector<16xf32>,
          tpu.vector_store %arg11[%swap3A_1283, %swap3A_1284], %add3A_1282 {strides = array<i32>} : memref<40x768xf32, #tpu.memory_space<vmem>>, vector<16xf32>,
          %get3A_1286 = arith.index_cast %scan3A_50 : i32 to index
          %get3A_1287 = arith.constant 640 : index
          %get3A_1288 = tpu.vector_load %arg11[%get3A_1286, %get3A_1287] {strides = array<i32>} : memref<40x768xf32, #tpu.memory_space<vmem>>, vector<16xf32>,
          %sub3A_1289 = arith.subf %get3A_1288, %broadcast_in_dim3A_725 : vector<16xf32>
          %mul3A_1290 = arith.mulf %sub3A_1289, %mul3A_724 : vector<16xf32>
          %get3A_1291 = arith.constant 640 : index
          %get3A_1292 = tpu.vector_load %arg13[%get3A_1291] {strides = array<i32>} : memref<768xf32, #tpu.memory_space<vmem>>, vector<16xf32>,
          %mul3A_1293 = arith.mulf %mul3A_1290, %get3A_1292 : vector<16xf32>
          %get3A_1294 = arith.constant 640 : index
          %get3A_1295 = tpu.vector_load %arg14[%get3A_1294] {strides = array<i32>} : memref<768xf32, #tpu.memory_space<vmem>>, vector<16xf32>,
          %add3A_1296 = arith.addf %mul3A_1293, %get3A_1295 : vector<16xf32>
          %swap3A_1297 = arith.index_cast %scan3A_50 : i32 to index
          %swap3A_1298 = arith.constant 640 : index
          %swap3A_1299 = tpu.vector_load %arg11[%swap3A_1297, %swap3A_1298] {strides = array<i32>} : memref<40x768xf32, #tpu.memory_space<vmem>>, vector<16xf32>,
          tpu.vector_store %arg11[%swap3A_1297, %swap3A_1298], %add3A_1296 {strides = array<i32>} : memref<40x768xf32, #tpu.memory_space<vmem>>, vector<16xf32>,
          %get3A_1300 = arith.index_cast %scan3A_50 : i32 to index
          %get3A_1301 = arith.constant 656 : index
          %get3A_1302 = tpu.vector_load %arg11[%get3A_1300, %get3A_1301] {strides = array<i32>} : memref<40x768xf32, #tpu.memory_space<vmem>>, vector<16xf32>,
          %sub3A_1303 = arith.subf %get3A_1302, %broadcast_in_dim3A_725 : vector<16xf32>
          %mul3A_1304 = arith.mulf %sub3A_1303, %mul3A_724 : vector<16xf32>
          %get3A_1305 = arith.constant 656 : index
          %get3A_1306 = tpu.vector_load %arg13[%get3A_1305] {strides = array<i32>} : memref<768xf32, #tpu.memory_space<vmem>>, vector<16xf32>,
          %mul3A_1307 = arith.mulf %mul3A_1304, %get3A_1306 : vector<16xf32>
          %get3A_1308 = arith.constant 656 : index
          %get3A_1309 = tpu.vector_load %arg14[%get3A_1308] {strides = array<i32>} : memref<768xf32, #tpu.memory_space<vmem>>, vector<16xf32>,
          %add3A_1310 = arith.addf %mul3A_1307, %get3A_1309 : vector<16xf32>
          %swap3A_1311 = arith.index_cast %scan3A_50 : i32 to index
          %swap3A_1312 = arith.constant 656 : index
          %swap3A_1313 = tpu.vector_load %arg11[%swap3A_1311, %swap3A_1312] {strides = array<i32>} : memref<40x768xf32, #tpu.memory_space<vmem>>, vector<16xf32>,
          tpu.vector_store %arg11[%swap3A_1311, %swap3A_1312], %add3A_1310 {strides = array<i32>} : memref<40x768xf32, #tpu.memory_space<vmem>>, vector<16xf32>,
          %get3A_1314 = arith.index_cast %scan3A_50 : i32 to index
          %get3A_1315 = arith.constant 672 : index
          %get3A_1316 = tpu.vector_load %arg11[%get3A_1314, %get3A_1315] {strides = array<i32>} : memref<40x768xf32, #tpu.memory_space<vmem>>, vector<16xf32>,
          %sub3A_1317 = arith.subf %get3A_1316, %broadcast_in_dim3A_725 : vector<16xf32>
          %mul3A_1318 = arith.mulf %sub3A_1317, %mul3A_724 : vector<16xf32>
          %get3A_1319 = arith.constant 672 : index
          %get3A_1320 = tpu.vector_load %arg13[%get3A_1319] {strides = array<i32>} : memref<768xf32, #tpu.memory_space<vmem>>, vector<16xf32>,
          %mul3A_1321 = arith.mulf %mul3A_1318, %get3A_1320 : vector<16xf32>
          %get3A_1322 = arith.constant 672 : index
          %get3A_1323 = tpu.vector_load %arg14[%get3A_1322] {strides = array<i32>} : memref<768xf32, #tpu.memory_space<vmem>>, vector<16xf32>,
          %add3A_1324 = arith.addf %mul3A_1321, %get3A_1323 : vector<16xf32>
          %swap3A_1325 = arith.index_cast %scan3A_50 : i32 to index
          %swap3A_1326 = arith.constant 672 : index
          %swap3A_1327 = tpu.vector_load %arg11[%swap3A_1325, %swap3A_1326] {strides = array<i32>} : memref<40x768xf32, #tpu.memory_space<vmem>>, vector<16xf32>,
          tpu.vector_store %arg11[%swap3A_1325, %swap3A_1326], %add3A_1324 {strides = array<i32>} : memref<40x768xf32, #tpu.memory_space<vmem>>, vector<16xf32>,
          %get3A_1328 = arith.index_cast %scan3A_50 : i32 to index
          %get3A_1329 = arith.constant 688 : index
          %get3A_1330 = tpu.vector_load %arg11[%get3A_1328, %get3A_1329] {strides = array<i32>} : memref<40x768xf32, #tpu.memory_space<vmem>>, vector<16xf32>,
          %sub3A_1331 = arith.subf %get3A_1330, %broadcast_in_dim3A_725 : vector<16xf32>
          %mul3A_1332 = arith.mulf %sub3A_1331, %mul3A_724 : vector<16xf32>
          %get3A_1333 = arith.constant 688 : index
          %get3A_1334 = tpu.vector_load %arg13[%get3A_1333] {strides = array<i32>} : memref<768xf32, #tpu.memory_space<vmem>>, vector<16xf32>,
          %mul3A_1335 = arith.mulf %mul3A_1332, %get3A_1334 : vector<16xf32>
          %get3A_1336 = arith.constant 688 : index
          %get3A_1337 = tpu.vector_load %arg14[%get3A_1336] {strides = array<i32>} : memref<768xf32, #tpu.memory_space<vmem>>, vector<16xf32>,
          %add3A_1338 = arith.addf %mul3A_1335, %get3A_1337 : vector<16xf32>
          %swap3A_1339 = arith.index_cast %scan3A_50 : i32 to index
          %swap3A_1340 = arith.constant 688 : index
          %swap3A_1341 = tpu.vector_load %arg11[%swap3A_1339, %swap3A_1340] {strides = array<i32>} : memref<40x768xf32, #tpu.memory_space<vmem>>, vector<16xf32>,
          tpu.vector_store %arg11[%swap3A_1339, %swap3A_1340], %add3A_1338 {strides = array<i32>} : memref<40x768xf32, #tpu.memory_space<vmem>>, vector<16xf32>,
          %get3A_1342 = arith.index_cast %scan3A_50 : i32 to index
          %get3A_1343 = arith.constant 704 : index
          %get3A_1344 = tpu.vector_load %arg11[%get3A_1342, %get3A_1343] {strides = array<i32>} : memref<40x768xf32, #tpu.memory_space<vmem>>, vector<16xf32>,
          %sub3A_1345 = arith.subf %get3A_1344, %broadcast_in_dim3A_725 : vector<16xf32>
          %mul3A_1346 = arith.mulf %sub3A_1345, %mul3A_724 : vector<16xf32>
          %get3A_1347 = arith.constant 704 : index
          %get3A_1348 = tpu.vector_load %arg13[%get3A_1347] {strides = array<i32>} : memref<768xf32, #tpu.memory_space<vmem>>, vector<16xf32>,
          %mul3A_1349 = arith.mulf %mul3A_1346, %get3A_1348 : vector<16xf32>
          %get3A_1350 = arith.constant 704 : index
          %get3A_1351 = tpu.vector_load %arg14[%get3A_1350] {strides = array<i32>} : memref<768xf32, #tpu.memory_space<vmem>>, vector<16xf32>,
          %add3A_1352 = arith.addf %mul3A_1349, %get3A_1351 : vector<16xf32>
          %swap3A_1353 = arith.index_cast %scan3A_50 : i32 to index
          %swap3A_1354 = arith.constant 704 : index
          %swap3A_1355 = tpu.vector_load %arg11[%swap3A_1353, %swap3A_1354] {strides = array<i32>} : memref<40x768xf32, #tpu.memory_space<vmem>>, vector<16xf32>,
          tpu.vector_store %arg11[%swap3A_1353, %swap3A_1354], %add3A_1352 {strides = array<i32>} : memref<40x768xf32, #tpu.memory_space<vmem>>, vector<16xf32>,
          %get3A_1356 = arith.index_cast %scan3A_50 : i32 to index
          %get3A_1357 = arith.constant 720 : index
          %get3A_1358 = tpu.vector_load %arg11[%get3A_1356, %get3A_1357] {strides = array<i32>} : memref<40x768xf32, #tpu.memory_space<vmem>>, vector<16xf32>,
          %sub3A_1359 = arith.subf %get3A_1358, %broadcast_in_dim3A_725 : vector<16xf32>
          %mul3A_1360 = arith.mulf %sub3A_1359, %mul3A_724 : vector<16xf32>
          %get3A_1361 = arith.constant 720 : index
          %get3A_1362 = tpu.vector_load %arg13[%get3A_1361] {strides = array<i32>} : memref<768xf32, #tpu.memory_space<vmem>>, vector<16xf32>,
          %mul3A_1363 = arith.mulf %mul3A_1360, %get3A_1362 : vector<16xf32>
          %get3A_1364 = arith.constant 720 : index
          %get3A_1365 = tpu.vector_load %arg14[%get3A_1364] {strides = array<i32>} : memref<768xf32, #tpu.memory_space<vmem>>, vector<16xf32>,
          %add3A_1366 = arith.addf %mul3A_1363, %get3A_1365 : vector<16xf32>
          %swap3A_1367 = arith.index_cast %scan3A_50 : i32 to index
          %swap3A_1368 = arith.constant 720 : index
          %swap3A_1369 = tpu.vector_load %arg11[%swap3A_1367, %swap3A_1368] {strides = array<i32>} : memref<40x768xf32, #tpu.memory_space<vmem>>, vector<16xf32>,
          tpu.vector_store %arg11[%swap3A_1367, %swap3A_1368], %add3A_1366 {strides = array<i32>} : memref<40x768xf32, #tpu.memory_space<vmem>>, vector<16xf32>,
          %get3A_1370 = arith.index_cast %scan3A_50 : i32 to index
          %get3A_1371 = arith.constant 736 : index
          %get3A_1372 = tpu.vector_load %arg11[%get3A_1370, %get3A_1371] {strides = array<i32>} : memref<40x768xf32, #tpu.memory_space<vmem>>, vector<16xf32>,
          %sub3A_1373 = arith.subf %get3A_1372, %broadcast_in_dim3A_725 : vector<16xf32>
          %mul3A_1374 = arith.mulf %sub3A_1373, %mul3A_724 : vector<16xf32>
          %get3A_1375 = arith.constant 736 : index
          %get3A_1376 = tpu.vector_load %arg13[%get3A_1375] {strides = array<i32>} : memref<768xf32, #tpu.memory_space<vmem>>, vector<16xf32>,
          %mul3A_1377 = arith.mulf %mul3A_1374, %get3A_1376 : vector<16xf32>
          %get3A_1378 = arith.constant 736 : index
          %get3A_1379 = tpu.vector_load %arg14[%get3A_1378] {strides = array<i32>} : memref<768xf32, #tpu.memory_space<vmem>>, vector<16xf32>,
          %add3A_1380 = arith.addf %mul3A_1377, %get3A_1379 : vector<16xf32>
          %swap3A_1381 = arith.index_cast %scan3A_50 : i32 to index
          %swap3A_1382 = arith.constant 736 : index
          %swap3A_1383 = tpu.vector_load %arg11[%swap3A_1381, %swap3A_1382] {strides = array<i32>} : memref<40x768xf32, #tpu.memory_space<vmem>>, vector<16xf32>,
          tpu.vector_store %arg11[%swap3A_1381, %swap3A_1382], %add3A_1380 {strides = array<i32>} : memref<40x768xf32, #tpu.memory_space<vmem>>, vector<16xf32>,
          %get3A_1384 = arith.index_cast %scan3A_50 : i32 to index
          %get3A_1385 = arith.constant 752 : index
          %get3A_1386 = tpu.vector_load %arg11[%get3A_1384, %get3A_1385] {strides = array<i32>} : memref<40x768xf32, #tpu.memory_space<vmem>>, vector<16xf32>,
          %sub3A_1387 = arith.subf %get3A_1386, %broadcast_in_dim3A_725 : vector<16xf32>
          %mul3A_1388 = arith.mulf %sub3A_1387, %mul3A_724 : vector<16xf32>
          %get3A_1389 = arith.constant 752 : index
          %get3A_1390 = tpu.vector_load %arg13[%get3A_1389] {strides = array<i32>} : memref<768xf32, #tpu.memory_space<vmem>>, vector<16xf32>,
          %mul3A_1391 = arith.mulf %mul3A_1388, %get3A_1390 : vector<16xf32>
          %get3A_1392 = arith.constant 752 : index
          %get3A_1393 = tpu.vector_load %arg14[%get3A_1392] {strides = array<i32>} : memref<768xf32, #tpu.memory_space<vmem>>, vector<16xf32>,
          %add3A_1394 = arith.addf %mul3A_1391, %get3A_1393 : vector<16xf32>
          %swap3A_1395 = arith.index_cast %scan3A_50 : i32 to index
          %swap3A_1396 = arith.constant 752 : index
          %swap3A_1397 = tpu.vector_load %arg11[%swap3A_1395, %swap3A_1396] {strides = array<i32>} : memref<40x768xf32, #tpu.memory_space<vmem>>, vector<16xf32>,
          tpu.vector_store %arg11[%swap3A_1395, %swap3A_1396], %add3A_1394 {strides = array<i32>} : memref<40x768xf32, #tpu.memory_space<vmem>>, vector<16xf32>,
          %scan3A_1398 = arith.constant 0 : i32
          scf.yield %scan3A_1398 : i32
        }
        %scan3A_47 = arith.constant 40 : i32
        %add3A_48 = arith.addi %mul3A_2, %add3A_34 : i32
        "tpu.region"() ({
          %run_scoped3A = tpu.sem_alloc : memref<!tpu.dma_semaphore, #tpu.memory_space<semaphore_mem>>
          %dma_start3A_50 = arith.constant 0 : i32
          %dma_start3A_51 = tpu.memref_slice %arg8[%add3A_48, %dma_start3A_50] : memref<204800x768xf32, #tpu.memory_space<hbm>> -> memref<40x768xf32, #tpu.memory_space<hbm>>
          %dma_start3A_52 = arith.constant 0 : i32
          %dma_start3A_53 = tpu.memref_slice %arg8[%add3A_48, %dma_start3A_52] : memref<204800x768xf32, #tpu.memory_space<hbm>> -> memref<40x768xf32, #tpu.memory_space<hbm>>
          tpu.enqueue_dma source(%arg11 : memref<40x768xf32, #tpu.memory_space<vmem>>) target(%dma_start3A_53 : memref<40x768xf32, #tpu.memory_space<hbm>>) target_semaphore(%run_scoped3A : memref<!tpu.dma_semaphore, #tpu.memory_space<semaphore_mem>>)
          %dma_wait3A_54 = arith.constant 0 : i32
          %dma_wait3A_55 = tpu.memref_slice %arg8[%add3A_48, %dma_wait3A_54] : memref<204800x768xf32, #tpu.memory_space<hbm>> -> memref<40x768xf32, #tpu.memory_space<hbm>>
          %dma_wait3A_56 = arith.constant 0 : i32
          %dma_wait3A_57 = tpu.memref_slice %arg8[%add3A_48, %dma_wait3A_56] : memref<204800x768xf32, #tpu.memory_space<hbm>> -> memref<40x768xf32, #tpu.memory_space<hbm>>
          tpu.wait_dma2 semaphore(%run_scoped3A : memref<!tpu.dma_semaphore, #tpu.memory_space<semaphore_mem>>) src(%arg11 : memref<40x768xf32, #tpu.memory_space<vmem>>) dst(%dma_wait3A_57 : memref<40x768xf32, #tpu.memory_space<hbm>>)
          tpu.yield
        }) : () -> ()
        %scan3A_49 = arith.constant 0 : i32
        scf.yield %scan3A_49 : i32
      }
      %scan3A_26 = arith.constant 32 : i32
      %scan3A_27 = arith.constant 0 : i32
      scf.yield %scan3A_27 : i32
    }
    %scan3A_8 = arith.constant 5 : i32
    return
  }
}

</mosaic_0001>

<sc_bundles>
// kernel: _run.3.cloned.1.call-start
scs
__scs_entry_jumppad:
0x0: {  	(pc) =	sbr.rel $0x88, $3  }
0x1: {  	(tag) =	ssettag $0x0;
	lr =	simm.s32 $0x1  }
0x2: {  	[smem:$0x3F9B] =	sst lr;
	_ =	strace $0xD0000000  }
0x3: {  	_ = 	snop  }
0x4: {  	_ = 	snop  }
0x5: {  	_ = 	snop  }
0x6: {  	_ = 	snop  }
0x7: {  	_ = 	snop  }
__scs_overlays_trampoline_lowered:
0x8: {  	[smem:$0x3FAA] =	sst s0  }
0x9: {  	[smem:$0x3FAB] =	sst s1  }
0xa: {  	[smem:$0x3FAC] =	sst s2  }
0xb: {  	[smem:$0x3FAD] =	sst s3  }
0xc: {  	[smem:$0x3FAE] =	sst s4  }
0xd: {  	[smem:$0x3FAF] =	sst s5  }
0xe: {  	[smem:$0x3FB0] =	sst s6  }
0xf: {  	[smem:$0x3FB1] =	sst s7  }
0x10: {  	[smem:$0x3FB2] =	sst s8  }
0x11: {  	[smem:$0x3FB3] =	sst s9;
	s0 =	simm.s32 @!p0 $0x0  }
0x12: {  	s1 =	sld [smem:$0x3F99];
	s0 =	simm.s32 @p0 $0x1  }
0x13: {  	[smem:$0x3FB4] =	sst s0;
	s0 =	simm.s32 @!p1 $0x0  }
0x14: {  	s2 =	sld [smem:$0x3F98];
	s0 =	simm.s32 @p1 $0x1  }
0x15: {  	[smem:$0x3FB5] =	sst s0;
	s0 =	simm.s32 @!p2 $0x0  }
0x16: {  	s3 =	sld [smem:$0x3FDB];
	s0 =	simm.s32 @p2 $0x1  }
0x17: {  	s4 =	simm.s32 $0x1BF5;
	[smem:$0x3FB7] =	sst s0  }
0x18: {  	s0 =	sld [smem:$0x3F9A];
	_ =	swait.ge [sflag:s4], $0x0  }
0x19: {  	s7 =	sld [smem:$0x3F9B]  }
0x1a: {  	s8 =	sadd.s32 $0xFFFFE003, lr  }
0x1b: {  	s9 =	sadd.s32 $0xFFFFFEF7, lr;
	s5 =	simm.s32 $0xFFFFFFFF;
	p2 =	slt.u32 s8, $0xFFFFF086  }
0x1c: {  	p1 =	slt.u32 s9, $0xF7A;
	s5 =	simm.s32 @!p2 $0x0  }
0x1d: {  	s5 =	simm.s32 @p1 $0x1;
	p0 =	seq.s32 s7, s2  }
0x1e: {  	s7 =	smul.u32 @!p0 $0xF7A, s2;
	p2 =	seq.s32 @!p0 s5, $0x0  }
0x1f: {  	s9 =	smul.u32 $0xF7A, s1;
	s8 =	simm.s32 @!p0 $0x1BF5;
	p2 =	por !p2, p0  }
0x20: {  	[sflag:s8] =	ssyncset.s32 @!p0 $0xFFFFF086;
	s6 =	sadd.s32 @!p0 s3, s7;
	s7 =	simm.s32 @!p0 $0x108  }
0x21: {  	s3 =	sadd.s32 s3, s9;
	s6 =	sadd.s32 @!p0 $0x88, s6;
	s7 =	simm.s32 @p2 $0x1082  }
0x22: {  	[simem:s7], [sflag:s8] =	dma.local @!p0 [hbm:s6], $0xF7A  }
0x23: {  	s9 =	sor.u32 $0xD0000000, s2;
	s6 =	simm.s32 $0x108;
	_ =	swait.ge @!p0 [sflag:s8], $0x0  }
0x24: {  	s3 =	sadd.s32 $0x88, s3;
	s6 =	simm.s32 @!p1 $0x1082;
	[sflag:s4] =	ssyncset.s32 $0xFFFFF086  }
0x25: {  	[simem:s6], [sflag:s4] =	dma.local [hbm:s3], $0xF7A  }
0x26: {  	[smem:$0x3F9B] =	sst s1;
	(tag) =	ssettag s2;
	_ =	strace s9  }
0x27: {  	s1 =	sld [smem:$0x3FAB]  }
0x28: {  	s2 =	sld [smem:$0x3FAC]  }
0x29: {  	s4 =	sld [smem:$0x3FAE]  }
0x2a: {  	p0 =	seq.s32 s5, $0x0;
	s5 =	sld [smem:$0x3FAF]  }
0x2b: {  	s6 =	sld [smem:$0x3FB0]  }
0x2c: {  	s7 =	sld [smem:$0x3FB1]  }
0x2d: {  	s3 =	simm.s32 $0x108;
	s8 =	sld [smem:$0x3FB2]  }
0x2e: {  	s3 =	simm.s32 @!p0 $0x1082;
	s9 =	sld [smem:$0x3FB3]  }
0x2f: {  	lr =	sadd.s32 s0, s3;
	s0 =	sld [smem:$0x3FAA]  }
0x30: {  	s3 =	sld [smem:$0x3FAD]  }
0x31: {  	[smem:$0x3FB6] =	sst s10  }
0x32: {  	s10 =	sld [smem:$0x3FB4];
	_ =	sdelay $0x3  }
0x33: {  	p0 =	seq.s32 s10, $0x1;
	s10 =	sld [smem:$0x3FB6];
	_ =	sdelay $0x3  }
0x34: {  	[smem:$0x3FB6] =	sst s10  }
0x35: {  	s10 =	sld [smem:$0x3FB5];
	_ =	sdelay $0x3  }
0x36: {  	p1 =	seq.s32 s10, $0x1;
	s10 =	sld [smem:$0x3FB6];
	_ =	sdelay $0x3  }
0x37: {  	[smem:$0x3FB6] =	sst s10  }
0x38: {  	s10 =	sld [smem:$0x3FB7]  }
0x39: {  	_ = 	snop;
	(pc) =	sbr.ind lr, $3  }
0x3a: {  	_ = 	snop  }
0x3b: {  	_ = 	snop  }
0x3c: {  	p2 =	seq.s32 s10, $0x1;
	s10 =	sld [smem:$0x3FB6]  }
0x3d: {  	_ =	shalt  }
0x3e: {  	_ =	shalt  }
0x3f: {  	_ =	shalt  }
0x40: {  	_ =	shalt  }
0x41: {  	_ =	shalt  }
0x42: {  	_ =	shalt  }
0x43: {  	_ =	shalt  }
0x44: {  	_ =	shalt  }
0x45: {  	_ =	shalt  }
0x46: {  	_ =	shalt  }
0x47: {  	_ =	shalt  }
0x48: {  	_ =	shalt  }
0x49: {  	_ =	shalt  }
0x4a: {  	_ =	shalt  }
0x4b: {  	_ =	shalt  }
0x4c: {  	_ =	shalt  }
0x4d: {  	_ =	shalt  }
0x4e: {  	_ =	shalt  }
0x4f: {  	_ =	shalt  }
0x50: {  	_ =	shalt  }
0x51: {  	_ =	shalt  }
0x52: {  	_ =	shalt  }
0x53: {  	_ =	shalt  }
0x54: {  	_ =	shalt  }
0x55: {  	_ =	shalt  }
0x56: {  	_ =	shalt  }
0x57: {  	_ =	shalt  }
0x58: {  	_ =	shalt  }
0x59: {  	_ =	shalt  }
0x5a: {  	_ =	shalt  }
0x5b: {  	_ =	shalt  }
0x5c: {  	_ =	shalt  }
0x5d: {  	_ =	shalt  }
0x5e: {  	_ =	shalt  }
0x5f: {  	_ =	shalt  }
0x60: {  	_ =	shalt  }
0x61: {  	_ =	shalt  }
0x62: {  	_ =	shalt  }
0x63: {  	_ =	shalt  }
0x64: {  	_ =	shalt  }
0x65: {  	_ =	shalt  }
0x66: {  	_ =	shalt  }
0x67: {  	_ =	shalt  }
0x68: {  	_ =	shalt  }
0x69: {  	_ =	shalt  }
0x6a: {  	_ =	shalt  }
0x6b: {  	_ =	shalt  }
0x6c: {  	_ =	shalt  }
0x6d: {  	_ =	shalt  }
0x6e: {  	_ =	shalt  }
0x6f: {  	_ =	shalt  }
0x70: {  	_ =	shalt  }
0x71: {  	_ =	shalt  }
0x72: {  	_ =	shalt  }
0x73: {  	_ =	shalt  }
0x74: {  	_ =	shalt  }
0x75: {  	_ =	shalt  }
0x76: {  	_ =	shalt  }
0x77: {  	_ =	shalt  }
0x78: {  	_ =	shalt  }
0x79: {  	_ =	shalt  }
0x7a: {  	_ =	shalt  }
0x7b: {  	_ =	shalt  }
0x7c: {  	_ =	shalt  }
0x7d: {  	_ =	shalt  }
0x7e: {  	_ =	shalt  }
0x7f: {  	_ =	shalt  }
0x80: {  	_ =	shalt  }
0x81: {  	_ =	shalt  }
0x82: {  	_ =	shalt  }
0x83: {  	_ =	shalt  }
0x84: {  	_ =	shalt  }
0x85: {  	_ =	shalt  }
0x86: {  	_ =	shalt  }
0x87: {  	_ =	shalt  }
.Lfunc_end0:
.L_simem_size_0:
called_computation_lowered:
.L_overlay_start_0:
0x88: {  	s2 =	sld [smem:$0x3FD9]  }
0x89: {  	s3 =	sld [smem:$0x3FFE];
	_ =	sdelay $0x1  }
0x8a: {  	s1 =	srdreg.scid  }
0x8b: {  	s0 =	sand.u32 $0x1, s1  }
0x8c: {  	s18 =	sshll.u32 s0, $0xA;
	s2 =	sadd.s32 s3, s2  }
0x8d: {  	s2 =	sadd.s32 s2, s18  }
0x8e: {  	[smem:$0x3FC2] =	sst s2  }
0x8f: {  	_ = 	snop  }
0x90: {  	s2 =	sld [smem:$0x3FC9]  }
0x91: {  	s19 =	sld [smem:$0x3FC8]  }
0x92: {  	s4 =	sld [smem:$0x3FC7]  }
0x93: {  	s5 =	sld [smem:$0x3FC6]  }
0x94: {  	s6 =	sld [smem:$0x3FC5]  }
0x95: {  	s7 =	sld [smem:$0x3FC4]  }
0x96: {  	s8 =	sld [smem:$0x3FD0];
	(tm) =	ssettm $0x1  }
0x97: {  	s9 =	sld [smem:$0x3FFB];
	_ =	sdelay $0x3  }
0x98: {  	_ =	strace s9  }
0x99: {  	s9 =	sld [smem:$0x3FFC];
	_ =	sdelay $0x3  }
0x9a: {  	_ =	strace s9  }
0x9b: {  	s9 =	sld [smem:$0x3FFD];
	_ =	sdelay $0x3  }
0x9c: {  	_ =	strace s9  }
0x9d: {  	_ =	strace $0x8FFFFFFF  }
0x9e: {  	s20 =	sld [smem:$0x3FDB];
	_ =	sdelay $0x1  }
0x9f: {  	s10 =	simm.s32 $_scs_section_size  }
0xa0: {  	s11 =	simm.s32 $_size__tile_overlayer_lowered;
	s12 =	simm.s32 $_tile_overlayer_lowered  }
0xa1: {  	s23 =	simm.s32 $0x1BFF;
	s22 =	sshll.u32 s12, $0x1;
	s9 =	sadd.s32 s10, s20  }
0xa2: {  	s13 =	simm.s32 $0x0;
	s21 =	sshll.u32 s11, $0x1;
	s11 =	sadd.s32 s22, s9  }
0xa3: {  	[timem:s13], [sflag:s23] =	dma.local [hbm:s11], s21  }
0xa4: {  	_ =	swait.ge [sflag:s23], s21  }
0xa5: {  	s10 =	ssub.s32 $0x0, s21;
	[sflag:s23] =	ssyncset.done $0x0  }
0xa6: {  	[sflag:s23] =	ssyncadd.s32 s10;
	_ =	sdelay $0x1  }
0xa7: {  	s24 =	simm.s32 $0x1B8B  }
0xa8: {  	_ =	swait.ge [sflag:s24], $0x1  }
0xa9: {  	[sflag:s24] =	ssyncset.done $0x0  }
0xaa: {  	s25 =	simm.s32 $0x1B8E;
	[sflag:s24] =	ssyncadd.s32 $0xFFFFFFFF  }
0xab: {  	s26 =	simm.s32 $execute0_lowered;
	[smem:$0x3FD2] =	sst s25  }
0xac: {  	s10 =	sshll.u32 s26, $0x1;
	_ =	strace $0x80000046;
	[dreg:$0x1] =	wrdreg $0xFFFFFFFF  }
0xad: {  	s28 =	simm.s32 $_size_execute0_lowered;
	s9 =	sadd.s32 s9, s10;
	[dreg:$0x0] =	wrdreg $0x0  }
0xae: {  	s10 =	sshll.u32 s28, $0x1;
	[dreg:$0x2] =	wrdreg s9  }
0xaf: {  	[dreg:$0x3] =	wrdreg s10  }
0xb0: {  	[dreg:$0x4] =	wrdreg $0xC0  }
0xb1: {  	_ =	task [dreg:s13], $0x5FFFF  }
0xb2: {  	[dreg:$0x1] =	wrdreg $0xFFFFFFFF  }
0xb3: {  	[dreg:$0x0] =	wrdreg $0x60  }
0xb4: {  	[dreg:$0x2] =	wrdreg s2  }
0xb5: {  	[dreg:$0x3] =	wrdreg s19  }
0xb6: {  	[dreg:$0x4] =	wrdreg s4  }
0xb7: {  	[dreg:$0x5] =	wrdreg s5  }
0xb8: {  	[dreg:$0x6] =	wrdreg s6  }
0xb9: {  	[dreg:$0x7] =	wrdreg s7  }
0xba: {  	[dreg:$0x8] =	wrdreg s8  }
0xbb: {  	[dreg:$0x9] =	wrdreg $0x9  }
0xbc: {  	_ =	task.clear_ibuf [dreg:s13], $0xAFFFF;
	_ =	strace $0x90000046  }
0xbd: {  	s29 =	simm.s32 $0x9;
	_ =	strace $0x80000048  }
0xbe: {  	_ =	swait.ge [sflag:s29], $0x1  }
0xbf: {  	[sflag:s29] =	ssyncadd.s32 $0xFFFFFFFF  }
0xc0: {  	_ =	strace $0x90000048  }
0xc1: {  	_ =	sfence  }
0xc2: {  	s30 =	sld [smem:$0x0];
	_ =	sdelay $0x2  }
0xc3: {  	s31 =	sshll.u32 s1, $0xD;
	s1 =	sshrl.u32 s1, $0x2  }
0xc4: {  	s3 =	sand.u32 $0x4000, s31;
	s1 =	sadd.s32 s1, s30  }
0xc5: {  	s0 =	sor.u32 s3, s0;
	s1 =	sshll.u32 s1, $0x11  }
0xc6: {  	s0 =	sor.u32 s1, s0  }
0xc7: {  	s0 =	sadd.s32 $0x8F2B, s0  }
0xc8: {  	[sflag:s0] =	ssyncadd.remote.s32 $0x1  }
0xc9: {  	_ =	sfence.sel $0xFFFF  }
0xca: {  	[dreg:$0x0] =	wrdreg $0xFFFFFFFF;
	(pc) =	sbr.abs _section_cstart, $3  }
0xcb: {  	[dreg:$0x1] =	wrdreg $0xFFFFFFFF  }
0xcc: {  	_ =	task.clear_ibuf [dreg:s13], $0x2FFFF;
	_ =	strace $0x9FFFFFFF  }
0xcd: {  	(tm) =	ssettm $0x7FFFFFFF  }
tec
execute0_lowered:
.L_overlay_start_1:
0x0: {  	(tag) =	ssettag $0x1  }
0x1: {  	s1 =	rddreg [dreg:$0x0]  }
0x2: {  	s0 =	rddreg [dreg:$0x1];
	s2 =	srdreg.scid  }
0x3: {  	s3 =	stileid.u32;
	s8 =	simm.s32 $0x0;
	s14 =	simm.s32 $0x2  }
0x4: {  	s19 =	simm.s32 $0x9100;
	s20 =	simm.s32 $0x9900;
	s21 =	simm.s32 $0xA100  }
0x5: {  	s22 =	simm.s32 $0xA900;
	s23 =	simm.s32 $0xB100;
	s24 =	simm.s32 $0xB900  }
0x6: {  	s28 =	simm.s32 $0xD100;
	s29 =	simm.s32 $0xD900;
	s30 =	simm.s32 $0xE100  }
0x7: {  	s31 =	simm.s32 $0xE900;
	s5 =	simm.s32 $0xF100;
	s6 =	simm.s32 $0x0  }
0x8: {  	s2 =	sand.u32 $0x1, s2;
	s3 =	sshll.u32 s3, $0x1;
	[smem:$0x7FF] =	sst s8  }
0x9: {  	s11 =	sadd.s32 $0x100, s0;
	s3 =	sor.u32 s2, s3;
	s2 =	ssub.s32 $0x2, s2  }
0xa: {  	s12 =	sadd.s32 $0x200, s0;
	s9 =	smul.u32 $0x1900, s3;
	s25 =	sshrl.u32 s2, $0x1  }
0xb: {  	_ =	strace $0x80000047;
	s3 =	simm.s32 $0x10100;
	s2 =	ssub.s32 s2, s25  }
0xc: {  	v2 =	vlaneseq.u32;
	s25 =	simm.s32 $0xC100;
	s4 =	sshrl.u32 s9, $0x3;
	s26 =	smax.u32 s2, $0x1  }
0xd: {  	vm0 =	vmmov $0xffff;
	v1 =	vshrl.u32 v2, $0x3;
	s1 =	sadd.s32 s1, s4;
	[dreg:$0x9] =	wrdreg s26;
	s26 =	simm.s32 $0xC900  }
0xe: {  	v0 =	vand.u32 $0x7, v2;
	v2 =	vor.u32 $0x8, v2;
	v1 =	vmul.u32 $0x8, v1;
	s4 =	simm.s32 $0x1;
	[dreg:$0x8] =	wrdreg s1;
	s1 =	simm.s32 $0xF900  }
.LBB2_1:
0xf: {  	[dreg:$0xa] =	wrdreg s6  }
0x10: {  	s2 =	rddreg [dreg:$0x8]  }
0x11: {  	[tilespmem:s8], [sflag:$0x2] =	stream.linear.gather [hbm4b:s2+s8], $0x1900, $0x38;
	[tilespmem:$0x11200] =	vst v63  }
0x12: {  	_ =	swait.ge [sflag:s14], $0x1900  }
0x13: {  	[sflag:s14] =	ssyncset.done $0x0  }
0x14: {  	[sflag:s14] =	ssyncadd.s32 $0xFFFFE700  }
0x15: {  	s13 =	simm.s32 $0x10900;
	s10 =	rddreg [dreg:$0x3]  }
0x16: {  	[tilespmem:s13], [sflag:$0x2] =	stream.linear.gather [hbm4b:s10+s8], $0x300, $0x38;
	[tilespmem:$0x11200] =	vst v63  }
0x17: {  	_ =	swait.ge [sflag:s14], $0x300  }
0x18: {  	[sflag:s14] =	ssyncset.done $0x0  }
0x19: {  	[sflag:s14] =	ssyncadd.s32 $0xFFFFFD00  }
0x1a: {  	s16 =	simm.s32 $0x10C00;
	s15 =	rddreg [dreg:$0x4]  }
0x1b: {  	[tilespmem:s16], [sflag:$0x2] =	stream.linear.gather [hbm4b:s15+s8], $0x300, $0x38;
	[tilespmem:$0x11200] =	vst v63  }
0x1c: {  	_ =	swait.ge [sflag:s14], $0x300  }
0x1d: {  	[sflag:s14] =	ssyncset.done $0x0  }
0x1e: {  	[sflag:s14] =	ssyncadd.s32 $0xFFFFFD00  }
0x1f: {  	s18 =	simm.s32 $0x10F00;
	s17 =	rddreg [dreg:$0x5]  }
0x20: {  	[tilespmem:s18], [sflag:$0x2] =	stream.linear.gather [hbm4b:s17+s8], $0x300, $0x38;
	[tilespmem:$0x11200] =	vst v63  }
0x21: {  	_ =	swait.ge [sflag:s14], $0x300  }
0x22: {  	[sflag:s14] =	ssyncset.done $0x0  }
0x23: {  	s2 =	simm.s32 $0x0;
	[sflag:s14] =	ssyncadd.s32 $0xFFFFFD00  }
.LBB2_2:
0x24: {  	s16 =	smul.u32 $0x28, s2;
	_ =	sdelay $0x1  }
0x25: {  	[dreg:$0xb] =	wrdreg s2;
	s2 =	sshrl.u32 s16, $0x3  }
0x26: {  	s2 =	smul.u32 $0x300, s2  }
0x27: {  	s6 =	rddreg [dreg:$0x2];
	s17 =	simm.s32 $0x0  }
0x28: {  	s10 =	simm.s32 $0x1900;
	s13 =	simm.s32 $0x0;
	s2 =	sadd.s32 s6, s2  }
0x29: {  	[tilespmem:s10], [sflag:$0x2] =	stream.linear.gather [hbm4b:s2+s17], $0x7800, $0x38;
	[tilespmem:$0x11200] =	vst v63  }
0x2a: {  	s2 =	smul.u32 $0x6000, s13  }
0x2b: {  	_ =	swait.ge [sflag:s14], $0x7800  }
0x2c: {  	s15 =	sand.u32 $0x380, s17;
	[sflag:s14] =	ssyncset.done $0x0;
	s2 =	sshra.s32 s2, $0x2  }
0x2d: {  	[sflag:s14] =	ssyncadd.s32 $0xFFFF8800;
	s10 =	sor.u32 s15, s2  }
0x2e: {  	v3 =	vld [tilespmem:s10+$0x1900]  }
0x2f: {  	v4 =	vld [tilespmem:$0x10900];
	_ =	sdelay $0x4  }
0x30: {  	v3 =	vadd.f32 v4, v3;
	_ =	sdelay $0x1  }
0x31: {  	[tilespmem:s10+$0x1900] =	vst v3;
	v3 =	vld [tilespmem:s10+$0x1910]  }
0x32: {  	v4 =	vld [tilespmem:$0x10910];
	_ =	sdelay $0x4  }
0x33: {  	v3 =	vadd.f32 v4, v3;
	_ =	sdelay $0x1  }
0x34: {  	[tilespmem:s10+$0x1910] =	vst v3;
	v3 =	vld [tilespmem:s10+$0x1920]  }
0x35: {  	v4 =	vld [tilespmem:$0x10920];
	_ =	sdelay $0x4  }
0x36: {  	v3 =	vadd.f32 v4, v3;
	_ =	sdelay $0x1  }
0x37: {  	[tilespmem:s10+$0x1920] =	vst v3;
	v3 =	vld [tilespmem:s10+$0x1930]  }
0x38: {  	v4 =	vld [tilespmem:$0x10930];
	_ =	sdelay $0x4  }
0x39: {  	v3 =	vadd.f32 v4, v3;
	_ =	sdelay $0x1  }
0x3a: {  	[tilespmem:s10+$0x1930] =	vst v3;
	v3 =	vld [tilespmem:s10+$0x1940]  }
0x3b: {  	v4 =	vld [tilespmem:$0x10940];
	_ =	sdelay $0x4  }
0x3c: {  	v3 =	vadd.f32 v4, v3;
	_ =	sdelay $0x1  }
0x3d: {  	[tilespmem:s10+$0x1940] =	vst v3;
	v3 =	vld [tilespmem:s10+$0x1950]  }
0x3e: {  	v4 =	vld [tilespmem:$0x10950];
	_ =	sdelay $0x4  }
0x3f: {  	v3 =	vadd.f32 v4, v3;
	_ =	sdelay $0x1  }
0x40: {  	[tilespmem:s10+$0x1950] =	vst v3;
	v3 =	vld [tilespmem:s10+$0x1960]  }
0x41: {  	v4 =	vld [tilespmem:$0x10960];
	_ =	sdelay $0x4  }
0x42: {  	v3 =	vadd.f32 v4, v3;
	_ =	sdelay $0x1  }
0x43: {  	[tilespmem:s10+$0x1960] =	vst v3;
	v3 =	vld [tilespmem:s10+$0x1970]  }
0x44: {  	v4 =	vld [tilespmem:$0x10970];
	_ =	sdelay $0x4  }
0x45: {  	v3 =	vadd.f32 v4, v3;
	_ =	sdelay $0x1  }
0x46: {  	[tilespmem:s10+$0x1970] =	vst v3;
	v3 =	vld [tilespmem:s10+$0x1D00]  }
0x47: {  	v4 =	vld [tilespmem:$0x10980];
	_ =	sdelay $0x4  }
0x48: {  	v3 =	vadd.f32 v4, v3;
	_ =	sdelay $0x1  }
0x49: {  	[tilespmem:s10+$0x1D00] =	vst v3;
	v3 =	vld [tilespmem:s10+$0x1D10]  }
0x4a: {  	v4 =	vld [tilespmem:$0x10990];
	_ =	sdelay $0x4  }
0x4b: {  	v3 =	vadd.f32 v4, v3;
	_ =	sdelay $0x1  }
0x4c: {  	[tilespmem:s10+$0x1D10] =	vst v3;
	v3 =	vld [tilespmem:s10+$0x1D20]  }
0x4d: {  	v4 =	vld [tilespmem:$0x109A0];
	_ =	sdelay $0x4  }
0x4e: {  	v3 =	vadd.f32 v4, v3;
	_ =	sdelay $0x1  }
0x4f: {  	[tilespmem:s10+$0x1D20] =	vst v3;
	v3 =	vld [tilespmem:s10+$0x1D30]  }
0x50: {  	v4 =	vld [tilespmem:$0x109B0];
	_ =	sdelay $0x4  }
0x51: {  	v3 =	vadd.f32 v4, v3;
	_ =	sdelay $0x1  }
0x52: {  	[tilespmem:s10+$0x1D30] =	vst v3;
	v3 =	vld [tilespmem:s10+$0x1D40]  }
0x53: {  	v4 =	vld [tilespmem:$0x109C0];
	_ =	sdelay $0x4  }
0x54: {  	v3 =	vadd.f32 v4, v3;
	_ =	sdelay $0x1  }
0x55: {  	[tilespmem:s10+$0x1D40] =	vst v3;
	v3 =	vld [tilespmem:s10+$0x1D50]  }
0x56: {  	v4 =	vld [tilespmem:$0x109D0];
	_ =	sdelay $0x4  }
0x57: {  	v3 =	vadd.f32 v4, v3;
	_ =	sdelay $0x1  }
0x58: {  	[tilespmem:s10+$0x1D50] =	vst v3;
	v3 =	vld [tilespmem:s10+$0x1D60]  }
0x59: {  	v4 =	vld [tilespmem:$0x109E0];
	_ =	sdelay $0x4  }
0x5a: {  	v3 =	vadd.f32 v4, v3;
	_ =	sdelay $0x1  }
0x5b: {  	[tilespmem:s10+$0x1D60] =	vst v3;
	v3 =	vld [tilespmem:s10+$0x1D70]  }
0x5c: {  	v4 =	vld [tilespmem:$0x109F0];
	_ =	sdelay $0x4  }
0x5d: {  	v3 =	vadd.f32 v4, v3;
	_ =	sdelay $0x1  }
0x5e: {  	[tilespmem:s10+$0x1D70] =	vst v3;
	v3 =	vld [tilespmem:s10+$0x2100]  }
0x5f: {  	v4 =	vld [tilespmem:$0x10A00];
	_ =	sdelay $0x4  }
0x60: {  	v3 =	vadd.f32 v4, v3;
	_ =	sdelay $0x1  }
0x61: {  	[tilespmem:s10+$0x2100] =	vst v3;
	v3 =	vld [tilespmem:s10+$0x2110]  }
0x62: {  	v4 =	vld [tilespmem:$0x10A10];
	_ =	sdelay $0x4  }
0x63: {  	v3 =	vadd.f32 v4, v3;
	_ =	sdelay $0x1  }
0x64: {  	[tilespmem:s10+$0x2110] =	vst v3;
	v3 =	vld [tilespmem:s10+$0x2120]  }
0x65: {  	v4 =	vld [tilespmem:$0x10A20];
	_ =	sdelay $0x4  }
0x66: {  	v3 =	vadd.f32 v4, v3;
	_ =	sdelay $0x1  }
0x67: {  	[tilespmem:s10+$0x2120] =	vst v3;
	v3 =	vld [tilespmem:s10+$0x2130]  }
0x68: {  	v4 =	vld [tilespmem:$0x10A30];
	_ =	sdelay $0x4  }
0x69: {  	v3 =	vadd.f32 v4, v3;
	_ =	sdelay $0x1  }
0x6a: {  	[tilespmem:s10+$0x2130] =	vst v3;
	v3 =	vld [tilespmem:s10+$0x2140]  }
0x6b: {  	v4 =	vld [tilespmem:$0x10A40];
	_ =	sdelay $0x4  }
0x6c: {  	v3 =	vadd.f32 v4, v3;
	_ =	sdelay $0x1  }
0x6d: {  	[tilespmem:s10+$0x2140] =	vst v3;
	v3 =	vld [tilespmem:s10+$0x2150]  }
0x6e: {  	v4 =	vld [tilespmem:$0x10A50];
	_ =	sdelay $0x4  }
0x6f: {  	v3 =	vadd.f32 v4, v3;
	_ =	sdelay $0x1  }
0x70: {  	[tilespmem:s10+$0x2150] =	vst v3;
	v3 =	vld [tilespmem:s10+$0x2160]  }
0x71: {  	v4 =	vld [tilespmem:$0x10A60];
	_ =	sdelay $0x4  }
0x72: {  	v3 =	vadd.f32 v4, v3;
	_ =	sdelay $0x1  }
0x73: {  	[tilespmem:s10+$0x2160] =	vst v3;
	v3 =	vld [tilespmem:s10+$0x2170]  }
0x74: {  	v4 =	vld [tilespmem:$0x10A70];
	_ =	sdelay $0x4  }
0x75: {  	v3 =	vadd.f32 v4, v3;
	_ =	sdelay $0x1  }
0x76: {  	[tilespmem:s10+$0x2170] =	vst v3;
	v3 =	vld [tilespmem:s10+$0x2500]  }
0x77: {  	v4 =	vld [tilespmem:$0x10A80];
	_ =	sdelay $0x4  }
0x78: {  	v3 =	vadd.f32 v4, v3;
	_ =	sdelay $0x1  }
0x79: {  	[tilespmem:s10+$0x2500] =	vst v3;
	v3 =	vld [tilespmem:s10+$0x2510]  }
0x7a: {  	v4 =	vld [tilespmem:$0x10A90];
	_ =	sdelay $0x4  }
0x7b: {  	v3 =	vadd.f32 v4, v3;
	_ =	sdelay $0x1  }
0x7c: {  	[tilespmem:s10+$0x2510] =	vst v3;
	v3 =	vld [tilespmem:s10+$0x2520]  }
0x7d: {  	v4 =	vld [tilespmem:$0x10AA0];
	_ =	sdelay $0x4  }
0x7e: {  	v3 =	vadd.f32 v4, v3;
	_ =	sdelay $0x1  }
0x7f: {  	[tilespmem:s10+$0x2520] =	vst v3;
	v3 =	vld [tilespmem:s10+$0x2530]  }
0x80: {  	v4 =	vld [tilespmem:$0x10AB0];
	_ =	sdelay $0x4  }
0x81: {  	v3 =	vadd.f32 v4, v3;
	_ =	sdelay $0x1  }
0x82: {  	[tilespmem:s10+$0x2530] =	vst v3;
	v3 =	vld [tilespmem:s10+$0x2540]  }
0x83: {  	v4 =	vld [tilespmem:$0x10AC0];
	_ =	sdelay $0x4  }
0x84: {  	v3 =	vadd.f32 v4, v3;
	_ =	sdelay $0x1  }
0x85: {  	[tilespmem:s10+$0x2540] =	vst v3;
	v3 =	vld [tilespmem:s10+$0x2550]  }
0x86: {  	v4 =	vld [tilespmem:$0x10AD0];
	_ =	sdelay $0x4  }
0x87: {  	v3 =	vadd.f32 v4, v3;
	_ =	sdelay $0x1  }
0x88: {  	[tilespmem:s10+$0x2550] =	vst v3;
	v3 =	vld [tilespmem:s10+$0x2560]  }
0x89: {  	v4 =	vld [tilespmem:$0x10AE0];
	_ =	sdelay $0x4  }
0x8a: {  	v3 =	vadd.f32 v4, v3;
	_ =	sdelay $0x1  }
0x8b: {  	[tilespmem:s10+$0x2560] =	vst v3;
	v3 =	vld [tilespmem:s10+$0x2570]  }
0x8c: {  	v4 =	vld [tilespmem:$0x10AF0];
	_ =	sdelay $0x4  }
0x8d: {  	v3 =	vadd.f32 v4, v3;
	_ =	sdelay $0x1  }
0x8e: {  	[tilespmem:s10+$0x2570] =	vst v3;
	v3 =	vld [tilespmem:s10+$0x2900]  }
0x8f: {  	v4 =	vld [tilespmem:$0x10B00];
	_ =	sdelay $0x4  }
0x90: {  	v3 =	vadd.f32 v4, v3;
	_ =	sdelay $0x1  }
0x91: {  	[tilespmem:s10+$0x2900] =	vst v3;
	v3 =	vld [tilespmem:s10+$0x2910]  }
0x92: {  	v4 =	vld [tilespmem:$0x10B10];
	_ =	sdelay $0x4  }
0x93: {  	v3 =	vadd.f32 v4, v3;
	_ =	sdelay $0x1  }
0x94: {  	[tilespmem:s10+$0x2910] =	vst v3;
	v3 =	vld [tilespmem:s10+$0x2920]  }
0x95: {  	v4 =	vld [tilespmem:$0x10B20];
	_ =	sdelay $0x4  }
0x96: {  	v3 =	vadd.f32 v4, v3;
	_ =	sdelay $0x1  }
0x97: {  	[tilespmem:s10+$0x2920] =	vst v3;
	v3 =	vld [tilespmem:s10+$0x2930]  }
0x98: {  	v4 =	vld [tilespmem:$0x10B30];
	_ =	sdelay $0x4  }
0x99: {  	v3 =	vadd.f32 v4, v3;
	_ =	sdelay $0x1  }
0x9a: {  	[tilespmem:s10+$0x2930] =	vst v3;
	v3 =	vld [tilespmem:s10+$0x2940]  }
0x9b: {  	v4 =	vld [tilespmem:$0x10B40];
	_ =	sdelay $0x4  }
0x9c: {  	v3 =	vadd.f32 v4, v3;
	_ =	sdelay $0x1  }
0x9d: {  	[tilespmem:s10+$0x2940] =	vst v3;
	v3 =	vld [tilespmem:s10+$0x2950]  }
0x9e: {  	v4 =	vld [tilespmem:$0x10B50];
	_ =	sdelay $0x4  }
0x9f: {  	v3 =	vadd.f32 v4, v3;
	_ =	sdelay $0x1  }
0xa0: {  	[tilespmem:s10+$0x2950] =	vst v3;
	v3 =	vld [tilespmem:s10+$0x2960]  }
0xa1: {  	v4 =	vld [tilespmem:$0x10B60];
	_ =	sdelay $0x4  }
0xa2: {  	v3 =	vadd.f32 v4, v3;
	_ =	sdelay $0x1  }
0xa3: {  	[tilespmem:s10+$0x2960] =	vst v3;
	v3 =	vld [tilespmem:s10+$0x2970]  }
0xa4: {  	v4 =	vld [tilespmem:$0x10B70];
	_ =	sdelay $0x4  }
0xa5: {  	v3 =	vadd.f32 v4, v3;
	_ =	sdelay $0x1  }
0xa6: {  	[tilespmem:s10+$0x2970] =	vst v3;
	v3 =	vld [tilespmem:s10+$0x2D00]  }
0xa7: {  	v4 =	vld [tilespmem:$0x10B80];
	_ =	sdelay $0x4  }
0xa8: {  	v3 =	vadd.f32 v4, v3;
	_ =	sdelay $0x1  }
0xa9: {  	[tilespmem:s10+$0x2D00] =	vst v3;
	v3 =	vld [tilespmem:s10+$0x2D10]  }
0xaa: {  	v4 =	vld [tilespmem:$0x10B90];
	_ =	sdelay $0x4  }
0xab: {  	v3 =	vadd.f32 v4, v3;
	_ =	sdelay $0x1  }
0xac: {  	[tilespmem:s10+$0x2D10] =	vst v3;
	v3 =	vld [tilespmem:s10+$0x2D20]  }
0xad: {  	v4 =	vld [tilespmem:$0x10BA0];
	_ =	sdelay $0x4  }
0xae: {  	v3 =	vadd.f32 v4, v3;
	_ =	sdelay $0x1  }
0xaf: {  	[tilespmem:s10+$0x2D20] =	vst v3;
	v3 =	vld [tilespmem:s10+$0x2D30]  }
0xb0: {  	v4 =	vld [tilespmem:$0x10BB0];
	_ =	sdelay $0x4  }
0xb1: {  	v3 =	vadd.f32 v4, v3;
	_ =	sdelay $0x1  }
0xb2: {  	[tilespmem:s10+$0x2D30] =	vst v3;
	v3 =	vld [tilespmem:s10+$0x2D40]  }
0xb3: {  	v4 =	vld [tilespmem:$0x10BC0];
	_ =	sdelay $0x4  }
0xb4: {  	v3 =	vadd.f32 v4, v3;
	_ =	sdelay $0x1  }
0xb5: {  	[tilespmem:s10+$0x2D40] =	vst v3;
	v3 =	vld [tilespmem:s10+$0x2D50]  }
0xb6: {  	v4 =	vld [tilespmem:$0x10BD0];
	_ =	sdelay $0x4  }
0xb7: {  	v3 =	vadd.f32 v4, v3;
	_ =	sdelay $0x1  }
0xb8: {  	[tilespmem:s10+$0x2D50] =	vst v3;
	v3 =	vld [tilespmem:s10+$0x2D60]  }
0xb9: {  	v4 =	vld [tilespmem:$0x10BE0];
	_ =	sdelay $0x4  }
0xba: {  	v3 =	vadd.f32 v4, v3;
	_ =	sdelay $0x1  }
0xbb: {  	[tilespmem:s10+$0x2D60] =	vst v3;
	v3 =	vld [tilespmem:s10+$0x2D70]  }
0xbc: {  	v4 =	vld [tilespmem:$0x10BF0];
	_ =	sdelay $0x1  }
0xbd: {  	s18 =	simm.s32 $0x0  }
0xbe: {  	s6 =	simm.s32 $0x2;
	s13 =	smul.u32 $0x6000, s18;
	s2 =	simm.s32 $0x0  }
.LBB2_3:
0xbf: {  	p0 =	sne.s32 s6, $0x27;
	s2 =	sadd.s32 $0x80, s2  }
0xc0: {  	s18 =	sand.u32 $0x380, s2;
	s13 =	sshra.s32 s13, $0x2;
	v3 =	vadd.f32 v4, v3  }
0xc1: {  	s13 =	sor.u32 s18, s13  }
0xc2: {  	v4 =	vld [tilespmem:s13+$0x1900];
	[tilespmem:s10+$0x2D70] =	vst v3;
	s10 =	smov.u32 s13  }
0xc3: {  	v3 =	vld [tilespmem:$0x10900];
	_ =	sdelay $0x4  }
0xc4: {  	v3 =	vadd.f32 v3, v4;
	_ =	sdelay $0x1  }
0xc5: {  	[tilespmem:s10+$0x1900] =	vst v3;
	v3 =	vld [tilespmem:s10+$0x1910]  }
0xc6: {  	v4 =	vld [tilespmem:$0x10910];
	_ =	sdelay $0x4  }
0xc7: {  	v3 =	vadd.f32 v4, v3;
	_ =	sdelay $0x1  }
0xc8: {  	[tilespmem:s10+$0x1910] =	vst v3;
	v3 =	vld [tilespmem:s10+$0x1920]  }
0xc9: {  	v4 =	vld [tilespmem:$0x10920];
	_ =	sdelay $0x4  }
0xca: {  	v3 =	vadd.f32 v4, v3;
	_ =	sdelay $0x1  }
0xcb: {  	[tilespmem:s10+$0x1920] =	vst v3;
	v3 =	vld [tilespmem:s10+$0x1930]  }
0xcc: {  	v4 =	vld [tilespmem:$0x10930];
	_ =	sdelay $0x4  }
0xcd: {  	v3 =	vadd.f32 v4, v3;
	_ =	sdelay $0x1  }
0xce: {  	[tilespmem:s10+$0x1930] =	vst v3;
	v3 =	vld [tilespmem:s10+$0x1940]  }
0xcf: {  	v4 =	vld [tilespmem:$0x10940];
	_ =	sdelay $0x4  }
0xd0: {  	v3 =	vadd.f32 v4, v3;
	_ =	sdelay $0x1  }
0xd1: {  	[tilespmem:s10+$0x1940] =	vst v3;
	v3 =	vld [tilespmem:s10+$0x1950]  }
0xd2: {  	v4 =	vld [tilespmem:$0x10950];
	_ =	sdelay $0x4  }
0xd3: {  	v3 =	vadd.f32 v4, v3;
	_ =	sdelay $0x1  }
0xd4: {  	[tilespmem:s10+$0x1950] =	vst v3;
	v3 =	vld [tilespmem:s10+$0x1960]  }
0xd5: {  	v4 =	vld [tilespmem:$0x10960];
	_ =	sdelay $0x4  }
0xd6: {  	v3 =	vadd.f32 v4, v3;
	_ =	sdelay $0x1  }
0xd7: {  	[tilespmem:s10+$0x1960] =	vst v3;
	v3 =	vld [tilespmem:s10+$0x1970]  }
0xd8: {  	v4 =	vld [tilespmem:$0x10970];
	_ =	sdelay $0x4  }
0xd9: {  	v3 =	vadd.f32 v4, v3;
	_ =	sdelay $0x1  }
0xda: {  	[tilespmem:s10+$0x1970] =	vst v3;
	v3 =	vld [tilespmem:s10+$0x1D00]  }
0xdb: {  	v4 =	vld [tilespmem:$0x10980];
	_ =	sdelay $0x4  }
0xdc: {  	v3 =	vadd.f32 v4, v3;
	_ =	sdelay $0x1  }
0xdd: {  	[tilespmem:s10+$0x1D00] =	vst v3;
	v3 =	vld [tilespmem:s10+$0x1D10]  }
0xde: {  	v4 =	vld [tilespmem:$0x10990];
	_ =	sdelay $0x4  }
0xdf: {  	v3 =	vadd.f32 v4, v3;
	_ =	sdelay $0x1  }
0xe0: {  	[tilespmem:s10+$0x1D10] =	vst v3;
	v3 =	vld [tilespmem:s10+$0x1D20]  }
0xe1: {  	v4 =	vld [tilespmem:$0x109A0];
	_ =	sdelay $0x4  }
0xe2: {  	v3 =	vadd.f32 v4, v3;
	_ =	sdelay $0x1  }
0xe3: {  	[tilespmem:s10+$0x1D20] =	vst v3;
	v3 =	vld [tilespmem:s10+$0x1D30]  }
0xe4: {  	v4 =	vld [tilespmem:$0x109B0];
	_ =	sdelay $0x4  }
0xe5: {  	v3 =	vadd.f32 v4, v3;
	_ =	sdelay $0x1  }
0xe6: {  	[tilespmem:s10+$0x1D30] =	vst v3;
	v3 =	vld [tilespmem:s10+$0x1D40]  }
0xe7: {  	v4 =	vld [tilespmem:$0x109C0];
	_ =	sdelay $0x4  }
0xe8: {  	v3 =	vadd.f32 v4, v3;
	_ =	sdelay $0x1  }
0xe9: {  	[tilespmem:s10+$0x1D40] =	vst v3;
	v3 =	vld [tilespmem:s10+$0x1D50]  }
0xea: {  	v4 =	vld [tilespmem:$0x109D0];
	_ =	sdelay $0x4  }
0xeb: {  	v3 =	vadd.f32 v4, v3;
	_ =	sdelay $0x1  }
0xec: {  	[tilespmem:s10+$0x1D50] =	vst v3;
	v3 =	vld [tilespmem:s10+$0x1D60]  }
0xed: {  	v4 =	vld [tilespmem:$0x109E0];
	_ =	sdelay $0x4  }
0xee: {  	v3 =	vadd.f32 v4, v3;
	_ =	sdelay $0x1  }
0xef: {  	[tilespmem:s10+$0x1D60] =	vst v3;
	v3 =	vld [tilespmem:s10+$0x1D70]  }
0xf0: {  	v4 =	vld [tilespmem:$0x109F0];
	_ =	sdelay $0x4  }
0xf1: {  	v3 =	vadd.f32 v4, v3;
	_ =	sdelay $0x1  }
0xf2: {  	[tilespmem:s10+$0x1D70] =	vst v3;
	v3 =	vld [tilespmem:s10+$0x2100]  }
0xf3: {  	v4 =	vld [tilespmem:$0x10A00];
	_ =	sdelay $0x4  }
0xf4: {  	v3 =	vadd.f32 v4, v3;
	_ =	sdelay $0x1  }
0xf5: {  	[tilespmem:s10+$0x2100] =	vst v3;
	v3 =	vld [tilespmem:s10+$0x2110]  }
0xf6: {  	v4 =	vld [tilespmem:$0x10A10];
	_ =	sdelay $0x4  }
0xf7: {  	v3 =	vadd.f32 v4, v3;
	_ =	sdelay $0x1  }
0xf8: {  	[tilespmem:s10+$0x2110] =	vst v3;
	v3 =	vld [tilespmem:s10+$0x2120]  }
0xf9: {  	v4 =	vld [tilespmem:$0x10A20];
	_ =	sdelay $0x4  }
0xfa: {  	v3 =	vadd.f32 v4, v3;
	_ =	sdelay $0x1  }
0xfb: {  	[tilespmem:s10+$0x2120] =	vst v3;
	v3 =	vld [tilespmem:s10+$0x2130]  }
0xfc: {  	v4 =	vld [tilespmem:$0x10A30];
	_ =	sdelay $0x4  }
0xfd: {  	v3 =	vadd.f32 v4, v3;
	_ =	sdelay $0x1  }
0xfe: {  	[tilespmem:s10+$0x2130] =	vst v3;
	v3 =	vld [tilespmem:s10+$0x2140]  }
0xff: {  	v4 =	vld [tilespmem:$0x10A40];
	_ =	sdelay $0x4  }
0x100: {  	v3 =	vadd.f32 v4, v3;
	_ =	sdelay $0x1  }
0x101: {  	[tilespmem:s10+$0x2140] =	vst v3;
	v3 =	vld [tilespmem:s10+$0x2150]  }
0x102: {  	v4 =	vld [tilespmem:$0x10A50];
	_ =	sdelay $0x4  }
0x103: {  	v3 =	vadd.f32 v4, v3;
	_ =	sdelay $0x1  }
0x104: {  	[tilespmem:s10+$0x2150] =	vst v3;
	v3 =	vld [tilespmem:s10+$0x2160]  }
0x105: {  	v4 =	vld [tilespmem:$0x10A60];
	_ =	sdelay $0x4  }
0x106: {  	v3 =	vadd.f32 v4, v3;
	_ =	sdelay $0x1  }
0x107: {  	[tilespmem:s10+$0x2160] =	vst v3;
	v3 =	vld [tilespmem:s10+$0x2170]  }
0x108: {  	v4 =	vld [tilespmem:$0x10A70];
	_ =	sdelay $0x4  }
0x109: {  	v3 =	vadd.f32 v4, v3;
	_ =	sdelay $0x1  }
0x10a: {  	[tilespmem:s10+$0x2170] =	vst v3;
	v3 =	vld [tilespmem:s10+$0x2500]  }
0x10b: {  	v4 =	vld [tilespmem:$0x10A80];
	_ =	sdelay $0x4  }
0x10c: {  	v3 =	vadd.f32 v4, v3;
	_ =	sdelay $0x1  }
0x10d: {  	[tilespmem:s10+$0x2500] =	vst v3;
	v3 =	vld [tilespmem:s10+$0x2510]  }
0x10e: {  	v4 =	vld [tilespmem:$0x10A90];
	_ =	sdelay $0x4  }
0x10f: {  	v3 =	vadd.f32 v4, v3;
	_ =	sdelay $0x1  }
0x110: {  	[tilespmem:s10+$0x2510] =	vst v3;
	v3 =	vld [tilespmem:s10+$0x2520]  }
0x111: {  	v4 =	vld [tilespmem:$0x10AA0];
	_ =	sdelay $0x4  }
0x112: {  	v3 =	vadd.f32 v4, v3;
	_ =	sdelay $0x1  }
0x113: {  	[tilespmem:s10+$0x2520] =	vst v3;
	v3 =	vld [tilespmem:s10+$0x2530]  }
0x114: {  	v4 =	vld [tilespmem:$0x10AB0];
	_ =	sdelay $0x4  }
0x115: {  	v3 =	vadd.f32 v4, v3;
	_ =	sdelay $0x1  }
0x116: {  	[tilespmem:s10+$0x2530] =	vst v3;
	v3 =	vld [tilespmem:s10+$0x2540]  }
0x117: {  	v4 =	vld [tilespmem:$0x10AC0];
	_ =	sdelay $0x4  }
0x118: {  	v3 =	vadd.f32 v4, v3;
	_ =	sdelay $0x1  }
0x119: {  	[tilespmem:s10+$0x2540] =	vst v3;
	v3 =	vld [tilespmem:s10+$0x2550]  }
0x11a: {  	v4 =	vld [tilespmem:$0x10AD0];
	_ =	sdelay $0x4  }
0x11b: {  	v3 =	vadd.f32 v4, v3;
	_ =	sdelay $0x1  }
0x11c: {  	[tilespmem:s10+$0x2550] =	vst v3;
	v3 =	vld [tilespmem:s10+$0x2560]  }
0x11d: {  	v4 =	vld [tilespmem:$0x10AE0];
	_ =	sdelay $0x4  }
0x11e: {  	v3 =	vadd.f32 v4, v3;
	_ =	sdelay $0x1  }
0x11f: {  	[tilespmem:s10+$0x2560] =	vst v3;
	v3 =	vld [tilespmem:s10+$0x2570]  }
0x120: {  	v4 =	vld [tilespmem:$0x10AF0];
	_ =	sdelay $0x4  }
0x121: {  	v3 =	vadd.f32 v4, v3;
	_ =	sdelay $0x1  }
0x122: {  	[tilespmem:s10+$0x2570] =	vst v3;
	v3 =	vld [tilespmem:s10+$0x2900]  }
0x123: {  	v4 =	vld [tilespmem:$0x10B00];
	_ =	sdelay $0x4  }
0x124: {  	v3 =	vadd.f32 v4, v3;
	_ =	sdelay $0x1  }
0x125: {  	[tilespmem:s10+$0x2900] =	vst v3;
	v3 =	vld [tilespmem:s10+$0x2910]  }
0x126: {  	v4 =	vld [tilespmem:$0x10B10];
	_ =	sdelay $0x4  }
0x127: {  	v3 =	vadd.f32 v4, v3;
	_ =	sdelay $0x1  }
0x128: {  	[tilespmem:s10+$0x2910] =	vst v3;
	v3 =	vld [tilespmem:s10+$0x2920]  }
0x129: {  	v4 =	vld [tilespmem:$0x10B20];
	_ =	sdelay $0x4  }
0x12a: {  	v3 =	vadd.f32 v4, v3;
	_ =	sdelay $0x1  }
0x12b: {  	[tilespmem:s10+$0x2920] =	vst v3;
	v3 =	vld [tilespmem:s10+$0x2930]  }
0x12c: {  	v4 =	vld [tilespmem:$0x10B30];
	_ =	sdelay $0x4  }
0x12d: {  	v3 =	vadd.f32 v4, v3;
	_ =	sdelay $0x1  }
0x12e: {  	[tilespmem:s10+$0x2930] =	vst v3;
	v3 =	vld [tilespmem:s10+$0x2940]  }
0x12f: {  	v4 =	vld [tilespmem:$0x10B40];
	_ =	sdelay $0x4  }
0x130: {  	v3 =	vadd.f32 v4, v3;
	_ =	sdelay $0x1  }
0x131: {  	[tilespmem:s10+$0x2940] =	vst v3;
	v3 =	vld [tilespmem:s10+$0x2950]  }
0x132: {  	v4 =	vld [tilespmem:$0x10B50];
	_ =	sdelay $0x4  }
0x133: {  	v3 =	vadd.f32 v4, v3;
	_ =	sdelay $0x1  }
0x134: {  	[tilespmem:s10+$0x2950] =	vst v3;
	v3 =	vld [tilespmem:s10+$0x2960]  }
0x135: {  	v4 =	vld [tilespmem:$0x10B60];
	_ =	sdelay $0x4  }
0x136: {  	v3 =	vadd.f32 v4, v3;
	_ =	sdelay $0x1  }
0x137: {  	[tilespmem:s10+$0x2960] =	vst v3;
	v3 =	vld [tilespmem:s10+$0x2970]  }
0x138: {  	v4 =	vld [tilespmem:$0x10B70];
	_ =	sdelay $0x4  }
0x139: {  	v3 =	vadd.f32 v4, v3;
	_ =	sdelay $0x1  }
0x13a: {  	[tilespmem:s10+$0x2970] =	vst v3;
	v3 =	vld [tilespmem:s10+$0x2D00]  }
0x13b: {  	v4 =	vld [tilespmem:$0x10B80];
	_ =	sdelay $0x4  }
0x13c: {  	v3 =	vadd.f32 v4, v3;
	_ =	sdelay $0x1  }
0x13d: {  	[tilespmem:s10+$0x2D00] =	vst v3;
	v3 =	vld [tilespmem:s10+$0x2D10]  }
0x13e: {  	v4 =	vld [tilespmem:$0x10B90];
	_ =	sdelay $0x4  }
0x13f: {  	v3 =	vadd.f32 v4, v3;
	_ =	sdelay $0x1  }
0x140: {  	[tilespmem:s10+$0x2D10] =	vst v3;
	v3 =	vld [tilespmem:s10+$0x2D20]  }
0x141: {  	v4 =	vld [tilespmem:$0x10BA0];
	_ =	sdelay $0x4  }
0x142: {  	v3 =	vadd.f32 v4, v3;
	_ =	sdelay $0x1  }
0x143: {  	[tilespmem:s10+$0x2D20] =	vst v3;
	v3 =	vld [tilespmem:s10+$0x2D30]  }
0x144: {  	v4 =	vld [tilespmem:$0x10BB0];
	_ =	sdelay $0x4  }
0x145: {  	v3 =	vadd.f32 v4, v3;
	_ =	sdelay $0x1  }
0x146: {  	[tilespmem:s10+$0x2D30] =	vst v3;
	v3 =	vld [tilespmem:s10+$0x2D40]  }
0x147: {  	v4 =	vld [tilespmem:$0x10BC0];
	_ =	sdelay $0x4  }
0x148: {  	v3 =	vadd.f32 v4, v3;
	_ =	sdelay $0x1  }
0x149: {  	[tilespmem:s10+$0x2D40] =	vst v3;
	v3 =	vld [tilespmem:s10+$0x2D50]  }
0x14a: {  	v4 =	vld [tilespmem:$0x10BD0];
	_ =	sdelay $0x4  }
0x14b: {  	v3 =	vadd.f32 v4, v3;
	_ =	sdelay $0x1  }
0x14c: {  	[tilespmem:s10+$0x2D50] =	vst v3;
	v3 =	vld [tilespmem:s10+$0x2D60]  }
0x14d: {  	v4 =	vld [tilespmem:$0x10BE0];
	_ =	sdelay $0x4  }
0x14e: {  	v3 =	vadd.f32 v4, v3;
	_ =	sdelay $0x1  }
.Ltmp0:
0x14f: {  	[tilespmem:s10+$0x2D60] =	vst v3;
	v3 =	vld [tilespmem:s10+$0x2D70];
	(pc) =	sbr.rel @p0 .LBB2_3-.Ltmp0, $3  }
0x150: {  	v4 =	vld [tilespmem:$0x10BF0];
	_ =	sdelay $0x1  }
0x151: {  	s13 =	sshrl.u32 s6, $0x3  }
0x152: {  	s6 =	sadd.s32 $0x1, s6;
	s13 =	smul.u32 $0x6000, s13  }
0x153: {  	s2 =	sadd.s32 $0x80, s2  }
0x154: {  	s2 =	sand.u32 $0x380, s2;
	s6 =	sshra.s32 s13, $0x2;
	v3 =	vadd.f32 v4, v3  }
0x155: {  	s2 =	sor.u32 s2, s6  }
0x156: {  	v16 =	vld [tilespmem:s2+$0x1900];
	[tilespmem:s10+$0x2D70] =	vst v3  }
0x157: {  	v3 =	vld [tilespmem:$0x10900];
	_ =	sdelay $0x4  }
0x158: {  	v3 =	vadd.f32 v3, v16;
	_ =	sdelay $0x1  }
0x159: {  	[tilespmem:s2+$0x1900] =	vst v3;
	v3 =	vld [tilespmem:s2+$0x1910]  }
0x15a: {  	v17 =	vld [tilespmem:$0x10910];
	_ =	sdelay $0x4  }
0x15b: {  	v3 =	vadd.f32 v17, v3;
	_ =	sdelay $0x1  }
0x15c: {  	[tilespmem:s2+$0x1910] =	vst v3;
	v3 =	vld [tilespmem:s2+$0x1920]  }
0x15d: {  	v18 =	vld [tilespmem:$0x10920];
	_ =	sdelay $0x4  }
0x15e: {  	v3 =	vadd.f32 v18, v3;
	_ =	sdelay $0x1  }
0x15f: {  	[tilespmem:s2+$0x1920] =	vst v3;
	v3 =	vld [tilespmem:s2+$0x1930]  }
0x160: {  	v19 =	vld [tilespmem:$0x10930];
	_ =	sdelay $0x4  }
0x161: {  	v3 =	vadd.f32 v19, v3;
	_ =	sdelay $0x1  }
0x162: {  	[tilespmem:s2+$0x1930] =	vst v3;
	v3 =	vld [tilespmem:s2+$0x1940]  }
0x163: {  	v20 =	vld [tilespmem:$0x10940];
	_ =	sdelay $0x4  }
0x164: {  	v3 =	vadd.f32 v20, v3;
	_ =	sdelay $0x1  }
0x165: {  	[tilespmem:s2+$0x1940] =	vst v3;
	v3 =	vld [tilespmem:s2+$0x1950]  }
0x166: {  	v21 =	vld [tilespmem:$0x10950];
	_ =	sdelay $0x4  }
0x167: {  	v3 =	vadd.f32 v21, v3;
	_ =	sdelay $0x1  }
0x168: {  	[tilespmem:s2+$0x1950] =	vst v3;
	v3 =	vld [tilespmem:s2+$0x1960]  }
0x169: {  	v22 =	vld [tilespmem:$0x10960];
	_ =	sdelay $0x4  }
0x16a: {  	v3 =	vadd.f32 v22, v3;
	_ =	sdelay $0x1  }
0x16b: {  	[tilespmem:s2+$0x1960] =	vst v3;
	v3 =	vld [tilespmem:s2+$0x1970]  }
0x16c: {  	v23 =	vld [tilespmem:$0x10970];
	_ =	sdelay $0x4  }
0x16d: {  	v3 =	vadd.f32 v23, v3;
	_ =	sdelay $0x1  }
0x16e: {  	[tilespmem:s2+$0x1970] =	vst v3;
	v3 =	vld [tilespmem:s2+$0x1D00]  }
0x16f: {  	v24 =	vld [tilespmem:$0x10980];
	_ =	sdelay $0x4  }
0x170: {  	v3 =	vadd.f32 v24, v3;
	_ =	sdelay $0x1  }
0x171: {  	[tilespmem:s2+$0x1D00] =	vst v3;
	v3 =	vld [tilespmem:s2+$0x1D10]  }
0x172: {  	v25 =	vld [tilespmem:$0x10990];
	_ =	sdelay $0x4  }
0x173: {  	v3 =	vadd.f32 v25, v3;
	_ =	sdelay $0x1  }
0x174: {  	[tilespmem:s2+$0x1D10] =	vst v3;
	v3 =	vld [tilespmem:s2+$0x1D20]  }
0x175: {  	v26 =	vld [tilespmem:$0x109A0];
	_ =	sdelay $0x4  }
0x176: {  	v3 =	vadd.f32 v26, v3;
	_ =	sdelay $0x1  }
0x177: {  	[tilespmem:s2+$0x1D20] =	vst v3;
	v3 =	vld [tilespmem:s2+$0x1D30]  }
0x178: {  	v27 =	vld [tilespmem:$0x109B0];
	_ =	sdelay $0x4  }
0x179: {  	v3 =	vadd.f32 v27, v3;
	_ =	sdelay $0x1  }
0x17a: {  	[tilespmem:s2+$0x1D30] =	vst v3;
	v3 =	vld [tilespmem:s2+$0x1D40]  }
0x17b: {  	v28 =	vld [tilespmem:$0x109C0];
	_ =	sdelay $0x4  }
0x17c: {  	v3 =	vadd.f32 v28, v3;
	_ =	sdelay $0x1  }
0x17d: {  	[tilespmem:s2+$0x1D40] =	vst v3;
	v3 =	vld [tilespmem:s2+$0x1D50]  }
0x17e: {  	v29 =	vld [tilespmem:$0x109D0];
	_ =	sdelay $0x4  }
0x17f: {  	v3 =	vadd.f32 v29, v3;
	_ =	sdelay $0x1  }
0x180: {  	[tilespmem:s2+$0x1D50] =	vst v3;
	v3 =	vld [tilespmem:s2+$0x1D60]  }
0x181: {  	v30 =	vld [tilespmem:$0x109E0];
	_ =	sdelay $0x4  }
0x182: {  	v3 =	vadd.f32 v30, v3;
	_ =	sdelay $0x1  }
0x183: {  	[tilespmem:s2+$0x1D60] =	vst v3;
	v3 =	vld [tilespmem:s2+$0x1D70]  }
0x184: {  	v31 =	vld [tilespmem:$0x109F0];
	_ =	sdelay $0x4  }
0x185: {  	v3 =	vadd.f32 v31, v3;
	_ =	sdelay $0x1  }
0x186: {  	[tilespmem:s2+$0x1D70] =	vst v3;
	v3 =	vld [tilespmem:s2+$0x2100]  }
0x187: {  	v32 =	vld [tilespmem:$0x10A00];
	_ =	sdelay $0x4  }
0x188: {  	v3 =	vadd.f32 v32, v3;
	_ =	sdelay $0x1  }
0x189: {  	[tilespmem:s2+$0x2100] =	vst v3;
	v3 =	vld [tilespmem:s2+$0x2110]  }
0x18a: {  	v33 =	vld [tilespmem:$0x10A10];
	_ =	sdelay $0x4  }
0x18b: {  	v3 =	vadd.f32 v33, v3;
	_ =	sdelay $0x1  }
0x18c: {  	[tilespmem:s2+$0x2110] =	vst v3;
	v3 =	vld [tilespmem:s2+$0x2120]  }
0x18d: {  	v34 =	vld [tilespmem:$0x10A20];
	_ =	sdelay $0x4  }
0x18e: {  	v3 =	vadd.f32 v34, v3;
	_ =	sdelay $0x1  }
0x18f: {  	[tilespmem:s2+$0x2120] =	vst v3;
	v3 =	vld [tilespmem:s2+$0x2130]  }
0x190: {  	v35 =	vld [tilespmem:$0x10A30];
	_ =	sdelay $0x4  }
0x191: {  	v3 =	vadd.f32 v35, v3;
	_ =	sdelay $0x1  }
0x192: {  	[tilespmem:s2+$0x2130] =	vst v3;
	v3 =	vld [tilespmem:s2+$0x2140]  }
0x193: {  	v36 =	vld [tilespmem:$0x10A40];
	_ =	sdelay $0x4  }
0x194: {  	v3 =	vadd.f32 v36, v3;
	_ =	sdelay $0x1  }
0x195: {  	[tilespmem:s2+$0x2140] =	vst v3;
	v3 =	vld [tilespmem:s2+$0x2150]  }
0x196: {  	v37 =	vld [tilespmem:$0x10A50];
	_ =	sdelay $0x4  }
0x197: {  	v3 =	vadd.f32 v37, v3;
	_ =	sdelay $0x1  }
0x198: {  	[tilespmem:s2+$0x2150] =	vst v3;
	v3 =	vld [tilespmem:s2+$0x2160]  }
0x199: {  	v38 =	vld [tilespmem:$0x10A60];
	_ =	sdelay $0x4  }
0x19a: {  	v3 =	vadd.f32 v38, v3;
	_ =	sdelay $0x1  }
0x19b: {  	[tilespmem:s2+$0x2160] =	vst v3;
	v3 =	vld [tilespmem:s2+$0x2170]  }
0x19c: {  	v39 =	vld [tilespmem:$0x10A70];
	_ =	sdelay $0x4  }
0x19d: {  	v3 =	vadd.f32 v39, v3;
	_ =	sdelay $0x1  }
0x19e: {  	[tilespmem:s2+$0x2170] =	vst v3;
	v3 =	vld [tilespmem:s2+$0x2500]  }
0x19f: {  	v40 =	vld [tilespmem:$0x10A80];
	_ =	sdelay $0x4  }
0x1a0: {  	v3 =	vadd.f32 v40, v3;
	_ =	sdelay $0x1  }
0x1a1: {  	[tilespmem:s2+$0x2500] =	vst v3;
	v3 =	vld [tilespmem:s2+$0x2510]  }
0x1a2: {  	v41 =	vld [tilespmem:$0x10A90];
	_ =	sdelay $0x4  }
0x1a3: {  	v3 =	vadd.f32 v41, v3;
	_ =	sdelay $0x1  }
0x1a4: {  	[tilespmem:s2+$0x2510] =	vst v3;
	v3 =	vld [tilespmem:s2+$0x2520]  }
0x1a5: {  	v42 =	vld [tilespmem:$0x10AA0];
	_ =	sdelay $0x4  }
0x1a6: {  	v3 =	vadd.f32 v42, v3;
	_ =	sdelay $0x1  }
0x1a7: {  	[tilespmem:s2+$0x2520] =	vst v3;
	v3 =	vld [tilespmem:s2+$0x2530]  }
0x1a8: {  	v43 =	vld [tilespmem:$0x10AB0];
	_ =	sdelay $0x4  }
0x1a9: {  	v3 =	vadd.f32 v43, v3;
	_ =	sdelay $0x1  }
0x1aa: {  	[tilespmem:s2+$0x2530] =	vst v3;
	v3 =	vld [tilespmem:s2+$0x2540]  }
0x1ab: {  	v44 =	vld [tilespmem:$0x10AC0];
	_ =	sdelay $0x4  }
0x1ac: {  	v3 =	vadd.f32 v44, v3;
	_ =	sdelay $0x1  }
0x1ad: {  	[tilespmem:s2+$0x2540] =	vst v3;
	v3 =	vld [tilespmem:s2+$0x2550]  }
0x1ae: {  	v45 =	vld [tilespmem:$0x10AD0];
	_ =	sdelay $0x4  }
0x1af: {  	v3 =	vadd.f32 v45, v3;
	_ =	sdelay $0x1  }
0x1b0: {  	[tilespmem:s2+$0x2550] =	vst v3;
	v3 =	vld [tilespmem:s2+$0x2560]  }
0x1b1: {  	v46 =	vld [tilespmem:$0x10AE0];
	_ =	sdelay $0x4  }
0x1b2: {  	v3 =	vadd.f32 v46, v3;
	_ =	sdelay $0x1  }
0x1b3: {  	[tilespmem:s2+$0x2560] =	vst v3;
	v3 =	vld [tilespmem:s2+$0x2570]  }
0x1b4: {  	v47 =	vld [tilespmem:$0x10AF0];
	_ =	sdelay $0x4  }
0x1b5: {  	v3 =	vadd.f32 v47, v3;
	_ =	sdelay $0x1  }
0x1b6: {  	[tilespmem:s2+$0x2570] =	vst v3;
	v3 =	vld [tilespmem:s2+$0x2900]  }
0x1b7: {  	v48 =	vld [tilespmem:$0x10B00];
	_ =	sdelay $0x4  }
0x1b8: {  	v3 =	vadd.f32 v48, v3;
	_ =	sdelay $0x1  }
0x1b9: {  	[tilespmem:s2+$0x2900] =	vst v3;
	v3 =	vld [tilespmem:s2+$0x2910]  }
0x1ba: {  	v49 =	vld [tilespmem:$0x10B10];
	_ =	sdelay $0x4  }
0x1bb: {  	v3 =	vadd.f32 v49, v3;
	_ =	sdelay $0x1  }
0x1bc: {  	[tilespmem:s2+$0x2910] =	vst v3;
	v3 =	vld [tilespmem:s2+$0x2920]  }
0x1bd: {  	v50 =	vld [tilespmem:$0x10B20];
	_ =	sdelay $0x4  }
0x1be: {  	v3 =	vadd.f32 v50, v3;
	_ =	sdelay $0x1  }
0x1bf: {  	[tilespmem:s2+$0x2920] =	vst v3;
	v3 =	vld [tilespmem:s2+$0x2930]  }
0x1c0: {  	v51 =	vld [tilespmem:$0x10B30];
	_ =	sdelay $0x4  }
0x1c1: {  	v3 =	vadd.f32 v51, v3;
	_ =	sdelay $0x1  }
0x1c2: {  	[tilespmem:s2+$0x2930] =	vst v3;
	v3 =	vld [tilespmem:s2+$0x2940]  }
0x1c3: {  	v52 =	vld [tilespmem:$0x10B40];
	_ =	sdelay $0x4  }
0x1c4: {  	v3 =	vadd.f32 v52, v3;
	_ =	sdelay $0x1  }
0x1c5: {  	[tilespmem:s2+$0x2940] =	vst v3;
	v3 =	vld [tilespmem:s2+$0x2950]  }
0x1c6: {  	v53 =	vld [tilespmem:$0x10B50];
	_ =	sdelay $0x4  }
0x1c7: {  	v3 =	vadd.f32 v53, v3;
	_ =	sdelay $0x1  }
0x1c8: {  	[tilespmem:s2+$0x2950] =	vst v3;
	v3 =	vld [tilespmem:s2+$0x2960]  }
0x1c9: {  	v54 =	vld [tilespmem:$0x10B60];
	_ =	sdelay $0x4  }
0x1ca: {  	v3 =	vadd.f32 v54, v3;
	_ =	sdelay $0x1  }
0x1cb: {  	[tilespmem:s2+$0x2960] =	vst v3;
	v3 =	vld [tilespmem:s2+$0x2970]  }
0x1cc: {  	v55 =	vld [tilespmem:$0x10B70];
	_ =	sdelay $0x4  }
0x1cd: {  	v3 =	vadd.f32 v55, v3;
	_ =	sdelay $0x1  }
0x1ce: {  	[tilespmem:s2+$0x2970] =	vst v3;
	v3 =	vld [tilespmem:s2+$0x2D00]  }
0x1cf: {  	v56 =	vld [tilespmem:$0x10B80];
	_ =	sdelay $0x4  }
0x1d0: {  	v3 =	vadd.f32 v56, v3;
	_ =	sdelay $0x1  }
0x1d1: {  	[tilespmem:s2+$0x2D00] =	vst v3;
	v3 =	vld [tilespmem:s2+$0x2D10]  }
0x1d2: {  	v57 =	vld [tilespmem:$0x10B90];
	_ =	sdelay $0x4  }
0x1d3: {  	v3 =	vadd.f32 v57, v3;
	_ =	sdelay $0x1  }
0x1d4: {  	[tilespmem:s2+$0x2D10] =	vst v3;
	v3 =	vld [tilespmem:s2+$0x2D20]  }
0x1d5: {  	v58 =	vld [tilespmem:$0x10BA0];
	_ =	sdelay $0x4  }
0x1d6: {  	v3 =	vadd.f32 v58, v3;
	_ =	sdelay $0x1  }
0x1d7: {  	[tilespmem:s2+$0x2D20] =	vst v3;
	v3 =	vld [tilespmem:s2+$0x2D30]  }
0x1d8: {  	v59 =	vld [tilespmem:$0x10BB0];
	_ =	sdelay $0x4  }
0x1d9: {  	v3 =	vadd.f32 v59, v3;
	_ =	sdelay $0x1  }
0x1da: {  	[tilespmem:s2+$0x2D30] =	vst v3;
	v3 =	vld [tilespmem:s2+$0x2D40]  }
0x1db: {  	v60 =	vld [tilespmem:$0x10BC0];
	_ =	sdelay $0x4  }
0x1dc: {  	v3 =	vadd.f32 v60, v3;
	_ =	sdelay $0x1  }
0x1dd: {  	[tilespmem:s2+$0x2D40] =	vst v3;
	v3 =	vld [tilespmem:s2+$0x2D50]  }
0x1de: {  	v61 =	vld [tilespmem:$0x10BD0];
	_ =	sdelay $0x4  }
0x1df: {  	v3 =	vadd.f32 v61, v3;
	_ =	sdelay $0x1  }
0x1e0: {  	[tilespmem:s2+$0x2D50] =	vst v3;
	v3 =	vld [tilespmem:s2+$0x2D60]  }
0x1e1: {  	v62 =	vld [tilespmem:$0x10BE0];
	_ =	sdelay $0x4  }
0x1e2: {  	v3 =	vadd.f32 v62, v3;
	_ =	sdelay $0x1  }
0x1e3: {  	[tilespmem:s2+$0x2D60] =	vst v3;
	v3 =	vld [tilespmem:s2+$0x2D70]  }
0x1e4: {  	v63 =	vld [tilespmem:$0x10BF0];
	_ =	sdelay $0x4  }
0x1e5: {  	v3 =	vadd.f32 v63, v3;
	_ =	sdelay $0x1  }
0x1e6: {  	[tilespmem:s2+$0x2D70] =	vst v3  }
.LBB2_5:
0x1e7: {  	s2 =	smul.u32 $0xC8, s17;
	_ =	sdelay $0x1  }
0x1e8: {  	s10 =	sadd.s32 s16, s2  }
0x1e9: {  	v3 =	vld [tilespmem:s10+$0x0];
	_ =	sdelay $0x4  }
0x1ea: {  	v4 =	vshrl.u32 v3, $0x3  }
0x1eb: {  	v4 =	vmul.u32 $0x30, v4  }
0x1ec: {  	v3 =	vand.u32 $0x7, v3  }
0x1ed: {  	v3 =	vor.u32 v3, v4  }
0x1ee: {  	v4 =	vperm.xlane v3, v0;
	_ =	sdelay $0x1  }
0x1ef: {  	v4 =	vadd.s32 v1, v4;
	_ =	sdelay $0x3  }
0x1f0: {  	s13 =	simm.s32 $0x0;
	v3 =	vperm.xlane v3, v2  }
0x1f1: {  	[tilespmem:s19], [sflag:$0x1] =	stream.indirect_vreg.gather [hbm4b:s0+s13], $0x80, v4, vm0, $0xb8;
	[tilespmem:$0x11200] =	vst v63  }
0x1f2: {  	v3 =	vadd.s32 v1, v3  }
0x1f3: {  	[tilespmem:s20], [sflag:$0x1] =	stream.indirect_vreg.gather [hbm4b:s11+s13], $0x80, v4, vm0, $0xb8;
	[tilespmem:$0x11200] =	vst v63  }
0x1f4: {  	_ = 	snop  }
0x1f5: {  	[tilespmem:s21], [sflag:$0x1] =	stream.indirect_vreg.gather [hbm4b:s12+s13], $0x80, v4, vm0, $0xb8;
	[tilespmem:$0x11200] =	vst v63  }
0x1f6: {  	_ = 	snop  }
0x1f7: {  	[tilespmem:s22], [sflag:$0x1] =	stream.indirect_vreg.gather [hbm4b:s0+s13], $0x80, v3, vm0, $0xb8;
	[tilespmem:$0x11200] =	vst v63  }
0x1f8: {  	_ = 	snop  }
0x1f9: {  	[tilespmem:s23], [sflag:$0x1] =	stream.indirect_vreg.gather [hbm4b:s11+s13], $0x80, v3, vm0, $0xb8;
	[tilespmem:$0x11200] =	vst v63  }
0x1fa: {  	_ = 	snop  }
0x1fb: {  	[tilespmem:s24], [sflag:$0x1] =	stream.indirect_vreg.gather [hbm4b:s12+s13], $0x80, v3, vm0, $0xb8;
	[tilespmem:$0x11200] =	vst v63  }
0x1fc: {  	v3 =	vld [tilespmem:s10+$0x10];
	_ =	sdelay $0x4  }
0x1fd: {  	v62 =	vshrl.u32 v3, $0x3  }
0x1fe: {  	v4 =	vmul.u32 $0x30, v62  }
0x1ff: {  	v3 =	vand.u32 $0x7, v3  }
0x200: {  	v3 =	vor.u32 v3, v4  }
0x201: {  	v4 =	vperm.xlane v3, v0;
	_ =	sdelay $0x1  }
0x202: {  	v4 =	vadd.s32 v1, v4;
	_ =	sdelay $0x3  }
0x203: {  	v3 =	vperm.xlane v3, v2  }
0x204: {  	[tilespmem:s25], [sflag:$0x1] =	stream.indirect_vreg.gather [hbm4b:s0+s13], $0x80, v4, vm0, $0xb8;
	[tilespmem:$0x11200] =	vst v63  }
0x205: {  	v3 =	vadd.s32 v1, v3  }
0x206: {  	[tilespmem:s26], [sflag:$0x1] =	stream.indirect_vreg.gather [hbm4b:s11+s13], $0x80, v4, vm0, $0xb8;
	[tilespmem:$0x11200] =	vst v63  }
0x207: {  	_ = 	snop  }
0x208: {  	[tilespmem:s28], [sflag:$0x1] =	stream.indirect_vreg.gather [hbm4b:s12+s13], $0x80, v4, vm0, $0xb8;
	[tilespmem:$0x11200] =	vst v63  }
0x209: {  	_ = 	snop  }
0x20a: {  	[tilespmem:s29], [sflag:$0x1] =	stream.indirect_vreg.gather [hbm4b:s0+s13], $0x80, v3, vm0, $0xb8;
	[tilespmem:$0x11200] =	vst v63  }
0x20b: {  	_ = 	snop  }
0x20c: {  	[tilespmem:s30], [sflag:$0x1] =	stream.indirect_vreg.gather [hbm4b:s11+s13], $0x80, v3, vm0, $0xb8;
	[tilespmem:$0x11200] =	vst v63  }
0x20d: {  	_ = 	snop  }
0x20e: {  	[tilespmem:s31], [sflag:$0x1] =	stream.indirect_vreg.gather [hbm4b:s12+s13], $0x80, v3, vm0, $0xb8;
	[tilespmem:$0x11200] =	vst v63  }
0x20f: {  	v3 =	vld.msk [tilespmem:s10+$0x20], $0xff;
	_ =	sdelay $0x4  }
0x210: {  	v63 =	vshrl.u32 v3, $0x3  }
0x211: {  	v4 =	vmul.u32 $0x30, v63  }
0x212: {  	v3 =	vand.u32 $0x7, v3  }
0x213: {  	v3 =	vor.u32 v3, v4  }
0x214: {  	v3 =	vperm.xlane v3, v0;
	_ =	sdelay $0x1  }
0x215: {  	v3 =	vadd.s32 v1, v3;
	_ =	sdelay $0x4  }
0x216: {  	[tilespmem:s5], [sflag:$0x1] =	stream.indirect_vreg.gather [hbm4b:s0+s13], $0x80, v3, vm0, $0xb8;
	[tilespmem:$0x11200] =	vst v63  }
0x217: {  	_ = 	snop  }
0x218: {  	[tilespmem:s1], [sflag:$0x1] =	stream.indirect_vreg.gather [hbm4b:s11+s13], $0x80, v3, vm0, $0xb8;
	[tilespmem:$0x11200] =	vst v63  }
0x219: {  	_ = 	snop  }
0x21a: {  	[tilespmem:s3], [sflag:$0x1] =	stream.indirect_vreg.gather [hbm4b:s12+s13], $0x80, v3, vm0, $0xb8;
	[tilespmem:$0x11200] =	vst v63  }
0x21b: {  	_ =	swait.ge [sflag:s4], $0x7800  }
0x21c: {  	[sflag:s4] =	ssyncset.done $0x0  }
0x21d: {  	s6 =	simm.s32 $0x0;
	[sflag:s4] =	ssyncadd.s32 $0xFFFF8800  }
.LBB2_6:
0x21e: {  	s2 =	sshrl.u32 s6, $0x3  }
0x21f: {  	s2 =	smul.u32 $0x1800, s2  }
0x220: {  	s18 =	sand.u32 $0x380, s13  }
0x221: {  	s2 =	sor.u32 s18, s2  }
0x222: {  	v3 =	vld [tilespmem:s2+$0x9100]  }
0x223: {  	v4 =	vld [tilespmem:s2+$0x1900]  }
0x224: {  	v5 =	vld [tilespmem:s2+$0x9110]  }
0x225: {  	v6 =	vld [tilespmem:s2+$0x1910]  }
0x226: {  	v7 =	vld [tilespmem:s2+$0x9120]  }
0x227: {  	v8 =	vld [tilespmem:s2+$0x1920]  }
0x228: {  	v9 =	vld [tilespmem:s2+$0x9130]  }
0x229: {  	v10 =	vld [tilespmem:s2+$0x1930];
	v4 =	vadd.f32 v4, v3  }
0x22a: {  	v11 =	vld [tilespmem:s2+$0x9140];
	v3 =	vadd.f32 v6, v5  }
0x22b: {  	v12 =	vld [tilespmem:s2+$0x1940];
	v48 =	vadd.f32 $0.0e+00, v4  }
0x22c: {  	v49 =	vld [tilespmem:s2+$0x9150];
	v5 =	vadd.f32 v8, v7;
	v13 =	vmul.f32 v4, v4;
	v14 =	vmul.f32 v3, v3  }
0x22d: {  	v15 =	vld [tilespmem:s2+$0x1950];
	v50 =	vadd.f32 v3, v48  }
0x22e: {  	v52 =	vld [tilespmem:s2+$0x9160];
	v6 =	vadd.f32 v10, v9;
	v51 =	vmul.f32 v5, v5;
	v13 =	vadd.f32 v14, v13  }
0x22f: {  	v16 =	vld [tilespmem:s2+$0x1960];
	v53 =	vadd.f32 v5, v50  }
0x230: {  	v55 =	vld [tilespmem:s2+$0x9170];
	v7 =	vadd.f32 v12, v11;
	v54 =	vmul.f32 v6, v6;
	v13 =	vadd.f32 v51, v13  }
0x231: {  	v56 =	vld [tilespmem:s2+$0x1970];
	v10 =	vadd.f32 v6, v53  }
0x232: {  	v58 =	vld [tilespmem:s2+$0x9500];
	v8 =	vadd.f32 v15, v49;
	v57 =	vmul.f32 v7, v7;
	v13 =	vadd.f32 v54, v13  }
0x233: {  	v17 =	vld [tilespmem:s2+$0x1D00];
	v10 =	vadd.f32 v7, v10  }
0x234: {  	v60 =	vld [tilespmem:s2+$0x9510];
	v9 =	vadd.f32 v16, v52;
	v59 =	vmul.f32 v8, v8;
	v13 =	vadd.f32 v57, v13  }
0x235: {  	v19 =	vld [tilespmem:s2+$0x1D10];
	v18 =	vadd.f32 v8, v10  }
0x236: {  	v20 =	vld [tilespmem:s2+$0x9520];
	v61 =	vmul.f32 v9, v9;
	v13 =	vadd.f32 v59, v13;
	v10 =	vadd.f32 v56, v55  }
0x237: {  	v63 =	vld [tilespmem:s2+$0x1D20];
	v62 =	vadd.f32 v9, v18  }
0x238: {  	v25 =	vld [tilespmem:s2+$0x9530];
	v11 =	vadd.f32 v17, v58;
	v13 =	vadd.f32 v61, v13;
	v24 =	vmul.f32 v10, v10  }
0x239: {  	v21 =	vld [tilespmem:s2+$0x1D30];
	v26 =	vadd.f32 v10, v62  }
0x23a: {  	v28 =	vld [tilespmem:s2+$0x9540];
	v12 =	vadd.f32 v19, v60;
	v27 =	vmul.f32 v11, v11;
	v13 =	vadd.f32 v24, v13  }
0x23b: {  	v29 =	vld [tilespmem:s2+$0x1D40];
	v17 =	vadd.f32 v11, v26  }
0x23c: {  	v30 =	vld [tilespmem:s2+$0x9550];
	v22 =	vmul.f32 v12, v12;
	v14 =	vadd.f32 v27, v13;
	v13 =	vadd.f32 v63, v20  }
0x23d: {  	v31 =	vld [tilespmem:s2+$0x1D50];
	v17 =	vadd.f32 v12, v17  }
0x23e: {  	v32 =	vld [tilespmem:s2+$0x9560];
	v22 =	vadd.f32 v22, v14;
	v23 =	vmul.f32 v13, v13;
	v14 =	vadd.f32 v21, v25  }
0x23f: {  	v24 =	vld [tilespmem:s2+$0x1D60];
	v17 =	vadd.f32 v13, v17  }
0x240: {  	v34 =	vld [tilespmem:s2+$0x9570];
	v15 =	vadd.f32 v29, v28;
	v22 =	vadd.f32 v23, v22;
	v33 =	vmul.f32 v14, v14  }
0x241: {  	v25 =	vld [tilespmem:s2+$0x1D70];
	v17 =	vadd.f32 v14, v17  }
0x242: {  	v36 =	vld [tilespmem:s2+$0x9900];
	v16 =	vadd.f32 v31, v30;
	v35 =	vmul.f32 v15, v15;
	v22 =	vadd.f32 v33, v22  }
0x243: {  	v26 =	vld [tilespmem:s2+$0x2100];
	v37 =	vadd.f32 v15, v17  }
0x244: {  	v39 =	vld [tilespmem:s2+$0x9910];
	v38 =	vmul.f32 v16, v16;
	v22 =	vadd.f32 v35, v22;
	v17 =	vadd.f32 v24, v32  }
0x245: {  	v27 =	vld [tilespmem:s2+$0x2110];
	v40 =	vadd.f32 v16, v37  }
0x246: {  	v42 =	vld [tilespmem:s2+$0x9920];
	v18 =	vadd.f32 v25, v34;
	v22 =	vadd.f32 v38, v22;
	v41 =	vmul.f32 v17, v17  }
0x247: {  	v28 =	vld [tilespmem:s2+$0x2120];
	v24 =	vadd.f32 v17, v40  }
0x248: {  	v44 =	vld [tilespmem:s2+$0x9930];
	v19 =	vadd.f32 v26, v36;
	v43 =	vmul.f32 v18, v18;
	v22 =	vadd.f32 v41, v22  }
0x249: {  	v29 =	vld [tilespmem:s2+$0x2130];
	v24 =	vadd.f32 v18, v24  }
0x24a: {  	v46 =	vld [tilespmem:s2+$0x9940];
	v20 =	vadd.f32 v27, v39;
	v45 =	vmul.f32 v19, v19;
	v22 =	vadd.f32 v43, v22  }
0x24b: {  	v30 =	vld [tilespmem:s2+$0x2140];
	v24 =	vadd.f32 v19, v24  }
0x24c: {  	v49 =	vld [tilespmem:s2+$0x2150];
	v21 =	vadd.f32 v28, v42;
	v47 =	vmul.f32 v20, v20;
	v22 =	vadd.f32 v45, v22  }
0x24d: {  	v48 =	vld [tilespmem:s2+$0x9950];
	v24 =	vadd.f32 v20, v24  }
0x24e: {  	v50 =	vld [tilespmem:s2+$0x9960];
	v31 =	vmul.f32 v21, v21;
	v23 =	vadd.f32 v47, v22;
	v22 =	vadd.f32 v29, v44  }
0x24f: {  	v51 =	vld [tilespmem:s2+$0x2160];
	v24 =	vadd.f32 v21, v24  }
0x250: {  	v52 =	vld [tilespmem:s2+$0x9970];
	v31 =	vadd.f32 v31, v23;
	v32 =	vmul.f32 v22, v22;
	v23 =	vadd.f32 v30, v46  }
0x251: {  	v33 =	vld [tilespmem:s2+$0x2170];
	v53 =	vadd.f32 v22, v24  }
0x252: {  	v55 =	vld [tilespmem:s2+$0x9D00];
	v31 =	vadd.f32 v32, v31;
	v54 =	vmul.f32 v23, v23;
	v24 =	vadd.f32 v49, v48  }
0x253: {  	v34 =	vld [tilespmem:s2+$0x2500];
	v30 =	vadd.f32 v23, v53  }
0x254: {  	v57 =	vld [tilespmem:s2+$0x9D10];
	v25 =	vadd.f32 v51, v50;
	v31 =	vadd.f32 v54, v31;
	v56 =	vmul.f32 v24, v24  }
0x255: {  	v35 =	vld [tilespmem:s2+$0x2510];
	v30 =	vadd.f32 v24, v30  }
0x256: {  	v59 =	vld [tilespmem:s2+$0x9D20];
	v58 =	vmul.f32 v25, v25;
	v26 =	vadd.f32 v33, v52;
	v31 =	vadd.f32 v56, v31  }
0x257: {  	v36 =	vld [tilespmem:s2+$0x2520];
	v30 =	vadd.f32 v25, v30  }
0x258: {  	v61 =	vld [tilespmem:s2+$0x9D30];
	v27 =	vadd.f32 v34, v55;
	v60 =	vmul.f32 v26, v26;
	v31 =	vadd.f32 v58, v31  }
0x259: {  	v37 =	vld [tilespmem:s2+$0x2530];
	v30 =	vadd.f32 v26, v30  }
0x25a: {  	v63 =	vld [tilespmem:s2+$0x9D40];
	v28 =	vadd.f32 v35, v57;
	v62 =	vmul.f32 v27, v27;
	v31 =	vadd.f32 v60, v31  }
0x25b: {  	v38 =	vld [tilespmem:s2+$0x2540];
	v30 =	vadd.f32 v27, v30  }
0x25c: {  	v39 =	vld [tilespmem:s2+$0x2550];
	v44 =	vmul.f32 v28, v28;
	v29 =	vadd.f32 v36, v59;
	v31 =	vadd.f32 v62, v31  }
0x25d: {  	v45 =	vld [tilespmem:s2+$0x9D50];
	v46 =	vadd.f32 v28, v30  }
0x25e: {  	v47 =	vmul.f32 v29, v29;
	v48 =	vld [tilespmem:s2+$0x9D60];
	v31 =	vadd.f32 v44, v31;
	v30 =	vadd.f32 v37, v61  }
0x25f: {  	v49 =	vld [tilespmem:s2+$0x2560];
	v36 =	vadd.f32 v29, v46  }
0x260: {  	v50 =	vld [tilespmem:s2+$0x9D70];
	v32 =	vadd.f32 v47, v31;
	v40 =	vmul.f32 v30, v30;
	v31 =	vadd.f32 v38, v63  }
0x261: {  	v51 =	vld [tilespmem:s2+$0x2570];
	v36 =	vadd.f32 v30, v36  }
0x262: {  	v42 =	vld [tilespmem:s2+$0x2900];
	v40 =	vadd.f32 v40, v32;
	v41 =	vmul.f32 v31, v31;
	v32 =	vadd.f32 v39, v45  }
0x263: {  	v52 =	vld [tilespmem:s2+$0xA100];
	v36 =	vadd.f32 v31, v36  }
0x264: {  	v43 =	vld [tilespmem:s2+$0x2910];
	v33 =	vadd.f32 v49, v48;
	v40 =	vadd.f32 v41, v40;
	v53 =	vmul.f32 v32, v32  }
0x265: {  	v54 =	vld [tilespmem:s2+$0xA110];
	v36 =	vadd.f32 v32, v36  }
0x266: {  	v34 =	vadd.f32 v51, v50;
	v56 =	vld [tilespmem:s2+$0xA120];
	v55 =	vmul.f32 v33, v33;
	v40 =	vadd.f32 v53, v40  }
0x267: {  	v44 =	vld [tilespmem:s2+$0x2920];
	v36 =	vadd.f32 v33, v36  }
0x268: {  	v57 =	vmul.f32 v34, v34;
	v35 =	vadd.f32 v42, v52;
	v58 =	vld [tilespmem:s2+$0xA130];
	v40 =	vadd.f32 v55, v40  }
0x269: {  	v45 =	vld [tilespmem:s2+$0x2930];
	v59 =	vadd.f32 v34, v36  }
0x26a: {  	v60 =	vmul.f32 v35, v35;
	v61 =	vld [tilespmem:s2+$0xA140];
	v40 =	vadd.f32 v57, v40;
	v36 =	vadd.f32 v43, v54  }
0x26b: {  	v46 =	vld [tilespmem:s2+$0x2940];
	v42 =	vadd.f32 v35, v59  }
0x26c: {  	v63 =	vld [tilespmem:s2+$0xA150];
	v37 =	vadd.f32 v44, v56;
	v40 =	vadd.f32 v60, v40;
	v62 =	vmul.f32 v36, v36  }
0x26d: {  	v47 =	vld [tilespmem:s2+$0x2950];
	v42 =	vadd.f32 v36, v42  }
0x26e: {  	v52 =	vld [tilespmem:s2+$0xA160];
	v51 =	vmul.f32 v37, v37;
	v38 =	vadd.f32 v45, v58;
	v40 =	vadd.f32 v62, v40  }
0x26f: {  	v53 =	vld [tilespmem:s2+$0x2960];
	v42 =	vadd.f32 v37, v42  }
0x270: {  	v48 =	vld [tilespmem:s2+$0x2970];
	v54 =	vmul.f32 v38, v38;
	v43 =	vadd.f32 v46, v61;
	v40 =	vadd.f32 v51, v40  }
0x271: {  	v55 =	vld [tilespmem:s2+$0xA170];
	v42 =	vadd.f32 v38, v42  }
0x272: {  	v49 =	vld [tilespmem:s2+$0x2D00];
	v44 =	vadd.f32 v47, v63;
	v56 =	vmul.f32 v43, v43;
	v40 =	vadd.f32 v54, v40  }
0x273: {  	v57 =	vld [tilespmem:s2+$0xA500];
	v42 =	vadd.f32 v43, v42  }
0x274: {  	v50 =	vld [tilespmem:s2+$0x2D10];
	v58 =	vmul.f32 v44, v44;
	v39 =	vadd.f32 v53, v52;
	v40 =	vadd.f32 v56, v40  }
0x275: {  	v59 =	vld [tilespmem:s2+$0xA510];
	v42 =	vadd.f32 v44, v42  }
0x276: {  	v61 =	vld [tilespmem:s2+$0xA520];
	v60 =	vmul.f32 v39, v39;
	v46 =	vadd.f32 v48, v55;
	v40 =	vadd.f32 v58, v40  }
0x277: {  	v51 =	vld [tilespmem:s2+$0x2D20];
	v42 =	vadd.f32 v39, v42  }
0x278: {  	v63 =	vld [tilespmem:s2+$0xA530];
	v62 =	vmul.f32 v46, v46;
	v47 =	vadd.f32 v49, v57;
	v40 =	vadd.f32 v60, v40  }
0x279: {  	v52 =	vld [tilespmem:s2+$0x2D30];
	v42 =	vadd.f32 v46, v42  }
0x27a: {  	v53 =	vld [tilespmem:s2+$0x2D40];
	v57 =	vmul.f32 v47, v47;
	v45 =	vadd.f32 v50, v59;
	v40 =	vadd.f32 v62, v40  }
0x27b: {  	v58 =	vld [tilespmem:s2+$0xA540];
	v42 =	vadd.f32 v47, v42  }
0x27c: {  	v54 =	vld [tilespmem:s2+$0x2D50];
	v59 =	vmul.f32 v45, v45;
	v48 =	vadd.f32 v51, v61;
	v40 =	vadd.f32 v57, v40  }
0x27d: {  	v51 =	vld [tilespmem:s2+$0xA550];
	v42 =	vadd.f32 v45, v42  }
0x27e: {  	v55 =	vld [tilespmem:s2+$0x2D60];
	v49 =	vadd.f32 v52, v63;
	v60 =	vmul.f32 v48, v48;
	v40 =	vadd.f32 v59, v40  }
0x27f: {  	v61 =	vld [tilespmem:s2+$0xA560];
	v42 =	vadd.f32 v48, v42  }
0x280: {  	v63 =	vld [tilespmem:s2+$0xA570];
	v62 =	vmul.f32 v49, v49;
	v50 =	vadd.f32 v53, v58;
	v40 =	vadd.f32 v60, v40  }
0x281: {  	v56 =	vld [tilespmem:s2+$0x2D70];
	v42 =	vadd.f32 v49, v42  }
0x282: {  	v41 =	vadd.f32 v54, v51;
	v54 =	vmul.f32 v50, v50;
	v40 =	vadd.f32 v62, v40  }
0x283: {  	v42 =	vadd.f32 v50, v42  }
0x284: {  	v57 =	vadd.f32 v55, v61;
	v58 =	vmul.f32 v41, v41;
	v40 =	vadd.f32 v54, v40  }
0x285: {  	v42 =	vadd.f32 v41, v42  }
0x286: {  	v59 =	vadd.f32 v56, v63;
	v60 =	vmul.f32 v57, v57;
	v40 =	vadd.f32 v58, v40  }
0x287: {  	v42 =	vadd.f32 v57, v42  }
0x288: {  	v61 =	vmul.f32 v59, v59;
	v40 =	vadd.f32 v60, v40  }
0x289: {  	v42 =	vadd.f32 v59, v42  }
0x28a: {  	v40 =	vadd.f32 v61, v40  }
0x28b: {  	(xrf2) =	vadd.scan.msk.f32 $0xffff, v42  }
0x28c: {  	(xrf2) =	vadd.scan.msk.f32 $0xffff, v40;
	_ =	sdelay $0x8  }
0x28d: {  	v62, _, _ =	vpop (xrf2)  }
0x28e: {  	[tilespmem:s2+$0x9100] =	vst v4;
	(v2sf) =	vpush v62, $0xF;
	v63, _, _ =	vpop (xrf2)  }
0x28f: {  	[tilespmem:s2+$0x9110] =	vst v3;
	(v2sf) =	vpush v63, $0xF  }
0x290: {  	[tilespmem:s2+$0x9120] =	vst v5  }
0x291: {  	[tilespmem:s2+$0x9130] =	vst v6  }
0x292: {  	[tilespmem:s2+$0x9140] =	vst v7  }
0x293: {  	[tilespmem:s2+$0x9150] =	vst v8  }
0x294: {  	[tilespmem:s2+$0x9160] =	vst v9  }
0x295: {  	[tilespmem:s2+$0x9500] =	vst v11  }
0x296: {  	[tilespmem:s2+$0x9510] =	vst v12  }
0x297: {  	[tilespmem:s2+$0x9540] =	vst v15  }
0x298: {  	[tilespmem:s2+$0x9550] =	vst v16  }
0x299: {  	[tilespmem:s2+$0x9170] =	vst v10  }
0x29a: {  	[tilespmem:s2+$0x9520] =	vst v13  }
0x29b: {  	[tilespmem:s2+$0x9530] =	vst v14  }
0x29c: {  	[tilespmem:s2+$0x9920] =	vst v21  }
0x29d: {  	[tilespmem:s2+$0x9900] =	vst v19;
	s7 =	spop (v2sf)  }
0x29e: {  	[tilespmem:s2+$0x9910] =	vst v20;
	s15 =	spop (v2sf);
	s18 =	smul.f32 $1.302083370e-03, s7  }
0x29f: {  	[tilespmem:s2+$0x9570] =	vst v18;
	s15 =	smul.f32 $1.302083370e-03, s15  }
0x2a0: {  	[tilespmem:s2+$0x9960] =	vst v25;
	s7 =	smul.f32 s18, s18  }
0x2a1: {  	[tilespmem:s2+$0x9560] =	vst v17  }
0x2a2: {  	[tilespmem:s2+$0x9970] =	vst v26;
	s7 =	ssub.f32 s15, s7  }
0x2a3: {  	[tilespmem:s2+$0x9D00] =	vst v27  }
0x2a4: {  	[tilespmem:s2+$0x9D70] =	vst v34;
	s7 =	sadd.f32 $9.999999740e-06, s7  }
0x2a5: {  	[tilespmem:s2+$0x9D10] =	vst v28  }
0x2a6: {  	[tilespmem:s2+$0xA100] =	vst v35;
	v3 =	vmov s7  }
0x2a7: {  	[tilespmem:s2+$0x9930] =	vst v22;
	v19 =	vshra.s32 v3, $0x1;
	v3 =	vmul.f32 $5.000000000e-01, v3  }
0x2a8: {  	[tilespmem:s2+$0x9D20] =	vst v29;
	v4 =	vsub.s32 $0x5F3759DF, v19  }
0x2a9: {  	[tilespmem:s2+$0x9940] =	vst v23;
	v20 =	vmul.f32 v4, v3  }
0x2aa: {  	[tilespmem:s2+$0x9950] =	vst v24  }
0x2ab: {  	[tilespmem:s2+$0x9D60] =	vst v33;
	v5 =	vmul.f32 v4, v20  }
0x2ac: {  	[tilespmem:s2+$0x9D30] =	vst v30  }
0x2ad: {  	[tilespmem:s2+$0x9D40] =	vst v31;
	v5 =	vsub.f32 $1.500000000e+00, v5  }
0x2ae: {  	[tilespmem:s2+$0x9D50] =	vst v32  }
0x2af: {  	[tilespmem:s2+$0xA120] =	vst v37;
	v4 =	vmul.f32 v4, v5  }
0x2b0: {  	[tilespmem:s2+$0xA150] =	vst v44  }
0x2b1: {  	[tilespmem:s2+$0xA130] =	vst v38;
	v5 =	vmul.f32 v4, v3  }
0x2b2: {  	[tilespmem:s2+$0xA110] =	vst v36  }
0x2b3: {  	[tilespmem:s2+$0xA140] =	vst v43;
	v5 =	vmul.f32 v5, v4  }
0x2b4: {  	[tilespmem:s2+$0xA160] =	vst v39  }
0x2b5: {  	[tilespmem:s2+$0xA170] =	vst v46;
	v5 =	vsub.f32 $1.500000000e+00, v5  }
0x2b6: {  	[tilespmem:s2+$0xA500] =	vst v47  }
0x2b7: {  	[tilespmem:s2+$0xA530] =	vst v49;
	v5 =	vmul.f32 v5, v4  }
0x2b8: {  	[tilespmem:s2+$0xA510] =	vst v45  }
0x2b9: {  	[tilespmem:s2+$0xA520] =	vst v48;
	v3 =	vmul.f32 v5, v3  }
0x2ba: {  	v21 =	vld [tilespmem:s2+$0x9100];
	[tilespmem:s2+$0xA550] =	vst v41  }
0x2bb: {  	[tilespmem:s2+$0xA540] =	vst v50;
	v3 =	vmul.f32 v3, v5  }
0x2bc: {  	[tilespmem:s2+$0xA560] =	vst v57  }
0x2bd: {  	[tilespmem:s2+$0xA570] =	vst v59;
	v3 =	vsub.f32 $1.500000000e+00, v3  }
0x2be: {  	v7 =	vld [tilespmem:$0x10C00];
	v4 =	vmov s18  }
0x2bf: {  	v22 =	vsub.f32 v21, v4;
	v3 =	vmul.f32 v3, v5  }
0x2c0: {  	v23 =	vld [tilespmem:$0x10F00]  }
0x2c1: {  	v5 =	vmul.f32 v3, v22;
	_ =	sdelay $0x1  }
0x2c2: {  	v5 =	vmul.f32 v5, v7  }
0x2c3: {  	v24 =	vld [tilespmem:s2+$0x9110]  }
0x2c4: {  	v5 =	vadd.f32 v5, v23;
	_ =	sdelay $0x1  }
0x2c5: {  	[tilespmem:s2+$0x9100] =	vst v5  }
0x2c6: {  	v5 =	vld [tilespmem:$0x10C10]  }
0x2c7: {  	v25 =	vsub.f32 v24, v4  }
0x2c8: {  	v26 =	vld [tilespmem:$0x10F10]  }
0x2c9: {  	v6 =	vmul.f32 v3, v25;
	_ =	sdelay $0x1  }
0x2ca: {  	v5 =	vmul.f32 v6, v5  }
0x2cb: {  	v27 =	vld [tilespmem:s2+$0x9120]  }
0x2cc: {  	v5 =	vadd.f32 v5, v26;
	_ =	sdelay $0x1  }
0x2cd: {  	[tilespmem:s2+$0x9110] =	vst v5  }
0x2ce: {  	v5 =	vld [tilespmem:$0x10C20]  }
0x2cf: {  	v6 =	vsub.f32 v27, v4  }
0x2d0: {  	v28 =	vld [tilespmem:$0x10F20]  }
0x2d1: {  	v6 =	vmul.f32 v3, v6;
	_ =	sdelay $0x1  }
0x2d2: {  	v5 =	vmul.f32 v6, v5  }
0x2d3: {  	v29 =	vld [tilespmem:s2+$0x9130]  }
0x2d4: {  	v5 =	vadd.f32 v5, v28;
	_ =	sdelay $0x1  }
0x2d5: {  	[tilespmem:s2+$0x9120] =	vst v5  }
0x2d6: {  	v5 =	vld [tilespmem:$0x10C30]  }
0x2d7: {  	v6 =	vsub.f32 v29, v4  }
0x2d8: {  	v30 =	vld [tilespmem:$0x10F30]  }
0x2d9: {  	v6 =	vmul.f32 v3, v6;
	_ =	sdelay $0x1  }
0x2da: {  	v5 =	vmul.f32 v6, v5  }
0x2db: {  	v31 =	vld [tilespmem:s2+$0x9140]  }
0x2dc: {  	v5 =	vadd.f32 v5, v30;
	_ =	sdelay $0x1  }
0x2dd: {  	[tilespmem:s2+$0x9130] =	vst v5  }
0x2de: {  	v5 =	vld [tilespmem:$0x10C40]  }
0x2df: {  	v6 =	vsub.f32 v31, v4  }
0x2e0: {  	v32 =	vld [tilespmem:$0x10F40]  }
0x2e1: {  	v6 =	vmul.f32 v3, v6;
	_ =	sdelay $0x1  }
0x2e2: {  	v5 =	vmul.f32 v6, v5  }
0x2e3: {  	v33 =	vld [tilespmem:s2+$0x9150]  }
0x2e4: {  	v5 =	vadd.f32 v5, v32;
	_ =	sdelay $0x1  }
0x2e5: {  	[tilespmem:s2+$0x9140] =	vst v5  }
0x2e6: {  	v5 =	vld [tilespmem:$0x10C50]  }
0x2e7: {  	v6 =	vsub.f32 v33, v4  }
0x2e8: {  	v34 =	vld [tilespmem:$0x10F50]  }
0x2e9: {  	v6 =	vmul.f32 v3, v6;
	_ =	sdelay $0x1  }
0x2ea: {  	v5 =	vmul.f32 v6, v5  }
0x2eb: {  	v35 =	vld [tilespmem:s2+$0x9160]  }
0x2ec: {  	v5 =	vadd.f32 v5, v34;
	_ =	sdelay $0x1  }
0x2ed: {  	[tilespmem:s2+$0x9150] =	vst v5  }
0x2ee: {  	v5 =	vld [tilespmem:$0x10C60]  }
0x2ef: {  	v6 =	vsub.f32 v35, v4  }
0x2f0: {  	v36 =	vld [tilespmem:$0x10F60]  }
0x2f1: {  	v6 =	vmul.f32 v3, v6;
	_ =	sdelay $0x1  }
0x2f2: {  	v5 =	vmul.f32 v6, v5  }
0x2f3: {  	v37 =	vld [tilespmem:s2+$0x9170]  }
0x2f4: {  	v5 =	vadd.f32 v5, v36;
	_ =	sdelay $0x1  }
0x2f5: {  	[tilespmem:s2+$0x9160] =	vst v5  }
0x2f6: {  	v5 =	vld [tilespmem:$0x10C70]  }
0x2f7: {  	v6 =	vsub.f32 v37, v4  }
0x2f8: {  	v38 =	vld [tilespmem:$0x10F70]  }
0x2f9: {  	v6 =	vmul.f32 v6, v3;
	_ =	sdelay $0x1  }
0x2fa: {  	v5 =	vmul.f32 v6, v5  }
0x2fb: {  	v39 =	vld [tilespmem:s2+$0x9500]  }
0x2fc: {  	v5 =	vadd.f32 v5, v38;
	_ =	sdelay $0x1  }
0x2fd: {  	[tilespmem:s2+$0x9170] =	vst v5  }
0x2fe: {  	v5 =	vld [tilespmem:$0x10C80]  }
0x2ff: {  	v6 =	vsub.f32 v39, v4  }
0x300: {  	v40 =	vld [tilespmem:$0x10F80]  }
0x301: {  	v6 =	vmul.f32 v6, v3;
	_ =	sdelay $0x1  }
0x302: {  	v5 =	vmul.f32 v6, v5  }
0x303: {  	v41 =	vld [tilespmem:s2+$0x9510]  }
0x304: {  	v5 =	vadd.f32 v5, v40;
	_ =	sdelay $0x1  }
0x305: {  	[tilespmem:s2+$0x9500] =	vst v5  }
0x306: {  	v5 =	vld [tilespmem:$0x10C90]  }
0x307: {  	v6 =	vsub.f32 v41, v4  }
0x308: {  	v42 =	vld [tilespmem:$0x10F90]  }
0x309: {  	v6 =	vmul.f32 v6, v3;
	_ =	sdelay $0x1  }
0x30a: {  	v5 =	vmul.f32 v6, v5  }
0x30b: {  	v43 =	vld [tilespmem:s2+$0x9520]  }
0x30c: {  	v5 =	vadd.f32 v5, v42;
	_ =	sdelay $0x1  }
0x30d: {  	[tilespmem:s2+$0x9510] =	vst v5  }
0x30e: {  	v5 =	vld [tilespmem:$0x10CA0]  }
0x30f: {  	v6 =	vsub.f32 v43, v4  }
0x310: {  	v44 =	vld [tilespmem:$0x10FA0]  }
0x311: {  	v6 =	vmul.f32 v6, v3;
	_ =	sdelay $0x1  }
0x312: {  	v5 =	vmul.f32 v6, v5  }
0x313: {  	v45 =	vld [tilespmem:s2+$0x9530]  }
0x314: {  	v5 =	vadd.f32 v5, v44;
	_ =	sdelay $0x1  }
0x315: {  	[tilespmem:s2+$0x9520] =	vst v5  }
0x316: {  	v5 =	vld [tilespmem:$0x10CB0]  }
0x317: {  	v6 =	vsub.f32 v45, v4  }
0x318: {  	v46 =	vld [tilespmem:$0x10FB0]  }
0x319: {  	v6 =	vmul.f32 v6, v3;
	_ =	sdelay $0x1  }
0x31a: {  	v5 =	vmul.f32 v6, v5  }
0x31b: {  	v47 =	vld [tilespmem:s2+$0x9540]  }
0x31c: {  	v5 =	vadd.f32 v5, v46;
	_ =	sdelay $0x1  }
0x31d: {  	[tilespmem:s2+$0x9530] =	vst v5  }
0x31e: {  	v5 =	vld [tilespmem:$0x10CC0]  }
0x31f: {  	v6 =	vsub.f32 v47, v4  }
0x320: {  	v48 =	vld [tilespmem:$0x10FC0]  }
0x321: {  	v6 =	vmul.f32 v6, v3;
	_ =	sdelay $0x1  }
0x322: {  	v5 =	vmul.f32 v6, v5  }
0x323: {  	v49 =	vld [tilespmem:s2+$0x9550]  }
0x324: {  	v5 =	vadd.f32 v5, v48;
	_ =	sdelay $0x1  }
0x325: {  	[tilespmem:s2+$0x9540] =	vst v5  }
0x326: {  	v5 =	vld [tilespmem:$0x10CD0]  }
0x327: {  	v6 =	vsub.f32 v49, v4  }
0x328: {  	v50 =	vld [tilespmem:$0x10FD0]  }
0x329: {  	v6 =	vmul.f32 v6, v3;
	_ =	sdelay $0x1  }
0x32a: {  	v5 =	vmul.f32 v6, v5  }
0x32b: {  	v51 =	vld [tilespmem:s2+$0x9560]  }
0x32c: {  	v5 =	vadd.f32 v5, v50;
	_ =	sdelay $0x1  }
0x32d: {  	[tilespmem:s2+$0x9550] =	vst v5  }
0x32e: {  	v5 =	vld [tilespmem:$0x10CE0]  }
0x32f: {  	v6 =	vsub.f32 v51, v4  }
0x330: {  	v52 =	vld [tilespmem:$0x10FE0]  }
0x331: {  	v6 =	vmul.f32 v6, v3;
	_ =	sdelay $0x1  }
0x332: {  	v5 =	vmul.f32 v6, v5  }
0x333: {  	v53 =	vld [tilespmem:s2+$0x9570]  }
0x334: {  	v5 =	vadd.f32 v5, v52;
	_ =	sdelay $0x1  }
0x335: {  	[tilespmem:s2+$0x9560] =	vst v5  }
0x336: {  	v5 =	vld [tilespmem:$0x10CF0]  }
0x337: {  	v6 =	vsub.f32 v53, v4  }
0x338: {  	v54 =	vld [tilespmem:$0x10FF0]  }
0x339: {  	v6 =	vmul.f32 v6, v3;
	_ =	sdelay $0x1  }
0x33a: {  	v5 =	vmul.f32 v6, v5  }
0x33b: {  	v55 =	vld [tilespmem:s2+$0x9900]  }
0x33c: {  	v5 =	vadd.f32 v5, v54;
	_ =	sdelay $0x1  }
0x33d: {  	[tilespmem:s2+$0x9570] =	vst v5  }
0x33e: {  	v5 =	vld [tilespmem:$0x10D00]  }
0x33f: {  	v6 =	vsub.f32 v55, v4  }
0x340: {  	v56 =	vld [tilespmem:$0x11000]  }
0x341: {  	v6 =	vmul.f32 v6, v3;
	_ =	sdelay $0x1  }
0x342: {  	v5 =	vmul.f32 v6, v5  }
0x343: {  	v57 =	vld [tilespmem:s2+$0x9910]  }
0x344: {  	v5 =	vadd.f32 v5, v56;
	_ =	sdelay $0x1  }
0x345: {  	[tilespmem:s2+$0x9900] =	vst v5  }
0x346: {  	v5 =	vld [tilespmem:$0x10D10]  }
0x347: {  	v6 =	vsub.f32 v57, v4  }
0x348: {  	v58 =	vld [tilespmem:$0x11010]  }
0x349: {  	v6 =	vmul.f32 v6, v3;
	_ =	sdelay $0x1  }
0x34a: {  	v5 =	vmul.f32 v6, v5  }
0x34b: {  	v59 =	vld [tilespmem:s2+$0x9920]  }
0x34c: {  	v5 =	vadd.f32 v5, v58;
	_ =	sdelay $0x1  }
0x34d: {  	[tilespmem:s2+$0x9910] =	vst v5  }
0x34e: {  	v5 =	vld [tilespmem:$0x10D20]  }
0x34f: {  	v6 =	vsub.f32 v59, v4  }
0x350: {  	v60 =	vld [tilespmem:$0x11020]  }
0x351: {  	v6 =	vmul.f32 v6, v3;
	_ =	sdelay $0x1  }
0x352: {  	v5 =	vmul.f32 v6, v5  }
0x353: {  	v61 =	vld [tilespmem:s2+$0x9930]  }
0x354: {  	v5 =	vadd.f32 v5, v60;
	_ =	sdelay $0x1  }
0x355: {  	[tilespmem:s2+$0x9920] =	vst v5  }
0x356: {  	v5 =	vld [tilespmem:$0x10D30]  }
0x357: {  	v6 =	vsub.f32 v61, v4  }
0x358: {  	v62 =	vld [tilespmem:$0x11030]  }
0x359: {  	v6 =	vmul.f32 v6, v3;
	_ =	sdelay $0x1  }
0x35a: {  	v5 =	vmul.f32 v6, v5  }
0x35b: {  	v63 =	vld [tilespmem:s2+$0x9940]  }
0x35c: {  	v5 =	vadd.f32 v5, v62;
	_ =	sdelay $0x1  }
0x35d: {  	[tilespmem:s2+$0x9930] =	vst v5  }
0x35e: {  	v5 =	vld [tilespmem:$0x10D40]  }
0x35f: {  	v6 =	vsub.f32 v63, v4  }
0x360: {  	v9 =	vld [tilespmem:$0x11040]  }
0x361: {  	v6 =	vmul.f32 v6, v3;
	_ =	sdelay $0x1  }
0x362: {  	v5 =	vmul.f32 v6, v5  }
0x363: {  	v10 =	vld [tilespmem:s2+$0x9950]  }
0x364: {  	v5 =	vadd.f32 v5, v9;
	_ =	sdelay $0x1  }
0x365: {  	[tilespmem:s2+$0x9940] =	vst v5  }
0x366: {  	v5 =	vld [tilespmem:$0x10D50]  }
0x367: {  	v6 =	vsub.f32 v10, v4  }
0x368: {  	v11 =	vld [tilespmem:$0x11050]  }
0x369: {  	v6 =	vmul.f32 v6, v3;
	_ =	sdelay $0x1  }
0x36a: {  	v5 =	vmul.f32 v6, v5  }
0x36b: {  	v12 =	vld [tilespmem:s2+$0x9960]  }
0x36c: {  	v5 =	vadd.f32 v5, v11;
	_ =	sdelay $0x1  }
0x36d: {  	[tilespmem:s2+$0x9950] =	vst v5  }
0x36e: {  	v5 =	vld [tilespmem:$0x10D60]  }
0x36f: {  	v6 =	vsub.f32 v12, v4  }
0x370: {  	v13 =	vld [tilespmem:$0x11060]  }
0x371: {  	v6 =	vmul.f32 v6, v3;
	_ =	sdelay $0x1  }
0x372: {  	v5 =	vmul.f32 v6, v5  }
0x373: {  	v14 =	vld [tilespmem:s2+$0x9970]  }
0x374: {  	v5 =	vadd.f32 v5, v13;
	_ =	sdelay $0x1  }
0x375: {  	[tilespmem:s2+$0x9960] =	vst v5  }
0x376: {  	v5 =	vld [tilespmem:$0x10D70]  }
0x377: {  	v6 =	vsub.f32 v14, v4  }
0x378: {  	v15 =	vld [tilespmem:$0x11070]  }
0x379: {  	v6 =	vmul.f32 v6, v3;
	_ =	sdelay $0x1  }
0x37a: {  	v5 =	vmul.f32 v6, v5  }
0x37b: {  	v16 =	vld [tilespmem:s2+$0x9D00]  }
0x37c: {  	v5 =	vadd.f32 v5, v15;
	_ =	sdelay $0x1  }
0x37d: {  	[tilespmem:s2+$0x9970] =	vst v5  }
0x37e: {  	v5 =	vld [tilespmem:$0x10D80]  }
0x37f: {  	v6 =	vsub.f32 v16, v4  }
0x380: {  	v17 =	vld [tilespmem:$0x11080]  }
0x381: {  	v6 =	vmul.f32 v6, v3;
	_ =	sdelay $0x1  }
0x382: {  	v5 =	vmul.f32 v6, v5  }
0x383: {  	v18 =	vld [tilespmem:s2+$0x9D10]  }
0x384: {  	v5 =	vadd.f32 v5, v17;
	_ =	sdelay $0x1  }
0x385: {  	[tilespmem:s2+$0x9D00] =	vst v5  }
0x386: {  	v5 =	vld [tilespmem:$0x10D90]  }
0x387: {  	v6 =	vsub.f32 v18, v4  }
0x388: {  	v19 =	vld [tilespmem:$0x11090]  }
0x389: {  	v6 =	vmul.f32 v6, v3;
	_ =	sdelay $0x1  }
0x38a: {  	v5 =	vmul.f32 v6, v5  }
0x38b: {  	v20 =	vld [tilespmem:s2+$0x9D20]  }
0x38c: {  	v5 =	vadd.f32 v5, v19;
	_ =	sdelay $0x1  }
0x38d: {  	[tilespmem:s2+$0x9D10] =	vst v5  }
0x38e: {  	v5 =	vld [tilespmem:$0x10DA0]  }
0x38f: {  	v6 =	vsub.f32 v20, v4  }
0x390: {  	v21 =	vld [tilespmem:$0x110A0]  }
0x391: {  	v6 =	vmul.f32 v6, v3;
	_ =	sdelay $0x1  }
0x392: {  	v5 =	vmul.f32 v6, v5  }
0x393: {  	v22 =	vld [tilespmem:s2+$0x9D30]  }
0x394: {  	v5 =	vadd.f32 v5, v21;
	_ =	sdelay $0x1  }
0x395: {  	[tilespmem:s2+$0x9D20] =	vst v5  }
0x396: {  	v5 =	vld [tilespmem:$0x10DB0]  }
0x397: {  	v6 =	vsub.f32 v22, v4  }
0x398: {  	v23 =	vld [tilespmem:$0x110B0]  }
0x399: {  	v6 =	vmul.f32 v6, v3;
	_ =	sdelay $0x1  }
0x39a: {  	v5 =	vmul.f32 v6, v5  }
0x39b: {  	v24 =	vld [tilespmem:s2+$0x9D40]  }
0x39c: {  	v5 =	vadd.f32 v5, v23;
	_ =	sdelay $0x1  }
0x39d: {  	[tilespmem:s2+$0x9D30] =	vst v5  }
0x39e: {  	v5 =	vld [tilespmem:$0x10DC0]  }
0x39f: {  	v6 =	vsub.f32 v24, v4  }
0x3a0: {  	v25 =	vld [tilespmem:$0x110C0]  }
0x3a1: {  	v6 =	vmul.f32 v6, v3;
	_ =	sdelay $0x1  }
0x3a2: {  	v5 =	vmul.f32 v6, v5  }
0x3a3: {  	v26 =	vld [tilespmem:s2+$0x9D50]  }
0x3a4: {  	v5 =	vadd.f32 v5, v25;
	_ =	sdelay $0x1  }
0x3a5: {  	[tilespmem:s2+$0x9D40] =	vst v5  }
0x3a6: {  	v5 =	vld [tilespmem:$0x10DD0]  }
0x3a7: {  	v6 =	vsub.f32 v26, v4  }
0x3a8: {  	v27 =	vld [tilespmem:$0x110D0]  }
0x3a9: {  	v6 =	vmul.f32 v6, v3;
	_ =	sdelay $0x1  }
0x3aa: {  	v5 =	vmul.f32 v6, v5  }
0x3ab: {  	v28 =	vld [tilespmem:s2+$0x9D60]  }
0x3ac: {  	v5 =	vadd.f32 v5, v27;
	_ =	sdelay $0x1  }
0x3ad: {  	[tilespmem:s2+$0x9D50] =	vst v5  }
0x3ae: {  	v5 =	vld [tilespmem:$0x10DE0]  }
0x3af: {  	v6 =	vsub.f32 v28, v4  }
0x3b0: {  	v29 =	vld [tilespmem:$0x110E0]  }
0x3b1: {  	v6 =	vmul.f32 v6, v3;
	_ =	sdelay $0x1  }
0x3b2: {  	v5 =	vmul.f32 v6, v5  }
0x3b3: {  	v30 =	vld [tilespmem:s2+$0x9D70]  }
0x3b4: {  	v5 =	vadd.f32 v5, v29;
	_ =	sdelay $0x1  }
0x3b5: {  	[tilespmem:s2+$0x9D60] =	vst v5  }
0x3b6: {  	v5 =	vld [tilespmem:$0x10DF0]  }
0x3b7: {  	v6 =	vsub.f32 v30, v4  }
0x3b8: {  	v31 =	vld [tilespmem:$0x110F0]  }
0x3b9: {  	v6 =	vmul.f32 v6, v3;
	_ =	sdelay $0x1  }
0x3ba: {  	v5 =	vmul.f32 v6, v5  }
0x3bb: {  	v32 =	vld [tilespmem:s2+$0xA100]  }
0x3bc: {  	v5 =	vadd.f32 v5, v31;
	_ =	sdelay $0x1  }
0x3bd: {  	[tilespmem:s2+$0x9D70] =	vst v5  }
0x3be: {  	v5 =	vld [tilespmem:$0x10E00]  }
0x3bf: {  	v6 =	vsub.f32 v32, v4  }
0x3c0: {  	v33 =	vld [tilespmem:$0x11100]  }
0x3c1: {  	v6 =	vmul.f32 v6, v3;
	_ =	sdelay $0x1  }
0x3c2: {  	v5 =	vmul.f32 v6, v5  }
0x3c3: {  	v34 =	vld [tilespmem:s2+$0xA110]  }
0x3c4: {  	v5 =	vadd.f32 v5, v33;
	_ =	sdelay $0x1  }
0x3c5: {  	[tilespmem:s2+$0xA100] =	vst v5  }
0x3c6: {  	v5 =	vld [tilespmem:$0x10E10]  }
0x3c7: {  	v6 =	vsub.f32 v34, v4  }
0x3c8: {  	v35 =	vld [tilespmem:$0x11110]  }
0x3c9: {  	v6 =	vmul.f32 v6, v3;
	_ =	sdelay $0x1  }
0x3ca: {  	v5 =	vmul.f32 v6, v5  }
0x3cb: {  	v36 =	vld [tilespmem:s2+$0xA120]  }
0x3cc: {  	v5 =	vadd.f32 v5, v35;
	_ =	sdelay $0x1  }
0x3cd: {  	[tilespmem:s2+$0xA110] =	vst v5  }
0x3ce: {  	v5 =	vld [tilespmem:$0x10E20]  }
0x3cf: {  	v6 =	vsub.f32 v36, v4  }
0x3d0: {  	v37 =	vld [tilespmem:$0x11120]  }
0x3d1: {  	v6 =	vmul.f32 v6, v3;
	_ =	sdelay $0x1  }
0x3d2: {  	v5 =	vmul.f32 v6, v5  }
0x3d3: {  	v38 =	vld [tilespmem:s2+$0xA130]  }
0x3d4: {  	v5 =	vadd.f32 v5, v37;
	_ =	sdelay $0x1  }
0x3d5: {  	[tilespmem:s2+$0xA120] =	vst v5  }
0x3d6: {  	v5 =	vld [tilespmem:$0x10E30]  }
0x3d7: {  	v6 =	vsub.f32 v38, v4  }
0x3d8: {  	v39 =	vld [tilespmem:$0x11130]  }
0x3d9: {  	v6 =	vmul.f32 v6, v3;
	_ =	sdelay $0x1  }
0x3da: {  	v5 =	vmul.f32 v6, v5  }
0x3db: {  	v40 =	vld [tilespmem:s2+$0xA140]  }
0x3dc: {  	v5 =	vadd.f32 v5, v39;
	_ =	sdelay $0x1  }
0x3dd: {  	[tilespmem:s2+$0xA130] =	vst v5  }
0x3de: {  	v5 =	vld [tilespmem:$0x10E40]  }
0x3df: {  	v6 =	vsub.f32 v40, v4  }
0x3e0: {  	v41 =	vld [tilespmem:$0x11140]  }
0x3e1: {  	v6 =	vmul.f32 v6, v3;
	_ =	sdelay $0x1  }
0x3e2: {  	v5 =	vmul.f32 v6, v5  }
0x3e3: {  	v42 =	vld [tilespmem:s2+$0xA150]  }
0x3e4: {  	v5 =	vadd.f32 v5, v41;
	_ =	sdelay $0x1  }
0x3e5: {  	[tilespmem:s2+$0xA140] =	vst v5  }
0x3e6: {  	v5 =	vld [tilespmem:$0x10E50]  }
0x3e7: {  	v6 =	vsub.f32 v42, v4  }
0x3e8: {  	v43 =	vld [tilespmem:$0x11150]  }
0x3e9: {  	v6 =	vmul.f32 v6, v3;
	_ =	sdelay $0x1  }
0x3ea: {  	v5 =	vmul.f32 v6, v5  }
0x3eb: {  	v44 =	vld [tilespmem:s2+$0xA160]  }
0x3ec: {  	v5 =	vadd.f32 v5, v43;
	_ =	sdelay $0x1  }
0x3ed: {  	[tilespmem:s2+$0xA150] =	vst v5  }
0x3ee: {  	v5 =	vld [tilespmem:$0x10E60]  }
0x3ef: {  	v6 =	vsub.f32 v44, v4  }
0x3f0: {  	v45 =	vld [tilespmem:$0x11160]  }
0x3f1: {  	v6 =	vmul.f32 v6, v3;
	_ =	sdelay $0x1  }
0x3f2: {  	v5 =	vmul.f32 v6, v5  }
0x3f3: {  	v46 =	vld [tilespmem:s2+$0xA170]  }
0x3f4: {  	v5 =	vadd.f32 v5, v45;
	_ =	sdelay $0x1  }
0x3f5: {  	[tilespmem:s2+$0xA160] =	vst v5  }
0x3f6: {  	v5 =	vld [tilespmem:$0x10E70]  }
0x3f7: {  	v6 =	vsub.f32 v46, v4  }
0x3f8: {  	v47 =	vld [tilespmem:$0x11170]  }
0x3f9: {  	v6 =	vmul.f32 v6, v3;
	_ =	sdelay $0x1  }
0x3fa: {  	v5 =	vmul.f32 v6, v5  }
0x3fb: {  	v48 =	vld [tilespmem:s2+$0xA500]  }
0x3fc: {  	v5 =	vadd.f32 v5, v47;
	_ =	sdelay $0x1  }
0x3fd: {  	[tilespmem:s2+$0xA170] =	vst v5  }
0x3fe: {  	v5 =	vld [tilespmem:$0x10E80]  }
0x3ff: {  	v6 =	vsub.f32 v48, v4  }
0x400: {  	v49 =	vld [tilespmem:$0x11180]  }
0x401: {  	v6 =	vmul.f32 v6, v3;
	_ =	sdelay $0x1  }
0x402: {  	v5 =	vmul.f32 v6, v5  }
0x403: {  	v50 =	vld [tilespmem:s2+$0xA510]  }
0x404: {  	v5 =	vadd.f32 v5, v49;
	_ =	sdelay $0x1  }
0x405: {  	[tilespmem:s2+$0xA500] =	vst v5  }
0x406: {  	v5 =	vld [tilespmem:$0x10E90]  }
0x407: {  	v6 =	vsub.f32 v50, v4  }
0x408: {  	v51 =	vld [tilespmem:$0x11190]  }
0x409: {  	v6 =	vmul.f32 v6, v3;
	_ =	sdelay $0x1  }
0x40a: {  	v5 =	vmul.f32 v6, v5  }
0x40b: {  	v52 =	vld [tilespmem:s2+$0xA520]  }
0x40c: {  	v5 =	vadd.f32 v5, v51;
	_ =	sdelay $0x1  }
0x40d: {  	[tilespmem:s2+$0xA510] =	vst v5  }
0x40e: {  	v5 =	vld [tilespmem:$0x10EA0]  }
0x40f: {  	v6 =	vsub.f32 v52, v4  }
0x410: {  	v53 =	vld [tilespmem:$0x111A0]  }
0x411: {  	v6 =	vmul.f32 v6, v3;
	_ =	sdelay $0x1  }
0x412: {  	v5 =	vmul.f32 v6, v5  }
0x413: {  	v54 =	vld [tilespmem:s2+$0xA530]  }
0x414: {  	v5 =	vadd.f32 v5, v53;
	_ =	sdelay $0x1  }
0x415: {  	[tilespmem:s2+$0xA520] =	vst v5  }
0x416: {  	v5 =	vld [tilespmem:$0x10EB0]  }
0x417: {  	v6 =	vsub.f32 v54, v4  }
0x418: {  	v55 =	vld [tilespmem:$0x111B0]  }
0x419: {  	v6 =	vmul.f32 v6, v3;
	_ =	sdelay $0x1  }
0x41a: {  	v5 =	vmul.f32 v6, v5  }
0x41b: {  	v56 =	vld [tilespmem:s2+$0xA540]  }
0x41c: {  	v5 =	vadd.f32 v5, v55;
	_ =	sdelay $0x1  }
0x41d: {  	[tilespmem:s2+$0xA530] =	vst v5  }
0x41e: {  	v5 =	vld [tilespmem:$0x10EC0]  }
0x41f: {  	v6 =	vsub.f32 v56, v4  }
0x420: {  	v57 =	vld [tilespmem:$0x111C0]  }
0x421: {  	v6 =	vmul.f32 v6, v3;
	_ =	sdelay $0x1  }
0x422: {  	v5 =	vmul.f32 v6, v5  }
0x423: {  	v58 =	vld [tilespmem:s2+$0xA550]  }
0x424: {  	v5 =	vadd.f32 v5, v57;
	_ =	sdelay $0x1  }
0x425: {  	[tilespmem:s2+$0xA540] =	vst v5  }
0x426: {  	v5 =	vld [tilespmem:$0x10ED0]  }
0x427: {  	v6 =	vsub.f32 v58, v4  }
0x428: {  	v59 =	vld [tilespmem:$0x111D0]  }
0x429: {  	v6 =	vmul.f32 v6, v3;
	_ =	sdelay $0x1  }
0x42a: {  	v5 =	vmul.f32 v6, v5  }
0x42b: {  	v60 =	vld [tilespmem:s2+$0xA560]  }
0x42c: {  	v5 =	vadd.f32 v5, v59;
	_ =	sdelay $0x1  }
0x42d: {  	[tilespmem:s2+$0xA550] =	vst v5  }
0x42e: {  	v5 =	vld [tilespmem:$0x10EE0]  }
0x42f: {  	v6 =	vsub.f32 v60, v4  }
0x430: {  	v61 =	vld [tilespmem:$0x111E0]  }
0x431: {  	v6 =	vmul.f32 v6, v3;
	_ =	sdelay $0x1  }
0x432: {  	v5 =	vmul.f32 v6, v5  }
0x433: {  	v62 =	vld [tilespmem:s2+$0xA570]  }
0x434: {  	v5 =	vadd.f32 v5, v61;
	_ =	sdelay $0x1  }
0x435: {  	[tilespmem:s2+$0xA560] =	vst v5  }
0x436: {  	v5 =	vld [tilespmem:$0x10EF0]  }
0x437: {  	v4 =	vsub.f32 v62, v4  }
0x438: {  	v63 =	vld [tilespmem:$0x111F0]  }
0x439: {  	v3 =	vmul.f32 v4, v3  }
0x43a: {  	p0 =	sne.s32 s6, $0x27  }
.Ltmp1:
0x43b: {  	v3 =	vmul.f32 v3, v5;
	(pc) =	sbr.rel @p0 .LBB2_6-.Ltmp1, $3  }
0x43c: {  	_ = 	snop  }
0x43d: {  	v3 =	vadd.f32 v3, v63;
	_ =	sdelay $0x1  }
0x43e: {  	s13 =	sadd.s32 $0x80, s13;
	s6 =	sadd.s32 $0x1, s6;
	[tilespmem:s2+$0xA570] =	vst v3  }
0x43f: {  	s2 =	sadd.s32 s9, s10  }
0x440: {  	s2 =	sshrl.u32 s2, $0x3  }
0x441: {  	s17 =	sadd.s32 $0x1, s17;
	s2 =	smul.u32 $0x300, s2  }
0x442: {  	s6 =	rddreg [dreg:$0x6];
	p0 =	sne.s32 s17, $0x20  }
.Ltmp2:
0x443: {  	s2 =	sadd.s32 s6, s2;
	(pc) =	sbr.rel @p0 .LBB2_5-.Ltmp2, $4  }
0x444: {  	[hbm4b:s2+s8] =	stream.linear.scatter [tilespmem:s19], [sflag:$0x2], $0x7800, $0x38;
	[tilespmem:$0x11200] =	vst v63  }
0x445: {  	_ =	swait.ge [sflag:s14], $0x7800  }
0x446: {  	[sflag:s14] =	ssyncset.done $0x0  }
0x447: {  	[sflag:s14] =	ssyncadd.s32 $0xFFFF8800  }
0x448: {  	s2 =	rddreg [dreg:$0xb]  }
0x449: {  	s2 =	sadd.s32 $0x1, s2  }
0x44a: {  	p0 =	sne.s32 s2, $0x5  }
.Ltmp3:
0x44b: {  	_ = 	snop;
	(pc) =	sbr.rel @p0 .LBB2_2-.Ltmp3, $1  }
0x44c: {  	_ =	sdelay $0x3  }
0x44d: {  	s6 =	rddreg [dreg:$0xa]  }
0x44e: {  	s2 =	rddreg [dreg:$0x9];
	s6 =	sadd.s32 $0x1, s6  }
0x44f: {  	p0 =	sne.s32 s6, s2  }
.Ltmp4:
0x450: {  	_ = 	snop;
	(pc) =	sbr.rel @p0 .LBB2_1-.Ltmp4, $1  }
0x451: {  	_ =	sdelay $0x3  }
0x452: {  	_ =	sfence.sel $0x180000  }
0x453: {  	[bflag:$0x0] =	sbarrier.arrive $0xFFFF  }
0x454: {  	_ =	strace $0x90000047  }
0x455: {  	s0 =	stileid.u32;
	[bflag:$0x2] =	sbarrier.arrive $0xFFFF  }
0x456: {  	p0 =	sne.s32 s0, $0x0;
	s0 =	rddreg [dreg:$0x7]  }
0x457: {  	s0 =	sadd.s32 @!p0 $0x100000, s0  }
0x458: {  	[sflag:s0] =	ssyncadd.tile.s32 @!p0 $0x1;
	_ =	shalt  }
.Lfunc_end2:
_tile_overlayer_lowered:
.L_overlay_start_2:
0x459: {  	(tag) =	ssettag $0x2  }
0x45a: {  	s0 =	rddreg [dreg:$0x0];
	s2 =	stileid.u32  }
0x45b: {  	s1 =	rddreg [dreg:$0x1];
	p0 =	sne.s32 s2, $0x0  }
0x45c: {  	s3 =	rddreg [dreg:$0x2];
	[bflag:$0x3] =	sbarrier.arrive $0xFFFF;
	s2 =	simm.s32 @!p0 $0x1C02  }
0x45d: {  	[timem:s3], [sflag:s2] =	dma.local @!p0 [hbm:s0], s1  }
0x45e: {  	s0 =	simm.s32 @!p0 $0x2  }
0x45f: {  	_ =	swait.ge @!p0 [sflag:s0], s1  }
0x460: {  	s1 =	ssub.s32 @!p0 $0x0, s1;
	[sflag:s0] =	ssyncset.done @!p0 $0x0  }
0x461: {  	[sflag:s0] =	ssyncadd.s32 @!p0 s1  }
0x462: {  	[bflag:$0x3] =	sbarrier.arrive $0xFFFF  }
0x463: {  	_ =	shalt  }

</sc_bundles>
